<compile_context>
chip_gen: v7x
topology: tpu7x:2x2x1
jax: 0.10.2.dev20260603
libtpu: 0.0.44.dev20260713+nightly
codegen_flags: <defaults>
</compile_context>

<pallas_src>
import jax
import jax.numpy as jnp
from jax import lax
from jax.experimental import pallas as pl
from jax.experimental.pallas import tpu as pltpu
from jax.experimental.pallas import tpu_sc as plsc

N = 4096
NC = 2
NS = 16
NW = NC * NS
ROWS_PER_W = N // NW
C = 8
NCHUNK = ROWS_PER_W // C
L = 16


def _body(x_hbm, eps_hbm, out_hbm, buf0, buf1, buf2, epsv, xrow,
          sem0, sem1, sem2, esem, xsem):
    wid = lax.axis_index("s") * NC + lax.axis_index("c")
    base = wid * ROWS_PER_W

    src_off = jnp.where(wid == 0, 0, base - C)
    dst_off = jnp.where(wid == 0, C, 0)
    eps_cp = pltpu.make_async_copy(
        eps_hbm.at[pl.ds(src_off, ROWS_PER_W + L - C)],
        epsv.at[pl.ds(dst_off, ROWS_PER_W + L - C)],
        esem,
    )
    eps_cp.start()

    x_cp = pltpu.make_async_copy(x_hbm, xrow, xsem)

    @pl.when(wid == 0)
    def _():
        x_cp.start()

    zeros = jnp.zeros((L,), jnp.float32)

    def _zero_buf(buf):
        for j in range(C):
            def trip(i, _):
                b0 = i * (8 * L)
                for u in range(8):
                    buf[j, pl.ds(b0 + u * L, L)] = zeros
                return 0
            lax.fori_loop(0, N // (8 * L), trip, 0)

    bufs = (buf0, buf1, buf2)
    sems = (sem0, sem1, sem2)
    NB = len(bufs)
    pending = [None, None, None]
    need_clear = [False, False, False]

    lane = lax.iota(jnp.int32, L)
    lane_ok = (lane >= C - 1) & (lane < L - 1)

    def diag_pos(k):
        col = base - C + 8 * k + lane
        m = lane_ok & (col >= 0)
        return m, jnp.where(m, lane - (C - 1), 0), jnp.where(m, col, 0)

    def run_chunk(k):
        b = k % NB
        if pending[b] is not None:
            pending[b].wait()
            pending[b] = None
        if need_clear[b]:
            om, orow, ocol = diag_pos(k - NB)
            plsc.store_scatter(bufs[b], [orow, ocol], zeros, mask=om)
        m, row, col = diag_pos(k)
        ev = epsv[pl.ds(8 * k, L)]
        plsc.store_scatter(bufs[b], [row, col], ev, mask=m)
        pending[b] = pltpu.async_copy(
            bufs[b],
            out_hbm.at[pl.ds(base + 8 * k, C)],
            sems[b],
        )
        need_clear[b] = True

    _zero_buf(buf0)
    eps_cp.wait()
    run_chunk(0)
    _zero_buf(buf1)
    run_chunk(1)
    _zero_buf(buf2)
    run_chunk(2)

    @pl.when(wid == NW - 1)
    def _():
        def ztrip(i, _):
            b0 = i * (8 * L)
            for u in range(8):
                xrow[0, pl.ds(b0 + u * L, L)] = zeros
            return 0
        lax.fori_loop(0, N // (8 * L), ztrip, 0)
        one = lane == C - 1
        ev = epsv[pl.ds(8 * NCHUNK, L)]
        plsc.store_scatter(xrow, [jnp.zeros((L,), jnp.int32),
                                  jnp.where(one, N - 1, 0)], ev, mask=one)
        pltpu.make_async_copy(xrow, out_hbm.at[pl.ds(N, 1)], xsem).start()

    run_chunk(3)

    @pl.when(wid == 0)
    def _():
        x_cp.wait()
        pltpu.make_async_copy(xrow, out_hbm.at[pl.ds(0, 1)], xsem).start()

    for k in range(4, NCHUNK):
        run_chunk(k)
    for p in pending:
        if p is not None:
            p.wait()

    @pl.when(wid == 0)
    def _():
        pltpu.make_async_copy(xrow, out_hbm.at[pl.ds(0, 1)], xsem).wait()

    @pl.when(wid == NW - 1)
    def _():
        pltpu.make_async_copy(xrow, out_hbm.at[pl.ds(N, 1)], xsem).wait()


@jax.jit
def kernel(x, eps):
    mesh = plsc.VectorSubcoreMesh(core_axis_name="c", subcore_axis_name="s")
    run = pl.kernel(
        _body,
        out_type=jax.ShapeDtypeStruct((N + 1, N), jnp.float32),
        mesh=mesh,
        compiler_params=pltpu.CompilerParams(needs_layout_passes=False),
        scratch_types=[
            pltpu.VMEM((C, N), jnp.float32),
            pltpu.VMEM((C, N), jnp.float32),
            pltpu.VMEM((C, N), jnp.float32),
            pltpu.VMEM((ROWS_PER_W + L, ), jnp.float32),
            pltpu.VMEM((1, N), jnp.float32),
            pltpu.SemaphoreType.DMA,
            pltpu.SemaphoreType.DMA,
            pltpu.SemaphoreType.DMA,
            pltpu.SemaphoreType.DMA,
            pltpu.SemaphoreType.DMA,
        ],
    )
    return run(x, eps)

# --- scband reference (transcript-rebuilt; emitter-appended) ---
"""Pipeline reference for scband-to-z-20899310863241 (READ-ONLY COPY).

The authoritative reference and input builder live on the scoring server;
editing this copy changes nothing except your own understanding.
"""

import jax, jax.numpy as jnp
import numpy as np


def setup_inputs(seed: int = 0) -> dict:
    key = jax.random.key(seed)
    k1, k2 = jax.random.split(key)
    x = jax.random.normal(k1, (1, 4096), dtype=jnp.float32)
    eps = jax.random.uniform(k2, (4096,), dtype=jnp.float32) * 0.01
    return {"x": x, "eps": eps}


def reference(x, eps):
    # pad = prod of non-K dims (number of input nodes)
    K = x.shape[0]
    pad = int(np.prod(x.shape[1:]))
    # pad_K_dim: extend the leading K dimension by `pad` with zeros
    pad_widths = [(0, pad)] + [(0, 0)] * (x.ndim - 1)
    x_padded = jnp.pad(x, pad_widths, mode='constant', constant_values=0.0)
    # diagflat(eps).view([pad] + x.shape[1:]) -> per-node error generators
    vals = jnp.diagflat(eps).reshape((pad,) + tuple(x.shape[1:]))
    # extend_Z: scatter-overwrite the new K rows with the diagonal eps block
    out = x_padded.at[K:].set(vals)
    return out

if __name__ == "__main__":
    import jax
    _d = setup_inputs()
    print(jax.jit(kernel)(*tuple(_d.values())))

</pallas_src>

<mosaic_0001>
#map = affine_map<(d0, d1) -> (0, 0)>
#map1 = affine_map<(d0, d1) -> (0)>
module attributes {stable_mosaic.version = 14 : i64} {
  func.func @_body(%arg0: i32, %arg1: i32, %arg2: memref<1x4096xf32, #tpu.memory_space<hbm>>, %arg3: memref<4096xf32, #tpu.memory_space<hbm>>, %arg4: memref<4097x4096xf32, #tpu.memory_space<hbm>>, %arg5: memref<8x4096xf32, #tpu.memory_space<vmem>>, %arg6: memref<8x4096xf32, #tpu.memory_space<vmem>>, %arg7: memref<8x4096xf32, #tpu.memory_space<vmem>>, %arg8: memref<144xf32, #tpu.memory_space<vmem>>, %arg9: memref<1x4096xf32, #tpu.memory_space<vmem>>, %arg10: memref<!tpu.dma_semaphore, #tpu.memory_space<semaphore_mem>>, %arg11: memref<!tpu.dma_semaphore, #tpu.memory_space<semaphore_mem>>, %arg12: memref<!tpu.dma_semaphore, #tpu.memory_space<semaphore_mem>>, %arg13: memref<!tpu.dma_semaphore, #tpu.memory_space<semaphore_mem>>, %arg14: memref<!tpu.dma_semaphore, #tpu.memory_space<semaphore_mem>>) attributes {dimension_semantics = [#tpu.dimension_semantics<core_parallel>, #tpu.dimension_semantics<subcore_parallel>], iteration_bounds = array<i64: 2, 16>, scalar_prefetch = 0 : i64, scratch_operands = 10 : i64, tpu.core_type = #tpu.core_type<sc_vector_subcore>, window_params = [{transform_indices = #map}, {transform_indices = #map1}, {transform_indices = #map}]} {
    %mul3A = arith.constant 2 : i32
    %mul3A_0 = arith.muli %arg1, %mul3A : i32
    %add3A = arith.addi %mul3A_0, %arg0 : i32
    %mul3A_1 = arith.constant 128 : i32
    %mul3A_2 = arith.muli %add3A, %mul3A_1 : i32
    %eq3A = arith.constant 0 : i32
    %eq3A_3 = arith.cmpi eq, %add3A, %eq3A : i32
    %sub3A = arith.constant 8 : i32
    %sub3A_4 = arith.subi %mul3A_2, %sub3A : i32
    %jit3A = arith.constant 0 : i32
    %select_n3A = arith.select %eq3A_3, %jit3A, %sub3A_4 : i32
    %eq3A_5 = arith.constant 0 : i32
    %eq3A_6 = arith.cmpi eq, %add3A, %eq3A_5 : i32
    %jit3A_7 = arith.constant 8 : i32
    %jit3A_8 = arith.constant 0 : i32
    %select_n3A_9 = arith.select %eq3A_6, %jit3A_7, %jit3A_8 : i32
    %dma_start3A = tpu.memref_slice %arg8[%select_n3A_9] : memref<144xf32, #tpu.memory_space<vmem>> -> memref<136xf32, #tpu.memory_space<vmem>>
    %dma_start3A_10 = tpu.memref_slice %arg3[%select_n3A] : memref<4096xf32, #tpu.memory_space<hbm>> -> memref<136xf32, #tpu.memory_space<hbm>>
    %dma_start3A_11 = tpu.memref_slice %arg8[%select_n3A_9] : memref<144xf32, #tpu.memory_space<vmem>> -> memref<136xf32, #tpu.memory_space<vmem>>
    %dma_start3A_12 = tpu.memref_slice %arg3[%select_n3A] : memref<4096xf32, #tpu.memory_space<hbm>> -> memref<136xf32, #tpu.memory_space<hbm>>
    tpu.enqueue_dma source(%dma_start3A_12 : memref<136xf32, #tpu.memory_space<hbm>>) target(%dma_start3A_11 : memref<136xf32, #tpu.memory_space<vmem>>) target_semaphore(%arg13 : memref<!tpu.dma_semaphore, #tpu.memory_space<semaphore_mem>>)
    %eq3A_13 = arith.constant 0 : i32
    %eq3A_14 = arith.cmpi eq, %add3A, %eq3A_13 : i32
    %convert_element_type3A = arith.extui %eq3A_14 : i1 to i32
    %cond3A = arith.constant 0 : i32
    %cond3A_15 = arith.cmpi ne, %convert_element_type3A, %cond3A : i32
    scf.if %cond3A_15 {
      tpu.enqueue_dma source(%arg2 : memref<1x4096xf32, #tpu.memory_space<hbm>>) target(%arg9 : memref<1x4096xf32, #tpu.memory_space<vmem>>) target_semaphore(%arg14 : memref<!tpu.dma_semaphore, #tpu.memory_space<semaphore_mem>>)
    } else {
    }
    %broadcast_in_dim3A = arith.constant 0.000000e+00 : f32
    %broadcast_in_dim3A_16 = vector.broadcast %broadcast_in_dim3A : f32 to vector<16xf32>
    %iota3A = tpu.iota {dimensions = array<i32: 0>} : vector<16xi32>
    %ge3A = arith.constant 7 : i32
    %ge3A_17 = vector.broadcast %ge3A : i32 to vector<16xi32>
    %ge3A_18 = arith.cmpi sge, %iota3A, %ge3A_17 : vector<16xi32>
    %lt3A = arith.constant 15 : i32
    %lt3A_19 = vector.broadcast %lt3A : i32 to vector<16xi32>
    %lt3A_20 = arith.cmpi slt, %iota3A, %lt3A_19 : vector<16xi32>
    %and3A = arith.andi %ge3A_18, %lt3A_20 : vector<16xi1>
    %scan3A = arith.constant 0 : i32
    %scan3A_21 = arith.constant 0 : i32
    %scan3A_22 = arith.constant 32 : i32
    %scan3A_23 = arith.addi %scan3A_21, %scan3A_22 : i32
    %scan3A_24 = arith.constant 1 : i32
    %scan3A_25 = scf.for %scan3A_953 = %scan3A_21 to %scan3A_23 step %scan3A_24 iter_args(%scan3A_954 = %scan3A) -> (i32)  : i32 {
      %mul3A_955 = arith.constant 128 : i32
      %mul3A_956 = arith.muli %scan3A_953, %mul3A_955 : i32
      %add3A_957 = arith.constant 0 : i32
      %add3A_958 = arith.addi %mul3A_956, %add3A_957 : i32
      %swap3A = arith.constant 0 : i32
      %swap3A_959 = arith.index_cast %swap3A : i32 to index
      %swap3A_960 = arith.index_cast %add3A_958 : i32 to index
      %swap3A_961 = tpu.vector_load %arg5[%swap3A_959, %swap3A_960] {strides = array<i32>} : memref<8x4096xf32, #tpu.memory_space<vmem>>, vector<16xf32>,
      tpu.vector_store %arg5[%swap3A_959, %swap3A_960], %broadcast_in_dim3A_16 {strides = array<i32>} : memref<8x4096xf32, #tpu.memory_space<vmem>>, vector<16xf32>,
      %add3A_962 = arith.constant 16 : i32
      %add3A_963 = arith.addi %mul3A_956, %add3A_962 : i32
      %swap3A_964 = arith.constant 0 : i32
      %swap3A_965 = arith.index_cast %swap3A_964 : i32 to index
      %swap3A_966 = arith.index_cast %add3A_963 : i32 to index
      %swap3A_967 = tpu.vector_load %arg5[%swap3A_965, %swap3A_966] {strides = array<i32>} : memref<8x4096xf32, #tpu.memory_space<vmem>>, vector<16xf32>,
      tpu.vector_store %arg5[%swap3A_965, %swap3A_966], %broadcast_in_dim3A_16 {strides = array<i32>} : memref<8x4096xf32, #tpu.memory_space<vmem>>, vector<16xf32>,
      %add3A_968 = arith.constant 32 : i32
      %add3A_969 = arith.addi %mul3A_956, %add3A_968 : i32
      %swap3A_970 = arith.constant 0 : i32
      %swap3A_971 = arith.index_cast %swap3A_970 : i32 to index
      %swap3A_972 = arith.index_cast %add3A_969 : i32 to index
      %swap3A_973 = tpu.vector_load %arg5[%swap3A_971, %swap3A_972] {strides = array<i32>} : memref<8x4096xf32, #tpu.memory_space<vmem>>, vector<16xf32>,
      tpu.vector_store %arg5[%swap3A_971, %swap3A_972], %broadcast_in_dim3A_16 {strides = array<i32>} : memref<8x4096xf32, #tpu.memory_space<vmem>>, vector<16xf32>,
      %add3A_974 = arith.constant 48 : i32
      %add3A_975 = arith.addi %mul3A_956, %add3A_974 : i32
      %swap3A_976 = arith.constant 0 : i32
      %swap3A_977 = arith.index_cast %swap3A_976 : i32 to index
      %swap3A_978 = arith.index_cast %add3A_975 : i32 to index
      %swap3A_979 = tpu.vector_load %arg5[%swap3A_977, %swap3A_978] {strides = array<i32>} : memref<8x4096xf32, #tpu.memory_space<vmem>>, vector<16xf32>,
      tpu.vector_store %arg5[%swap3A_977, %swap3A_978], %broadcast_in_dim3A_16 {strides = array<i32>} : memref<8x4096xf32, #tpu.memory_space<vmem>>, vector<16xf32>,
      %add3A_980 = arith.constant 64 : i32
      %add3A_981 = arith.addi %mul3A_956, %add3A_980 : i32
      %swap3A_982 = arith.constant 0 : i32
      %swap3A_983 = arith.index_cast %swap3A_982 : i32 to index
      %swap3A_984 = arith.index_cast %add3A_981 : i32 to index
      %swap3A_985 = tpu.vector_load %arg5[%swap3A_983, %swap3A_984] {strides = array<i32>} : memref<8x4096xf32, #tpu.memory_space<vmem>>, vector<16xf32>,
      tpu.vector_store %arg5[%swap3A_983, %swap3A_984], %broadcast_in_dim3A_16 {strides = array<i32>} : memref<8x4096xf32, #tpu.memory_space<vmem>>, vector<16xf32>,
      %add3A_986 = arith.constant 80 : i32
      %add3A_987 = arith.addi %mul3A_956, %add3A_986 : i32
      %swap3A_988 = arith.constant 0 : i32
      %swap3A_989 = arith.index_cast %swap3A_988 : i32 to index
      %swap3A_990 = arith.index_cast %add3A_987 : i32 to index
      %swap3A_991 = tpu.vector_load %arg5[%swap3A_989, %swap3A_990] {strides = array<i32>} : memref<8x4096xf32, #tpu.memory_space<vmem>>, vector<16xf32>,
      tpu.vector_store %arg5[%swap3A_989, %swap3A_990], %broadcast_in_dim3A_16 {strides = array<i32>} : memref<8x4096xf32, #tpu.memory_space<vmem>>, vector<16xf32>,
      %add3A_992 = arith.constant 96 : i32
      %add3A_993 = arith.addi %mul3A_956, %add3A_992 : i32
      %swap3A_994 = arith.constant 0 : i32
      %swap3A_995 = arith.index_cast %swap3A_994 : i32 to index
      %swap3A_996 = arith.index_cast %add3A_993 : i32 to index
      %swap3A_997 = tpu.vector_load %arg5[%swap3A_995, %swap3A_996] {strides = array<i32>} : memref<8x4096xf32, #tpu.memory_space<vmem>>, vector<16xf32>,
      tpu.vector_store %arg5[%swap3A_995, %swap3A_996], %broadcast_in_dim3A_16 {strides = array<i32>} : memref<8x4096xf32, #tpu.memory_space<vmem>>, vector<16xf32>,
      %add3A_998 = arith.constant 112 : i32
      %add3A_999 = arith.addi %mul3A_956, %add3A_998 : i32
      %swap3A_1000 = arith.constant 0 : i32
      %swap3A_1001 = arith.index_cast %swap3A_1000 : i32 to index
      %swap3A_1002 = arith.index_cast %add3A_999 : i32 to index
      %swap3A_1003 = tpu.vector_load %arg5[%swap3A_1001, %swap3A_1002] {strides = array<i32>} : memref<8x4096xf32, #tpu.memory_space<vmem>>, vector<16xf32>,
      tpu.vector_store %arg5[%swap3A_1001, %swap3A_1002], %broadcast_in_dim3A_16 {strides = array<i32>} : memref<8x4096xf32, #tpu.memory_space<vmem>>, vector<16xf32>,
      %scan3A_1004 = arith.constant 0 : i32
      scf.yield %scan3A_1004 : i32
    }
    %scan3A_26 = arith.constant 32 : i32
    %scan3A_27 = arith.constant 0 : i32
    %scan3A_28 = arith.constant 0 : i32
    %scan3A_29 = arith.constant 32 : i32
    %scan3A_30 = arith.addi %scan3A_28, %scan3A_29 : i32
    %scan3A_31 = arith.constant 1 : i32
    %scan3A_32 = scf.for %scan3A_953 = %scan3A_28 to %scan3A_30 step %scan3A_31 iter_args(%scan3A_954 = %scan3A_27) -> (i32)  : i32 {
      %mul3A_955 = arith.constant 128 : i32
      %mul3A_956 = arith.muli %scan3A_953, %mul3A_955 : i32
      %add3A_957 = arith.constant 0 : i32
      %add3A_958 = arith.addi %mul3A_956, %add3A_957 : i32
      %swap3A = arith.constant 1 : i32
      %swap3A_959 = arith.index_cast %swap3A : i32 to index
      %swap3A_960 = arith.index_cast %add3A_958 : i32 to index
      %swap3A_961 = tpu.vector_load %arg5[%swap3A_959, %swap3A_960] {strides = array<i32>} : memref<8x4096xf32, #tpu.memory_space<vmem>>, vector<16xf32>,
      tpu.vector_store %arg5[%swap3A_959, %swap3A_960], %broadcast_in_dim3A_16 {strides = array<i32>} : memref<8x4096xf32, #tpu.memory_space<vmem>>, vector<16xf32>,
      %add3A_962 = arith.constant 16 : i32
      %add3A_963 = arith.addi %mul3A_956, %add3A_962 : i32
      %swap3A_964 = arith.constant 1 : i32
      %swap3A_965 = arith.index_cast %swap3A_964 : i32 to index
      %swap3A_966 = arith.index_cast %add3A_963 : i32 to index
      %swap3A_967 = tpu.vector_load %arg5[%swap3A_965, %swap3A_966] {strides = array<i32>} : memref<8x4096xf32, #tpu.memory_space<vmem>>, vector<16xf32>,
      tpu.vector_store %arg5[%swap3A_965, %swap3A_966], %broadcast_in_dim3A_16 {strides = array<i32>} : memref<8x4096xf32, #tpu.memory_space<vmem>>, vector<16xf32>,
      %add3A_968 = arith.constant 32 : i32
      %add3A_969 = arith.addi %mul3A_956, %add3A_968 : i32
      %swap3A_970 = arith.constant 1 : i32
      %swap3A_971 = arith.index_cast %swap3A_970 : i32 to index
      %swap3A_972 = arith.index_cast %add3A_969 : i32 to index
      %swap3A_973 = tpu.vector_load %arg5[%swap3A_971, %swap3A_972] {strides = array<i32>} : memref<8x4096xf32, #tpu.memory_space<vmem>>, vector<16xf32>,
      tpu.vector_store %arg5[%swap3A_971, %swap3A_972], %broadcast_in_dim3A_16 {strides = array<i32>} : memref<8x4096xf32, #tpu.memory_space<vmem>>, vector<16xf32>,
      %add3A_974 = arith.constant 48 : i32
      %add3A_975 = arith.addi %mul3A_956, %add3A_974 : i32
      %swap3A_976 = arith.constant 1 : i32
      %swap3A_977 = arith.index_cast %swap3A_976 : i32 to index
      %swap3A_978 = arith.index_cast %add3A_975 : i32 to index
      %swap3A_979 = tpu.vector_load %arg5[%swap3A_977, %swap3A_978] {strides = array<i32>} : memref<8x4096xf32, #tpu.memory_space<vmem>>, vector<16xf32>,
      tpu.vector_store %arg5[%swap3A_977, %swap3A_978], %broadcast_in_dim3A_16 {strides = array<i32>} : memref<8x4096xf32, #tpu.memory_space<vmem>>, vector<16xf32>,
      %add3A_980 = arith.constant 64 : i32
      %add3A_981 = arith.addi %mul3A_956, %add3A_980 : i32
      %swap3A_982 = arith.constant 1 : i32
      %swap3A_983 = arith.index_cast %swap3A_982 : i32 to index
      %swap3A_984 = arith.index_cast %add3A_981 : i32 to index
      %swap3A_985 = tpu.vector_load %arg5[%swap3A_983, %swap3A_984] {strides = array<i32>} : memref<8x4096xf32, #tpu.memory_space<vmem>>, vector<16xf32>,
      tpu.vector_store %arg5[%swap3A_983, %swap3A_984], %broadcast_in_dim3A_16 {strides = array<i32>} : memref<8x4096xf32, #tpu.memory_space<vmem>>, vector<16xf32>,
      %add3A_986 = arith.constant 80 : i32
      %add3A_987 = arith.addi %mul3A_956, %add3A_986 : i32
      %swap3A_988 = arith.constant 1 : i32
      %swap3A_989 = arith.index_cast %swap3A_988 : i32 to index
      %swap3A_990 = arith.index_cast %add3A_987 : i32 to index
      %swap3A_991 = tpu.vector_load %arg5[%swap3A_989, %swap3A_990] {strides = array<i32>} : memref<8x4096xf32, #tpu.memory_space<vmem>>, vector<16xf32>,
      tpu.vector_store %arg5[%swap3A_989, %swap3A_990], %broadcast_in_dim3A_16 {strides = array<i32>} : memref<8x4096xf32, #tpu.memory_space<vmem>>, vector<16xf32>,
      %add3A_992 = arith.constant 96 : i32
      %add3A_993 = arith.addi %mul3A_956, %add3A_992 : i32
      %swap3A_994 = arith.constant 1 : i32
      %swap3A_995 = arith.index_cast %swap3A_994 : i32 to index
      %swap3A_996 = arith.index_cast %add3A_993 : i32 to index
      %swap3A_997 = tpu.vector_load %arg5[%swap3A_995, %swap3A_996] {strides = array<i32>} : memref<8x4096xf32, #tpu.memory_space<vmem>>, vector<16xf32>,
      tpu.vector_store %arg5[%swap3A_995, %swap3A_996], %broadcast_in_dim3A_16 {strides = array<i32>} : memref<8x4096xf32, #tpu.memory_space<vmem>>, vector<16xf32>,
      %add3A_998 = arith.constant 112 : i32
      %add3A_999 = arith.addi %mul3A_956, %add3A_998 : i32
      %swap3A_1000 = arith.constant 1 : i32
      %swap3A_1001 = arith.index_cast %swap3A_1000 : i32 to index
      %swap3A_1002 = arith.index_cast %add3A_999 : i32 to index
      %swap3A_1003 = tpu.vector_load %arg5[%swap3A_1001, %swap3A_1002] {strides = array<i32>} : memref<8x4096xf32, #tpu.memory_space<vmem>>, vector<16xf32>,
      tpu.vector_store %arg5[%swap3A_1001, %swap3A_1002], %broadcast_in_dim3A_16 {strides = array<i32>} : memref<8x4096xf32, #tpu.memory_space<vmem>>, vector<16xf32>,
      %scan3A_1004 = arith.constant 0 : i32
      scf.yield %scan3A_1004 : i32
    }
    %scan3A_33 = arith.constant 32 : i32
    %scan3A_34 = arith.constant 0 : i32
    %scan3A_35 = arith.constant 0 : i32
    %scan3A_36 = arith.constant 32 : i32
    %scan3A_37 = arith.addi %scan3A_35, %scan3A_36 : i32
    %scan3A_38 = arith.constant 1 : i32
    %scan3A_39 = scf.for %scan3A_953 = %scan3A_35 to %scan3A_37 step %scan3A_38 iter_args(%scan3A_954 = %scan3A_34) -> (i32)  : i32 {
      %mul3A_955 = arith.constant 128 : i32
      %mul3A_956 = arith.muli %scan3A_953, %mul3A_955 : i32
      %add3A_957 = arith.constant 0 : i32
      %add3A_958 = arith.addi %mul3A_956, %add3A_957 : i32
      %swap3A = arith.constant 2 : i32
      %swap3A_959 = arith.index_cast %swap3A : i32 to index
      %swap3A_960 = arith.index_cast %add3A_958 : i32 to index
      %swap3A_961 = tpu.vector_load %arg5[%swap3A_959, %swap3A_960] {strides = array<i32>} : memref<8x4096xf32, #tpu.memory_space<vmem>>, vector<16xf32>,
      tpu.vector_store %arg5[%swap3A_959, %swap3A_960], %broadcast_in_dim3A_16 {strides = array<i32>} : memref<8x4096xf32, #tpu.memory_space<vmem>>, vector<16xf32>,
      %add3A_962 = arith.constant 16 : i32
      %add3A_963 = arith.addi %mul3A_956, %add3A_962 : i32
      %swap3A_964 = arith.constant 2 : i32
      %swap3A_965 = arith.index_cast %swap3A_964 : i32 to index
      %swap3A_966 = arith.index_cast %add3A_963 : i32 to index
      %swap3A_967 = tpu.vector_load %arg5[%swap3A_965, %swap3A_966] {strides = array<i32>} : memref<8x4096xf32, #tpu.memory_space<vmem>>, vector<16xf32>,
      tpu.vector_store %arg5[%swap3A_965, %swap3A_966], %broadcast_in_dim3A_16 {strides = array<i32>} : memref<8x4096xf32, #tpu.memory_space<vmem>>, vector<16xf32>,
      %add3A_968 = arith.constant 32 : i32
      %add3A_969 = arith.addi %mul3A_956, %add3A_968 : i32
      %swap3A_970 = arith.constant 2 : i32
      %swap3A_971 = arith.index_cast %swap3A_970 : i32 to index
      %swap3A_972 = arith.index_cast %add3A_969 : i32 to index
      %swap3A_973 = tpu.vector_load %arg5[%swap3A_971, %swap3A_972] {strides = array<i32>} : memref<8x4096xf32, #tpu.memory_space<vmem>>, vector<16xf32>,
      tpu.vector_store %arg5[%swap3A_971, %swap3A_972], %broadcast_in_dim3A_16 {strides = array<i32>} : memref<8x4096xf32, #tpu.memory_space<vmem>>, vector<16xf32>,
      %add3A_974 = arith.constant 48 : i32
      %add3A_975 = arith.addi %mul3A_956, %add3A_974 : i32
      %swap3A_976 = arith.constant 2 : i32
      %swap3A_977 = arith.index_cast %swap3A_976 : i32 to index
      %swap3A_978 = arith.index_cast %add3A_975 : i32 to index
      %swap3A_979 = tpu.vector_load %arg5[%swap3A_977, %swap3A_978] {strides = array<i32>} : memref<8x4096xf32, #tpu.memory_space<vmem>>, vector<16xf32>,
      tpu.vector_store %arg5[%swap3A_977, %swap3A_978], %broadcast_in_dim3A_16 {strides = array<i32>} : memref<8x4096xf32, #tpu.memory_space<vmem>>, vector<16xf32>,
      %add3A_980 = arith.constant 64 : i32
      %add3A_981 = arith.addi %mul3A_956, %add3A_980 : i32
      %swap3A_982 = arith.constant 2 : i32
      %swap3A_983 = arith.index_cast %swap3A_982 : i32 to index
      %swap3A_984 = arith.index_cast %add3A_981 : i32 to index
      %swap3A_985 = tpu.vector_load %arg5[%swap3A_983, %swap3A_984] {strides = array<i32>} : memref<8x4096xf32, #tpu.memory_space<vmem>>, vector<16xf32>,
      tpu.vector_store %arg5[%swap3A_983, %swap3A_984], %broadcast_in_dim3A_16 {strides = array<i32>} : memref<8x4096xf32, #tpu.memory_space<vmem>>, vector<16xf32>,
      %add3A_986 = arith.constant 80 : i32
      %add3A_987 = arith.addi %mul3A_956, %add3A_986 : i32
      %swap3A_988 = arith.constant 2 : i32
      %swap3A_989 = arith.index_cast %swap3A_988 : i32 to index
      %swap3A_990 = arith.index_cast %add3A_987 : i32 to index
      %swap3A_991 = tpu.vector_load %arg5[%swap3A_989, %swap3A_990] {strides = array<i32>} : memref<8x4096xf32, #tpu.memory_space<vmem>>, vector<16xf32>,
      tpu.vector_store %arg5[%swap3A_989, %swap3A_990], %broadcast_in_dim3A_16 {strides = array<i32>} : memref<8x4096xf32, #tpu.memory_space<vmem>>, vector<16xf32>,
      %add3A_992 = arith.constant 96 : i32
      %add3A_993 = arith.addi %mul3A_956, %add3A_992 : i32
      %swap3A_994 = arith.constant 2 : i32
      %swap3A_995 = arith.index_cast %swap3A_994 : i32 to index
      %swap3A_996 = arith.index_cast %add3A_993 : i32 to index
      %swap3A_997 = tpu.vector_load %arg5[%swap3A_995, %swap3A_996] {strides = array<i32>} : memref<8x4096xf32, #tpu.memory_space<vmem>>, vector<16xf32>,
      tpu.vector_store %arg5[%swap3A_995, %swap3A_996], %broadcast_in_dim3A_16 {strides = array<i32>} : memref<8x4096xf32, #tpu.memory_space<vmem>>, vector<16xf32>,
      %add3A_998 = arith.constant 112 : i32
      %add3A_999 = arith.addi %mul3A_956, %add3A_998 : i32
      %swap3A_1000 = arith.constant 2 : i32
      %swap3A_1001 = arith.index_cast %swap3A_1000 : i32 to index
      %swap3A_1002 = arith.index_cast %add3A_999 : i32 to index
      %swap3A_1003 = tpu.vector_load %arg5[%swap3A_1001, %swap3A_1002] {strides = array<i32>} : memref<8x4096xf32, #tpu.memory_space<vmem>>, vector<16xf32>,
      tpu.vector_store %arg5[%swap3A_1001, %swap3A_1002], %broadcast_in_dim3A_16 {strides = array<i32>} : memref<8x4096xf32, #tpu.memory_space<vmem>>, vector<16xf32>,
      %scan3A_1004 = arith.constant 0 : i32
      scf.yield %scan3A_1004 : i32
    }
    %scan3A_40 = arith.constant 32 : i32
    %scan3A_41 = arith.constant 0 : i32
    %scan3A_42 = arith.constant 0 : i32
    %scan3A_43 = arith.constant 32 : i32
    %scan3A_44 = arith.addi %scan3A_42, %scan3A_43 : i32
    %scan3A_45 = arith.constant 1 : i32
    %scan3A_46 = scf.for %scan3A_953 = %scan3A_42 to %scan3A_44 step %scan3A_45 iter_args(%scan3A_954 = %scan3A_41) -> (i32)  : i32 {
      %mul3A_955 = arith.constant 128 : i32
      %mul3A_956 = arith.muli %scan3A_953, %mul3A_955 : i32
      %add3A_957 = arith.constant 0 : i32
      %add3A_958 = arith.addi %mul3A_956, %add3A_957 : i32
      %swap3A = arith.constant 3 : i32
      %swap3A_959 = arith.index_cast %swap3A : i32 to index
      %swap3A_960 = arith.index_cast %add3A_958 : i32 to index
      %swap3A_961 = tpu.vector_load %arg5[%swap3A_959, %swap3A_960] {strides = array<i32>} : memref<8x4096xf32, #tpu.memory_space<vmem>>, vector<16xf32>,
      tpu.vector_store %arg5[%swap3A_959, %swap3A_960], %broadcast_in_dim3A_16 {strides = array<i32>} : memref<8x4096xf32, #tpu.memory_space<vmem>>, vector<16xf32>,
      %add3A_962 = arith.constant 16 : i32
      %add3A_963 = arith.addi %mul3A_956, %add3A_962 : i32
      %swap3A_964 = arith.constant 3 : i32
      %swap3A_965 = arith.index_cast %swap3A_964 : i32 to index
      %swap3A_966 = arith.index_cast %add3A_963 : i32 to index
      %swap3A_967 = tpu.vector_load %arg5[%swap3A_965, %swap3A_966] {strides = array<i32>} : memref<8x4096xf32, #tpu.memory_space<vmem>>, vector<16xf32>,
      tpu.vector_store %arg5[%swap3A_965, %swap3A_966], %broadcast_in_dim3A_16 {strides = array<i32>} : memref<8x4096xf32, #tpu.memory_space<vmem>>, vector<16xf32>,
      %add3A_968 = arith.constant 32 : i32
      %add3A_969 = arith.addi %mul3A_956, %add3A_968 : i32
      %swap3A_970 = arith.constant 3 : i32
      %swap3A_971 = arith.index_cast %swap3A_970 : i32 to index
      %swap3A_972 = arith.index_cast %add3A_969 : i32 to index
      %swap3A_973 = tpu.vector_load %arg5[%swap3A_971, %swap3A_972] {strides = array<i32>} : memref<8x4096xf32, #tpu.memory_space<vmem>>, vector<16xf32>,
      tpu.vector_store %arg5[%swap3A_971, %swap3A_972], %broadcast_in_dim3A_16 {strides = array<i32>} : memref<8x4096xf32, #tpu.memory_space<vmem>>, vector<16xf32>,
      %add3A_974 = arith.constant 48 : i32
      %add3A_975 = arith.addi %mul3A_956, %add3A_974 : i32
      %swap3A_976 = arith.constant 3 : i32
      %swap3A_977 = arith.index_cast %swap3A_976 : i32 to index
      %swap3A_978 = arith.index_cast %add3A_975 : i32 to index
      %swap3A_979 = tpu.vector_load %arg5[%swap3A_977, %swap3A_978] {strides = array<i32>} : memref<8x4096xf32, #tpu.memory_space<vmem>>, vector<16xf32>,
      tpu.vector_store %arg5[%swap3A_977, %swap3A_978], %broadcast_in_dim3A_16 {strides = array<i32>} : memref<8x4096xf32, #tpu.memory_space<vmem>>, vector<16xf32>,
      %add3A_980 = arith.constant 64 : i32
      %add3A_981 = arith.addi %mul3A_956, %add3A_980 : i32
      %swap3A_982 = arith.constant 3 : i32
      %swap3A_983 = arith.index_cast %swap3A_982 : i32 to index
      %swap3A_984 = arith.index_cast %add3A_981 : i32 to index
      %swap3A_985 = tpu.vector_load %arg5[%swap3A_983, %swap3A_984] {strides = array<i32>} : memref<8x4096xf32, #tpu.memory_space<vmem>>, vector<16xf32>,
      tpu.vector_store %arg5[%swap3A_983, %swap3A_984], %broadcast_in_dim3A_16 {strides = array<i32>} : memref<8x4096xf32, #tpu.memory_space<vmem>>, vector<16xf32>,
      %add3A_986 = arith.constant 80 : i32
      %add3A_987 = arith.addi %mul3A_956, %add3A_986 : i32
      %swap3A_988 = arith.constant 3 : i32
      %swap3A_989 = arith.index_cast %swap3A_988 : i32 to index
      %swap3A_990 = arith.index_cast %add3A_987 : i32 to index
      %swap3A_991 = tpu.vector_load %arg5[%swap3A_989, %swap3A_990] {strides = array<i32>} : memref<8x4096xf32, #tpu.memory_space<vmem>>, vector<16xf32>,
      tpu.vector_store %arg5[%swap3A_989, %swap3A_990], %broadcast_in_dim3A_16 {strides = array<i32>} : memref<8x4096xf32, #tpu.memory_space<vmem>>, vector<16xf32>,
      %add3A_992 = arith.constant 96 : i32
      %add3A_993 = arith.addi %mul3A_956, %add3A_992 : i32
      %swap3A_994 = arith.constant 3 : i32
      %swap3A_995 = arith.index_cast %swap3A_994 : i32 to index
      %swap3A_996 = arith.index_cast %add3A_993 : i32 to index
      %swap3A_997 = tpu.vector_load %arg5[%swap3A_995, %swap3A_996] {strides = array<i32>} : memref<8x4096xf32, #tpu.memory_space<vmem>>, vector<16xf32>,
      tpu.vector_store %arg5[%swap3A_995, %swap3A_996], %broadcast_in_dim3A_16 {strides = array<i32>} : memref<8x4096xf32, #tpu.memory_space<vmem>>, vector<16xf32>,
      %add3A_998 = arith.constant 112 : i32
      %add3A_999 = arith.addi %mul3A_956, %add3A_998 : i32
      %swap3A_1000 = arith.constant 3 : i32
      %swap3A_1001 = arith.index_cast %swap3A_1000 : i32 to index
      %swap3A_1002 = arith.index_cast %add3A_999 : i32 to index
      %swap3A_1003 = tpu.vector_load %arg5[%swap3A_1001, %swap3A_1002] {strides = array<i32>} : memref<8x4096xf32, #tpu.memory_space<vmem>>, vector<16xf32>,
      tpu.vector_store %arg5[%swap3A_1001, %swap3A_1002], %broadcast_in_dim3A_16 {strides = array<i32>} : memref<8x4096xf32, #tpu.memory_space<vmem>>, vector<16xf32>,
      %scan3A_1004 = arith.constant 0 : i32
      scf.yield %scan3A_1004 : i32
    }
    %scan3A_47 = arith.constant 32 : i32
    %scan3A_48 = arith.constant 0 : i32
    %scan3A_49 = arith.constant 0 : i32
    %scan3A_50 = arith.constant 32 : i32
    %scan3A_51 = arith.addi %scan3A_49, %scan3A_50 : i32
    %scan3A_52 = arith.constant 1 : i32
    %scan3A_53 = scf.for %scan3A_953 = %scan3A_49 to %scan3A_51 step %scan3A_52 iter_args(%scan3A_954 = %scan3A_48) -> (i32)  : i32 {
      %mul3A_955 = arith.constant 128 : i32
      %mul3A_956 = arith.muli %scan3A_953, %mul3A_955 : i32
      %add3A_957 = arith.constant 0 : i32
      %add3A_958 = arith.addi %mul3A_956, %add3A_957 : i32
      %swap3A = arith.constant 4 : i32
      %swap3A_959 = arith.index_cast %swap3A : i32 to index
      %swap3A_960 = arith.index_cast %add3A_958 : i32 to index
      %swap3A_961 = tpu.vector_load %arg5[%swap3A_959, %swap3A_960] {strides = array<i32>} : memref<8x4096xf32, #tpu.memory_space<vmem>>, vector<16xf32>,
      tpu.vector_store %arg5[%swap3A_959, %swap3A_960], %broadcast_in_dim3A_16 {strides = array<i32>} : memref<8x4096xf32, #tpu.memory_space<vmem>>, vector<16xf32>,
      %add3A_962 = arith.constant 16 : i32
      %add3A_963 = arith.addi %mul3A_956, %add3A_962 : i32
      %swap3A_964 = arith.constant 4 : i32
      %swap3A_965 = arith.index_cast %swap3A_964 : i32 to index
      %swap3A_966 = arith.index_cast %add3A_963 : i32 to index
      %swap3A_967 = tpu.vector_load %arg5[%swap3A_965, %swap3A_966] {strides = array<i32>} : memref<8x4096xf32, #tpu.memory_space<vmem>>, vector<16xf32>,
      tpu.vector_store %arg5[%swap3A_965, %swap3A_966], %broadcast_in_dim3A_16 {strides = array<i32>} : memref<8x4096xf32, #tpu.memory_space<vmem>>, vector<16xf32>,
      %add3A_968 = arith.constant 32 : i32
      %add3A_969 = arith.addi %mul3A_956, %add3A_968 : i32
      %swap3A_970 = arith.constant 4 : i32
      %swap3A_971 = arith.index_cast %swap3A_970 : i32 to index
      %swap3A_972 = arith.index_cast %add3A_969 : i32 to index
      %swap3A_973 = tpu.vector_load %arg5[%swap3A_971, %swap3A_972] {strides = array<i32>} : memref<8x4096xf32, #tpu.memory_space<vmem>>, vector<16xf32>,
      tpu.vector_store %arg5[%swap3A_971, %swap3A_972], %broadcast_in_dim3A_16 {strides = array<i32>} : memref<8x4096xf32, #tpu.memory_space<vmem>>, vector<16xf32>,
      %add3A_974 = arith.constant 48 : i32
      %add3A_975 = arith.addi %mul3A_956, %add3A_974 : i32
      %swap3A_976 = arith.constant 4 : i32
      %swap3A_977 = arith.index_cast %swap3A_976 : i32 to index
      %swap3A_978 = arith.index_cast %add3A_975 : i32 to index
      %swap3A_979 = tpu.vector_load %arg5[%swap3A_977, %swap3A_978] {strides = array<i32>} : memref<8x4096xf32, #tpu.memory_space<vmem>>, vector<16xf32>,
      tpu.vector_store %arg5[%swap3A_977, %swap3A_978], %broadcast_in_dim3A_16 {strides = array<i32>} : memref<8x4096xf32, #tpu.memory_space<vmem>>, vector<16xf32>,
      %add3A_980 = arith.constant 64 : i32
      %add3A_981 = arith.addi %mul3A_956, %add3A_980 : i32
      %swap3A_982 = arith.constant 4 : i32
      %swap3A_983 = arith.index_cast %swap3A_982 : i32 to index
      %swap3A_984 = arith.index_cast %add3A_981 : i32 to index
      %swap3A_985 = tpu.vector_load %arg5[%swap3A_983, %swap3A_984] {strides = array<i32>} : memref<8x4096xf32, #tpu.memory_space<vmem>>, vector<16xf32>,
      tpu.vector_store %arg5[%swap3A_983, %swap3A_984], %broadcast_in_dim3A_16 {strides = array<i32>} : memref<8x4096xf32, #tpu.memory_space<vmem>>, vector<16xf32>,
      %add3A_986 = arith.constant 80 : i32
      %add3A_987 = arith.addi %mul3A_956, %add3A_986 : i32
      %swap3A_988 = arith.constant 4 : i32
      %swap3A_989 = arith.index_cast %swap3A_988 : i32 to index
      %swap3A_990 = arith.index_cast %add3A_987 : i32 to index
      %swap3A_991 = tpu.vector_load %arg5[%swap3A_989, %swap3A_990] {strides = array<i32>} : memref<8x4096xf32, #tpu.memory_space<vmem>>, vector<16xf32>,
      tpu.vector_store %arg5[%swap3A_989, %swap3A_990], %broadcast_in_dim3A_16 {strides = array<i32>} : memref<8x4096xf32, #tpu.memory_space<vmem>>, vector<16xf32>,
      %add3A_992 = arith.constant 96 : i32
      %add3A_993 = arith.addi %mul3A_956, %add3A_992 : i32
      %swap3A_994 = arith.constant 4 : i32
      %swap3A_995 = arith.index_cast %swap3A_994 : i32 to index
      %swap3A_996 = arith.index_cast %add3A_993 : i32 to index
      %swap3A_997 = tpu.vector_load %arg5[%swap3A_995, %swap3A_996] {strides = array<i32>} : memref<8x4096xf32, #tpu.memory_space<vmem>>, vector<16xf32>,
      tpu.vector_store %arg5[%swap3A_995, %swap3A_996], %broadcast_in_dim3A_16 {strides = array<i32>} : memref<8x4096xf32, #tpu.memory_space<vmem>>, vector<16xf32>,
      %add3A_998 = arith.constant 112 : i32
      %add3A_999 = arith.addi %mul3A_956, %add3A_998 : i32
      %swap3A_1000 = arith.constant 4 : i32
      %swap3A_1001 = arith.index_cast %swap3A_1000 : i32 to index
      %swap3A_1002 = arith.index_cast %add3A_999 : i32 to index
      %swap3A_1003 = tpu.vector_load %arg5[%swap3A_1001, %swap3A_1002] {strides = array<i32>} : memref<8x4096xf32, #tpu.memory_space<vmem>>, vector<16xf32>,
      tpu.vector_store %arg5[%swap3A_1001, %swap3A_1002], %broadcast_in_dim3A_16 {strides = array<i32>} : memref<8x4096xf32, #tpu.memory_space<vmem>>, vector<16xf32>,
      %scan3A_1004 = arith.constant 0 : i32
      scf.yield %scan3A_1004 : i32
    }
    %scan3A_54 = arith.constant 32 : i32
    %scan3A_55 = arith.constant 0 : i32
    %scan3A_56 = arith.constant 0 : i32
    %scan3A_57 = arith.constant 32 : i32
    %scan3A_58 = arith.addi %scan3A_56, %scan3A_57 : i32
    %scan3A_59 = arith.constant 1 : i32
    %scan3A_60 = scf.for %scan3A_953 = %scan3A_56 to %scan3A_58 step %scan3A_59 iter_args(%scan3A_954 = %scan3A_55) -> (i32)  : i32 {
      %mul3A_955 = arith.constant 128 : i32
      %mul3A_956 = arith.muli %scan3A_953, %mul3A_955 : i32
      %add3A_957 = arith.constant 0 : i32
      %add3A_958 = arith.addi %mul3A_956, %add3A_957 : i32
      %swap3A = arith.constant 5 : i32
      %swap3A_959 = arith.index_cast %swap3A : i32 to index
      %swap3A_960 = arith.index_cast %add3A_958 : i32 to index
      %swap3A_961 = tpu.vector_load %arg5[%swap3A_959, %swap3A_960] {strides = array<i32>} : memref<8x4096xf32, #tpu.memory_space<vmem>>, vector<16xf32>,
      tpu.vector_store %arg5[%swap3A_959, %swap3A_960], %broadcast_in_dim3A_16 {strides = array<i32>} : memref<8x4096xf32, #tpu.memory_space<vmem>>, vector<16xf32>,
      %add3A_962 = arith.constant 16 : i32
      %add3A_963 = arith.addi %mul3A_956, %add3A_962 : i32
      %swap3A_964 = arith.constant 5 : i32
      %swap3A_965 = arith.index_cast %swap3A_964 : i32 to index
      %swap3A_966 = arith.index_cast %add3A_963 : i32 to index
      %swap3A_967 = tpu.vector_load %arg5[%swap3A_965, %swap3A_966] {strides = array<i32>} : memref<8x4096xf32, #tpu.memory_space<vmem>>, vector<16xf32>,
      tpu.vector_store %arg5[%swap3A_965, %swap3A_966], %broadcast_in_dim3A_16 {strides = array<i32>} : memref<8x4096xf32, #tpu.memory_space<vmem>>, vector<16xf32>,
      %add3A_968 = arith.constant 32 : i32
      %add3A_969 = arith.addi %mul3A_956, %add3A_968 : i32
      %swap3A_970 = arith.constant 5 : i32
      %swap3A_971 = arith.index_cast %swap3A_970 : i32 to index
      %swap3A_972 = arith.index_cast %add3A_969 : i32 to index
      %swap3A_973 = tpu.vector_load %arg5[%swap3A_971, %swap3A_972] {strides = array<i32>} : memref<8x4096xf32, #tpu.memory_space<vmem>>, vector<16xf32>,
      tpu.vector_store %arg5[%swap3A_971, %swap3A_972], %broadcast_in_dim3A_16 {strides = array<i32>} : memref<8x4096xf32, #tpu.memory_space<vmem>>, vector<16xf32>,
      %add3A_974 = arith.constant 48 : i32
      %add3A_975 = arith.addi %mul3A_956, %add3A_974 : i32
      %swap3A_976 = arith.constant 5 : i32
      %swap3A_977 = arith.index_cast %swap3A_976 : i32 to index
      %swap3A_978 = arith.index_cast %add3A_975 : i32 to index
      %swap3A_979 = tpu.vector_load %arg5[%swap3A_977, %swap3A_978] {strides = array<i32>} : memref<8x4096xf32, #tpu.memory_space<vmem>>, vector<16xf32>,
      tpu.vector_store %arg5[%swap3A_977, %swap3A_978], %broadcast_in_dim3A_16 {strides = array<i32>} : memref<8x4096xf32, #tpu.memory_space<vmem>>, vector<16xf32>,
      %add3A_980 = arith.constant 64 : i32
      %add3A_981 = arith.addi %mul3A_956, %add3A_980 : i32
      %swap3A_982 = arith.constant 5 : i32
      %swap3A_983 = arith.index_cast %swap3A_982 : i32 to index
      %swap3A_984 = arith.index_cast %add3A_981 : i32 to index
      %swap3A_985 = tpu.vector_load %arg5[%swap3A_983, %swap3A_984] {strides = array<i32>} : memref<8x4096xf32, #tpu.memory_space<vmem>>, vector<16xf32>,
      tpu.vector_store %arg5[%swap3A_983, %swap3A_984], %broadcast_in_dim3A_16 {strides = array<i32>} : memref<8x4096xf32, #tpu.memory_space<vmem>>, vector<16xf32>,
      %add3A_986 = arith.constant 80 : i32
      %add3A_987 = arith.addi %mul3A_956, %add3A_986 : i32
      %swap3A_988 = arith.constant 5 : i32
      %swap3A_989 = arith.index_cast %swap3A_988 : i32 to index
      %swap3A_990 = arith.index_cast %add3A_987 : i32 to index
      %swap3A_991 = tpu.vector_load %arg5[%swap3A_989, %swap3A_990] {strides = array<i32>} : memref<8x4096xf32, #tpu.memory_space<vmem>>, vector<16xf32>,
      tpu.vector_store %arg5[%swap3A_989, %swap3A_990], %broadcast_in_dim3A_16 {strides = array<i32>} : memref<8x4096xf32, #tpu.memory_space<vmem>>, vector<16xf32>,
      %add3A_992 = arith.constant 96 : i32
      %add3A_993 = arith.addi %mul3A_956, %add3A_992 : i32
      %swap3A_994 = arith.constant 5 : i32
      %swap3A_995 = arith.index_cast %swap3A_994 : i32 to index
      %swap3A_996 = arith.index_cast %add3A_993 : i32 to index
      %swap3A_997 = tpu.vector_load %arg5[%swap3A_995, %swap3A_996] {strides = array<i32>} : memref<8x4096xf32, #tpu.memory_space<vmem>>, vector<16xf32>,
      tpu.vector_store %arg5[%swap3A_995, %swap3A_996], %broadcast_in_dim3A_16 {strides = array<i32>} : memref<8x4096xf32, #tpu.memory_space<vmem>>, vector<16xf32>,
      %add3A_998 = arith.constant 112 : i32
      %add3A_999 = arith.addi %mul3A_956, %add3A_998 : i32
      %swap3A_1000 = arith.constant 5 : i32
      %swap3A_1001 = arith.index_cast %swap3A_1000 : i32 to index
      %swap3A_1002 = arith.index_cast %add3A_999 : i32 to index
      %swap3A_1003 = tpu.vector_load %arg5[%swap3A_1001, %swap3A_1002] {strides = array<i32>} : memref<8x4096xf32, #tpu.memory_space<vmem>>, vector<16xf32>,
      tpu.vector_store %arg5[%swap3A_1001, %swap3A_1002], %broadcast_in_dim3A_16 {strides = array<i32>} : memref<8x4096xf32, #tpu.memory_space<vmem>>, vector<16xf32>,
      %scan3A_1004 = arith.constant 0 : i32
      scf.yield %scan3A_1004 : i32
    }
    %scan3A_61 = arith.constant 32 : i32
    %scan3A_62 = arith.constant 0 : i32
    %scan3A_63 = arith.constant 0 : i32
    %scan3A_64 = arith.constant 32 : i32
    %scan3A_65 = arith.addi %scan3A_63, %scan3A_64 : i32
    %scan3A_66 = arith.constant 1 : i32
    %scan3A_67 = scf.for %scan3A_953 = %scan3A_63 to %scan3A_65 step %scan3A_66 iter_args(%scan3A_954 = %scan3A_62) -> (i32)  : i32 {
      %mul3A_955 = arith.constant 128 : i32
      %mul3A_956 = arith.muli %scan3A_953, %mul3A_955 : i32
      %add3A_957 = arith.constant 0 : i32
      %add3A_958 = arith.addi %mul3A_956, %add3A_957 : i32
      %swap3A = arith.constant 6 : i32
      %swap3A_959 = arith.index_cast %swap3A : i32 to index
      %swap3A_960 = arith.index_cast %add3A_958 : i32 to index
      %swap3A_961 = tpu.vector_load %arg5[%swap3A_959, %swap3A_960] {strides = array<i32>} : memref<8x4096xf32, #tpu.memory_space<vmem>>, vector<16xf32>,
      tpu.vector_store %arg5[%swap3A_959, %swap3A_960], %broadcast_in_dim3A_16 {strides = array<i32>} : memref<8x4096xf32, #tpu.memory_space<vmem>>, vector<16xf32>,
      %add3A_962 = arith.constant 16 : i32
      %add3A_963 = arith.addi %mul3A_956, %add3A_962 : i32
      %swap3A_964 = arith.constant 6 : i32
      %swap3A_965 = arith.index_cast %swap3A_964 : i32 to index
      %swap3A_966 = arith.index_cast %add3A_963 : i32 to index
      %swap3A_967 = tpu.vector_load %arg5[%swap3A_965, %swap3A_966] {strides = array<i32>} : memref<8x4096xf32, #tpu.memory_space<vmem>>, vector<16xf32>,
      tpu.vector_store %arg5[%swap3A_965, %swap3A_966], %broadcast_in_dim3A_16 {strides = array<i32>} : memref<8x4096xf32, #tpu.memory_space<vmem>>, vector<16xf32>,
      %add3A_968 = arith.constant 32 : i32
      %add3A_969 = arith.addi %mul3A_956, %add3A_968 : i32
      %swap3A_970 = arith.constant 6 : i32
      %swap3A_971 = arith.index_cast %swap3A_970 : i32 to index
      %swap3A_972 = arith.index_cast %add3A_969 : i32 to index
      %swap3A_973 = tpu.vector_load %arg5[%swap3A_971, %swap3A_972] {strides = array<i32>} : memref<8x4096xf32, #tpu.memory_space<vmem>>, vector<16xf32>,
      tpu.vector_store %arg5[%swap3A_971, %swap3A_972], %broadcast_in_dim3A_16 {strides = array<i32>} : memref<8x4096xf32, #tpu.memory_space<vmem>>, vector<16xf32>,
      %add3A_974 = arith.constant 48 : i32
      %add3A_975 = arith.addi %mul3A_956, %add3A_974 : i32
      %swap3A_976 = arith.constant 6 : i32
      %swap3A_977 = arith.index_cast %swap3A_976 : i32 to index
      %swap3A_978 = arith.index_cast %add3A_975 : i32 to index
      %swap3A_979 = tpu.vector_load %arg5[%swap3A_977, %swap3A_978] {strides = array<i32>} : memref<8x4096xf32, #tpu.memory_space<vmem>>, vector<16xf32>,
      tpu.vector_store %arg5[%swap3A_977, %swap3A_978], %broadcast_in_dim3A_16 {strides = array<i32>} : memref<8x4096xf32, #tpu.memory_space<vmem>>, vector<16xf32>,
      %add3A_980 = arith.constant 64 : i32
      %add3A_981 = arith.addi %mul3A_956, %add3A_980 : i32
      %swap3A_982 = arith.constant 6 : i32
      %swap3A_983 = arith.index_cast %swap3A_982 : i32 to index
      %swap3A_984 = arith.index_cast %add3A_981 : i32 to index
      %swap3A_985 = tpu.vector_load %arg5[%swap3A_983, %swap3A_984] {strides = array<i32>} : memref<8x4096xf32, #tpu.memory_space<vmem>>, vector<16xf32>,
      tpu.vector_store %arg5[%swap3A_983, %swap3A_984], %broadcast_in_dim3A_16 {strides = array<i32>} : memref<8x4096xf32, #tpu.memory_space<vmem>>, vector<16xf32>,
      %add3A_986 = arith.constant 80 : i32
      %add3A_987 = arith.addi %mul3A_956, %add3A_986 : i32
      %swap3A_988 = arith.constant 6 : i32
      %swap3A_989 = arith.index_cast %swap3A_988 : i32 to index
      %swap3A_990 = arith.index_cast %add3A_987 : i32 to index
      %swap3A_991 = tpu.vector_load %arg5[%swap3A_989, %swap3A_990] {strides = array<i32>} : memref<8x4096xf32, #tpu.memory_space<vmem>>, vector<16xf32>,
      tpu.vector_store %arg5[%swap3A_989, %swap3A_990], %broadcast_in_dim3A_16 {strides = array<i32>} : memref<8x4096xf32, #tpu.memory_space<vmem>>, vector<16xf32>,
      %add3A_992 = arith.constant 96 : i32
      %add3A_993 = arith.addi %mul3A_956, %add3A_992 : i32
      %swap3A_994 = arith.constant 6 : i32
      %swap3A_995 = arith.index_cast %swap3A_994 : i32 to index
      %swap3A_996 = arith.index_cast %add3A_993 : i32 to index
      %swap3A_997 = tpu.vector_load %arg5[%swap3A_995, %swap3A_996] {strides = array<i32>} : memref<8x4096xf32, #tpu.memory_space<vmem>>, vector<16xf32>,
      tpu.vector_store %arg5[%swap3A_995, %swap3A_996], %broadcast_in_dim3A_16 {strides = array<i32>} : memref<8x4096xf32, #tpu.memory_space<vmem>>, vector<16xf32>,
      %add3A_998 = arith.constant 112 : i32
      %add3A_999 = arith.addi %mul3A_956, %add3A_998 : i32
      %swap3A_1000 = arith.constant 6 : i32
      %swap3A_1001 = arith.index_cast %swap3A_1000 : i32 to index
      %swap3A_1002 = arith.index_cast %add3A_999 : i32 to index
      %swap3A_1003 = tpu.vector_load %arg5[%swap3A_1001, %swap3A_1002] {strides = array<i32>} : memref<8x4096xf32, #tpu.memory_space<vmem>>, vector<16xf32>,
      tpu.vector_store %arg5[%swap3A_1001, %swap3A_1002], %broadcast_in_dim3A_16 {strides = array<i32>} : memref<8x4096xf32, #tpu.memory_space<vmem>>, vector<16xf32>,
      %scan3A_1004 = arith.constant 0 : i32
      scf.yield %scan3A_1004 : i32
    }
    %scan3A_68 = arith.constant 32 : i32
    %scan3A_69 = arith.constant 0 : i32
    %scan3A_70 = arith.constant 0 : i32
    %scan3A_71 = arith.constant 32 : i32
    %scan3A_72 = arith.addi %scan3A_70, %scan3A_71 : i32
    %scan3A_73 = arith.constant 1 : i32
    %scan3A_74 = scf.for %scan3A_953 = %scan3A_70 to %scan3A_72 step %scan3A_73 iter_args(%scan3A_954 = %scan3A_69) -> (i32)  : i32 {
      %mul3A_955 = arith.constant 128 : i32
      %mul3A_956 = arith.muli %scan3A_953, %mul3A_955 : i32
      %add3A_957 = arith.constant 0 : i32
      %add3A_958 = arith.addi %mul3A_956, %add3A_957 : i32
      %swap3A = arith.constant 7 : i32
      %swap3A_959 = arith.index_cast %swap3A : i32 to index
      %swap3A_960 = arith.index_cast %add3A_958 : i32 to index
      %swap3A_961 = tpu.vector_load %arg5[%swap3A_959, %swap3A_960] {strides = array<i32>} : memref<8x4096xf32, #tpu.memory_space<vmem>>, vector<16xf32>,
      tpu.vector_store %arg5[%swap3A_959, %swap3A_960], %broadcast_in_dim3A_16 {strides = array<i32>} : memref<8x4096xf32, #tpu.memory_space<vmem>>, vector<16xf32>,
      %add3A_962 = arith.constant 16 : i32
      %add3A_963 = arith.addi %mul3A_956, %add3A_962 : i32
      %swap3A_964 = arith.constant 7 : i32
      %swap3A_965 = arith.index_cast %swap3A_964 : i32 to index
      %swap3A_966 = arith.index_cast %add3A_963 : i32 to index
      %swap3A_967 = tpu.vector_load %arg5[%swap3A_965, %swap3A_966] {strides = array<i32>} : memref<8x4096xf32, #tpu.memory_space<vmem>>, vector<16xf32>,
      tpu.vector_store %arg5[%swap3A_965, %swap3A_966], %broadcast_in_dim3A_16 {strides = array<i32>} : memref<8x4096xf32, #tpu.memory_space<vmem>>, vector<16xf32>,
      %add3A_968 = arith.constant 32 : i32
      %add3A_969 = arith.addi %mul3A_956, %add3A_968 : i32
      %swap3A_970 = arith.constant 7 : i32
      %swap3A_971 = arith.index_cast %swap3A_970 : i32 to index
      %swap3A_972 = arith.index_cast %add3A_969 : i32 to index
      %swap3A_973 = tpu.vector_load %arg5[%swap3A_971, %swap3A_972] {strides = array<i32>} : memref<8x4096xf32, #tpu.memory_space<vmem>>, vector<16xf32>,
      tpu.vector_store %arg5[%swap3A_971, %swap3A_972], %broadcast_in_dim3A_16 {strides = array<i32>} : memref<8x4096xf32, #tpu.memory_space<vmem>>, vector<16xf32>,
      %add3A_974 = arith.constant 48 : i32
      %add3A_975 = arith.addi %mul3A_956, %add3A_974 : i32
      %swap3A_976 = arith.constant 7 : i32
      %swap3A_977 = arith.index_cast %swap3A_976 : i32 to index
      %swap3A_978 = arith.index_cast %add3A_975 : i32 to index
      %swap3A_979 = tpu.vector_load %arg5[%swap3A_977, %swap3A_978] {strides = array<i32>} : memref<8x4096xf32, #tpu.memory_space<vmem>>, vector<16xf32>,
      tpu.vector_store %arg5[%swap3A_977, %swap3A_978], %broadcast_in_dim3A_16 {strides = array<i32>} : memref<8x4096xf32, #tpu.memory_space<vmem>>, vector<16xf32>,
      %add3A_980 = arith.constant 64 : i32
      %add3A_981 = arith.addi %mul3A_956, %add3A_980 : i32
      %swap3A_982 = arith.constant 7 : i32
      %swap3A_983 = arith.index_cast %swap3A_982 : i32 to index
      %swap3A_984 = arith.index_cast %add3A_981 : i32 to index
      %swap3A_985 = tpu.vector_load %arg5[%swap3A_983, %swap3A_984] {strides = array<i32>} : memref<8x4096xf32, #tpu.memory_space<vmem>>, vector<16xf32>,
      tpu.vector_store %arg5[%swap3A_983, %swap3A_984], %broadcast_in_dim3A_16 {strides = array<i32>} : memref<8x4096xf32, #tpu.memory_space<vmem>>, vector<16xf32>,
      %add3A_986 = arith.constant 80 : i32
      %add3A_987 = arith.addi %mul3A_956, %add3A_986 : i32
      %swap3A_988 = arith.constant 7 : i32
      %swap3A_989 = arith.index_cast %swap3A_988 : i32 to index
      %swap3A_990 = arith.index_cast %add3A_987 : i32 to index
      %swap3A_991 = tpu.vector_load %arg5[%swap3A_989, %swap3A_990] {strides = array<i32>} : memref<8x4096xf32, #tpu.memory_space<vmem>>, vector<16xf32>,
      tpu.vector_store %arg5[%swap3A_989, %swap3A_990], %broadcast_in_dim3A_16 {strides = array<i32>} : memref<8x4096xf32, #tpu.memory_space<vmem>>, vector<16xf32>,
      %add3A_992 = arith.constant 96 : i32
      %add3A_993 = arith.addi %mul3A_956, %add3A_992 : i32
      %swap3A_994 = arith.constant 7 : i32
      %swap3A_995 = arith.index_cast %swap3A_994 : i32 to index
      %swap3A_996 = arith.index_cast %add3A_993 : i32 to index
      %swap3A_997 = tpu.vector_load %arg5[%swap3A_995, %swap3A_996] {strides = array<i32>} : memref<8x4096xf32, #tpu.memory_space<vmem>>, vector<16xf32>,
      tpu.vector_store %arg5[%swap3A_995, %swap3A_996], %broadcast_in_dim3A_16 {strides = array<i32>} : memref<8x4096xf32, #tpu.memory_space<vmem>>, vector<16xf32>,
      %add3A_998 = arith.constant 112 : i32
      %add3A_999 = arith.addi %mul3A_956, %add3A_998 : i32
      %swap3A_1000 = arith.constant 7 : i32
      %swap3A_1001 = arith.index_cast %swap3A_1000 : i32 to index
      %swap3A_1002 = arith.index_cast %add3A_999 : i32 to index
      %swap3A_1003 = tpu.vector_load %arg5[%swap3A_1001, %swap3A_1002] {strides = array<i32>} : memref<8x4096xf32, #tpu.memory_space<vmem>>, vector<16xf32>,
      tpu.vector_store %arg5[%swap3A_1001, %swap3A_1002], %broadcast_in_dim3A_16 {strides = array<i32>} : memref<8x4096xf32, #tpu.memory_space<vmem>>, vector<16xf32>,
      %scan3A_1004 = arith.constant 0 : i32
      scf.yield %scan3A_1004 : i32
    }
    %scan3A_75 = arith.constant 32 : i32
    %dma_wait3A = tpu.memref_slice %arg8[%select_n3A_9] : memref<144xf32, #tpu.memory_space<vmem>> -> memref<136xf32, #tpu.memory_space<vmem>>
    %dma_wait3A_76 = tpu.memref_slice %arg3[%select_n3A] : memref<4096xf32, #tpu.memory_space<hbm>> -> memref<136xf32, #tpu.memory_space<hbm>>
    %dma_wait3A_77 = tpu.memref_slice %arg8[%select_n3A_9] : memref<144xf32, #tpu.memory_space<vmem>> -> memref<136xf32, #tpu.memory_space<vmem>>
    %dma_wait3A_78 = tpu.memref_slice %arg3[%select_n3A] : memref<4096xf32, #tpu.memory_space<hbm>> -> memref<136xf32, #tpu.memory_space<hbm>>
    tpu.wait_dma2 semaphore(%arg13 : memref<!tpu.dma_semaphore, #tpu.memory_space<semaphore_mem>>) src(%dma_wait3A_78 : memref<136xf32, #tpu.memory_space<hbm>>) dst(%dma_wait3A_77 : memref<136xf32, #tpu.memory_space<vmem>>)
    %sub3A_79 = arith.constant 8 : i32
    %sub3A_80 = arith.subi %mul3A_2, %sub3A_79 : i32
    %add3A_81 = arith.constant 0 : i32
    %add3A_82 = arith.addi %sub3A_80, %add3A_81 : i32
    %add3A_83 = vector.broadcast %add3A_82 : i32 to vector<16xi32>
    %add3A_84 = arith.addi %add3A_83, %iota3A : vector<16xi32>
    %ge3A_85 = arith.constant 0 : i32
    %ge3A_86 = vector.broadcast %ge3A_85 : i32 to vector<16xi32>
    %ge3A_87 = arith.cmpi sge, %add3A_84, %ge3A_86 : vector<16xi32>
    %and3A_88 = arith.andi %and3A, %ge3A_87 : vector<16xi1>
    %sub3A_89 = arith.constant 7 : i32
    %sub3A_90 = vector.broadcast %sub3A_89 : i32 to vector<16xi32>
    %sub3A_91 = arith.subi %iota3A, %sub3A_90 : vector<16xi32>
    %jit3A_92 = arith.constant 0 : i32
    %broadcast_in_dim3A_93 = vector.broadcast %jit3A_92 : i32 to vector<16xi32>
    %select_n3A_94 = arith.select %and3A_88, %sub3A_91, %broadcast_in_dim3A_93 : vector<16xi1>, vector<16xi32>
    %jit3A_95 = arith.constant 0 : i32
    %broadcast_in_dim3A_96 = vector.broadcast %jit3A_95 : i32 to vector<16xi32>
    %select_n3A_97 = arith.select %and3A_88, %add3A_84, %broadcast_in_dim3A_96 : vector<16xi1>, vector<16xi32>
    %get3A = arith.constant 0 : index
    %get3A_98 = tpu.vector_load %arg8[%get3A] {strides = array<i32>} : memref<144xf32, #tpu.memory_space<vmem>>, vector<16xf32>,
    tpu.vector_store_idx %arg5[%select_n3A_94, %select_n3A_97], %get3A_98 masked %and3A_88 : memref<8x4096xf32, #tpu.memory_space<vmem>>[vector<16xi32>, vector<16xi32>], vector<16xf32>, vector<16xi1>
    %add3A_99 = arith.constant 0 : i32
    %add3A_100 = arith.addi %mul3A_2, %add3A_99 : i32
    %dma_start3A_101 = arith.constant 0 : i32
    %dma_start3A_102 = tpu.memref_slice %arg4[%add3A_100, %dma_start3A_101] : memref<4097x4096xf32, #tpu.memory_space<hbm>> -> memref<8x4096xf32, #tpu.memory_space<hbm>>
    %dma_start3A_103 = arith.constant 0 : i32
    %dma_start3A_104 = tpu.memref_slice %arg4[%add3A_100, %dma_start3A_103] : memref<4097x4096xf32, #tpu.memory_space<hbm>> -> memref<8x4096xf32, #tpu.memory_space<hbm>>
    tpu.enqueue_dma source(%arg5 : memref<8x4096xf32, #tpu.memory_space<vmem>>) target(%dma_start3A_104 : memref<8x4096xf32, #tpu.memory_space<hbm>>) target_semaphore(%arg10 : memref<!tpu.dma_semaphore, #tpu.memory_space<semaphore_mem>>)
    %scan3A_105 = arith.constant 0 : i32
    %scan3A_106 = arith.constant 0 : i32
    %scan3A_107 = arith.constant 32 : i32
    %scan3A_108 = arith.addi %scan3A_106, %scan3A_107 : i32
    %scan3A_109 = arith.constant 1 : i32
    %scan3A_110 = scf.for %scan3A_953 = %scan3A_106 to %scan3A_108 step %scan3A_109 iter_args(%scan3A_954 = %scan3A_105) -> (i32)  : i32 {
      %mul3A_955 = arith.constant 128 : i32
      %mul3A_956 = arith.muli %scan3A_953, %mul3A_955 : i32
      %add3A_957 = arith.constant 0 : i32
      %add3A_958 = arith.addi %mul3A_956, %add3A_957 : i32
      %swap3A = arith.constant 0 : i32
      %swap3A_959 = arith.index_cast %swap3A : i32 to index
      %swap3A_960 = arith.index_cast %add3A_958 : i32 to index
      %swap3A_961 = tpu.vector_load %arg6[%swap3A_959, %swap3A_960] {strides = array<i32>} : memref<8x4096xf32, #tpu.memory_space<vmem>>, vector<16xf32>,
      tpu.vector_store %arg6[%swap3A_959, %swap3A_960], %broadcast_in_dim3A_16 {strides = array<i32>} : memref<8x4096xf32, #tpu.memory_space<vmem>>, vector<16xf32>,
      %add3A_962 = arith.constant 16 : i32
      %add3A_963 = arith.addi %mul3A_956, %add3A_962 : i32
      %swap3A_964 = arith.constant 0 : i32
      %swap3A_965 = arith.index_cast %swap3A_964 : i32 to index
      %swap3A_966 = arith.index_cast %add3A_963 : i32 to index
      %swap3A_967 = tpu.vector_load %arg6[%swap3A_965, %swap3A_966] {strides = array<i32>} : memref<8x4096xf32, #tpu.memory_space<vmem>>, vector<16xf32>,
      tpu.vector_store %arg6[%swap3A_965, %swap3A_966], %broadcast_in_dim3A_16 {strides = array<i32>} : memref<8x4096xf32, #tpu.memory_space<vmem>>, vector<16xf32>,
      %add3A_968 = arith.constant 32 : i32
      %add3A_969 = arith.addi %mul3A_956, %add3A_968 : i32
      %swap3A_970 = arith.constant 0 : i32
      %swap3A_971 = arith.index_cast %swap3A_970 : i32 to index
      %swap3A_972 = arith.index_cast %add3A_969 : i32 to index
      %swap3A_973 = tpu.vector_load %arg6[%swap3A_971, %swap3A_972] {strides = array<i32>} : memref<8x4096xf32, #tpu.memory_space<vmem>>, vector<16xf32>,
      tpu.vector_store %arg6[%swap3A_971, %swap3A_972], %broadcast_in_dim3A_16 {strides = array<i32>} : memref<8x4096xf32, #tpu.memory_space<vmem>>, vector<16xf32>,
      %add3A_974 = arith.constant 48 : i32
      %add3A_975 = arith.addi %mul3A_956, %add3A_974 : i32
      %swap3A_976 = arith.constant 0 : i32
      %swap3A_977 = arith.index_cast %swap3A_976 : i32 to index
      %swap3A_978 = arith.index_cast %add3A_975 : i32 to index
      %swap3A_979 = tpu.vector_load %arg6[%swap3A_977, %swap3A_978] {strides = array<i32>} : memref<8x4096xf32, #tpu.memory_space<vmem>>, vector<16xf32>,
      tpu.vector_store %arg6[%swap3A_977, %swap3A_978], %broadcast_in_dim3A_16 {strides = array<i32>} : memref<8x4096xf32, #tpu.memory_space<vmem>>, vector<16xf32>,
      %add3A_980 = arith.constant 64 : i32
      %add3A_981 = arith.addi %mul3A_956, %add3A_980 : i32
      %swap3A_982 = arith.constant 0 : i32
      %swap3A_983 = arith.index_cast %swap3A_982 : i32 to index
      %swap3A_984 = arith.index_cast %add3A_981 : i32 to index
      %swap3A_985 = tpu.vector_load %arg6[%swap3A_983, %swap3A_984] {strides = array<i32>} : memref<8x4096xf32, #tpu.memory_space<vmem>>, vector<16xf32>,
      tpu.vector_store %arg6[%swap3A_983, %swap3A_984], %broadcast_in_dim3A_16 {strides = array<i32>} : memref<8x4096xf32, #tpu.memory_space<vmem>>, vector<16xf32>,
      %add3A_986 = arith.constant 80 : i32
      %add3A_987 = arith.addi %mul3A_956, %add3A_986 : i32
      %swap3A_988 = arith.constant 0 : i32
      %swap3A_989 = arith.index_cast %swap3A_988 : i32 to index
      %swap3A_990 = arith.index_cast %add3A_987 : i32 to index
      %swap3A_991 = tpu.vector_load %arg6[%swap3A_989, %swap3A_990] {strides = array<i32>} : memref<8x4096xf32, #tpu.memory_space<vmem>>, vector<16xf32>,
      tpu.vector_store %arg6[%swap3A_989, %swap3A_990], %broadcast_in_dim3A_16 {strides = array<i32>} : memref<8x4096xf32, #tpu.memory_space<vmem>>, vector<16xf32>,
      %add3A_992 = arith.constant 96 : i32
      %add3A_993 = arith.addi %mul3A_956, %add3A_992 : i32
      %swap3A_994 = arith.constant 0 : i32
      %swap3A_995 = arith.index_cast %swap3A_994 : i32 to index
      %swap3A_996 = arith.index_cast %add3A_993 : i32 to index
      %swap3A_997 = tpu.vector_load %arg6[%swap3A_995, %swap3A_996] {strides = array<i32>} : memref<8x4096xf32, #tpu.memory_space<vmem>>, vector<16xf32>,
      tpu.vector_store %arg6[%swap3A_995, %swap3A_996], %broadcast_in_dim3A_16 {strides = array<i32>} : memref<8x4096xf32, #tpu.memory_space<vmem>>, vector<16xf32>,
      %add3A_998 = arith.constant 112 : i32
      %add3A_999 = arith.addi %mul3A_956, %add3A_998 : i32
      %swap3A_1000 = arith.constant 0 : i32
      %swap3A_1001 = arith.index_cast %swap3A_1000 : i32 to index
      %swap3A_1002 = arith.index_cast %add3A_999 : i32 to index
      %swap3A_1003 = tpu.vector_load %arg6[%swap3A_1001, %swap3A_1002] {strides = array<i32>} : memref<8x4096xf32, #tpu.memory_space<vmem>>, vector<16xf32>,
      tpu.vector_store %arg6[%swap3A_1001, %swap3A_1002], %broadcast_in_dim3A_16 {strides = array<i32>} : memref<8x4096xf32, #tpu.memory_space<vmem>>, vector<16xf32>,
      %scan3A_1004 = arith.constant 0 : i32
      scf.yield %scan3A_1004 : i32
    }
    %scan3A_111 = arith.constant 32 : i32
    %scan3A_112 = arith.constant 0 : i32
    %scan3A_113 = arith.constant 0 : i32
    %scan3A_114 = arith.constant 32 : i32
    %scan3A_115 = arith.addi %scan3A_113, %scan3A_114 : i32
    %scan3A_116 = arith.constant 1 : i32
    %scan3A_117 = scf.for %scan3A_953 = %scan3A_113 to %scan3A_115 step %scan3A_116 iter_args(%scan3A_954 = %scan3A_112) -> (i32)  : i32 {
      %mul3A_955 = arith.constant 128 : i32
      %mul3A_956 = arith.muli %scan3A_953, %mul3A_955 : i32
      %add3A_957 = arith.constant 0 : i32
      %add3A_958 = arith.addi %mul3A_956, %add3A_957 : i32
      %swap3A = arith.constant 1 : i32
      %swap3A_959 = arith.index_cast %swap3A : i32 to index
      %swap3A_960 = arith.index_cast %add3A_958 : i32 to index
      %swap3A_961 = tpu.vector_load %arg6[%swap3A_959, %swap3A_960] {strides = array<i32>} : memref<8x4096xf32, #tpu.memory_space<vmem>>, vector<16xf32>,
      tpu.vector_store %arg6[%swap3A_959, %swap3A_960], %broadcast_in_dim3A_16 {strides = array<i32>} : memref<8x4096xf32, #tpu.memory_space<vmem>>, vector<16xf32>,
      %add3A_962 = arith.constant 16 : i32
      %add3A_963 = arith.addi %mul3A_956, %add3A_962 : i32
      %swap3A_964 = arith.constant 1 : i32
      %swap3A_965 = arith.index_cast %swap3A_964 : i32 to index
      %swap3A_966 = arith.index_cast %add3A_963 : i32 to index
      %swap3A_967 = tpu.vector_load %arg6[%swap3A_965, %swap3A_966] {strides = array<i32>} : memref<8x4096xf32, #tpu.memory_space<vmem>>, vector<16xf32>,
      tpu.vector_store %arg6[%swap3A_965, %swap3A_966], %broadcast_in_dim3A_16 {strides = array<i32>} : memref<8x4096xf32, #tpu.memory_space<vmem>>, vector<16xf32>,
      %add3A_968 = arith.constant 32 : i32
      %add3A_969 = arith.addi %mul3A_956, %add3A_968 : i32
      %swap3A_970 = arith.constant 1 : i32
      %swap3A_971 = arith.index_cast %swap3A_970 : i32 to index
      %swap3A_972 = arith.index_cast %add3A_969 : i32 to index
      %swap3A_973 = tpu.vector_load %arg6[%swap3A_971, %swap3A_972] {strides = array<i32>} : memref<8x4096xf32, #tpu.memory_space<vmem>>, vector<16xf32>,
      tpu.vector_store %arg6[%swap3A_971, %swap3A_972], %broadcast_in_dim3A_16 {strides = array<i32>} : memref<8x4096xf32, #tpu.memory_space<vmem>>, vector<16xf32>,
      %add3A_974 = arith.constant 48 : i32
      %add3A_975 = arith.addi %mul3A_956, %add3A_974 : i32
      %swap3A_976 = arith.constant 1 : i32
      %swap3A_977 = arith.index_cast %swap3A_976 : i32 to index
      %swap3A_978 = arith.index_cast %add3A_975 : i32 to index
      %swap3A_979 = tpu.vector_load %arg6[%swap3A_977, %swap3A_978] {strides = array<i32>} : memref<8x4096xf32, #tpu.memory_space<vmem>>, vector<16xf32>,
      tpu.vector_store %arg6[%swap3A_977, %swap3A_978], %broadcast_in_dim3A_16 {strides = array<i32>} : memref<8x4096xf32, #tpu.memory_space<vmem>>, vector<16xf32>,
      %add3A_980 = arith.constant 64 : i32
      %add3A_981 = arith.addi %mul3A_956, %add3A_980 : i32
      %swap3A_982 = arith.constant 1 : i32
      %swap3A_983 = arith.index_cast %swap3A_982 : i32 to index
      %swap3A_984 = arith.index_cast %add3A_981 : i32 to index
      %swap3A_985 = tpu.vector_load %arg6[%swap3A_983, %swap3A_984] {strides = array<i32>} : memref<8x4096xf32, #tpu.memory_space<vmem>>, vector<16xf32>,
      tpu.vector_store %arg6[%swap3A_983, %swap3A_984], %broadcast_in_dim3A_16 {strides = array<i32>} : memref<8x4096xf32, #tpu.memory_space<vmem>>, vector<16xf32>,
      %add3A_986 = arith.constant 80 : i32
      %add3A_987 = arith.addi %mul3A_956, %add3A_986 : i32
      %swap3A_988 = arith.constant 1 : i32
      %swap3A_989 = arith.index_cast %swap3A_988 : i32 to index
      %swap3A_990 = arith.index_cast %add3A_987 : i32 to index
      %swap3A_991 = tpu.vector_load %arg6[%swap3A_989, %swap3A_990] {strides = array<i32>} : memref<8x4096xf32, #tpu.memory_space<vmem>>, vector<16xf32>,
      tpu.vector_store %arg6[%swap3A_989, %swap3A_990], %broadcast_in_dim3A_16 {strides = array<i32>} : memref<8x4096xf32, #tpu.memory_space<vmem>>, vector<16xf32>,
      %add3A_992 = arith.constant 96 : i32
      %add3A_993 = arith.addi %mul3A_956, %add3A_992 : i32
      %swap3A_994 = arith.constant 1 : i32
      %swap3A_995 = arith.index_cast %swap3A_994 : i32 to index
      %swap3A_996 = arith.index_cast %add3A_993 : i32 to index
      %swap3A_997 = tpu.vector_load %arg6[%swap3A_995, %swap3A_996] {strides = array<i32>} : memref<8x4096xf32, #tpu.memory_space<vmem>>, vector<16xf32>,
      tpu.vector_store %arg6[%swap3A_995, %swap3A_996], %broadcast_in_dim3A_16 {strides = array<i32>} : memref<8x4096xf32, #tpu.memory_space<vmem>>, vector<16xf32>,
      %add3A_998 = arith.constant 112 : i32
      %add3A_999 = arith.addi %mul3A_956, %add3A_998 : i32
      %swap3A_1000 = arith.constant 1 : i32
      %swap3A_1001 = arith.index_cast %swap3A_1000 : i32 to index
      %swap3A_1002 = arith.index_cast %add3A_999 : i32 to index
      %swap3A_1003 = tpu.vector_load %arg6[%swap3A_1001, %swap3A_1002] {strides = array<i32>} : memref<8x4096xf32, #tpu.memory_space<vmem>>, vector<16xf32>,
      tpu.vector_store %arg6[%swap3A_1001, %swap3A_1002], %broadcast_in_dim3A_16 {strides = array<i32>} : memref<8x4096xf32, #tpu.memory_space<vmem>>, vector<16xf32>,
      %scan3A_1004 = arith.constant 0 : i32
      scf.yield %scan3A_1004 : i32
    }
    %scan3A_118 = arith.constant 32 : i32
    %scan3A_119 = arith.constant 0 : i32
    %scan3A_120 = arith.constant 0 : i32
    %scan3A_121 = arith.constant 32 : i32
    %scan3A_122 = arith.addi %scan3A_120, %scan3A_121 : i32
    %scan3A_123 = arith.constant 1 : i32
    %scan3A_124 = scf.for %scan3A_953 = %scan3A_120 to %scan3A_122 step %scan3A_123 iter_args(%scan3A_954 = %scan3A_119) -> (i32)  : i32 {
      %mul3A_955 = arith.constant 128 : i32
      %mul3A_956 = arith.muli %scan3A_953, %mul3A_955 : i32
      %add3A_957 = arith.constant 0 : i32
      %add3A_958 = arith.addi %mul3A_956, %add3A_957 : i32
      %swap3A = arith.constant 2 : i32
      %swap3A_959 = arith.index_cast %swap3A : i32 to index
      %swap3A_960 = arith.index_cast %add3A_958 : i32 to index
      %swap3A_961 = tpu.vector_load %arg6[%swap3A_959, %swap3A_960] {strides = array<i32>} : memref<8x4096xf32, #tpu.memory_space<vmem>>, vector<16xf32>,
      tpu.vector_store %arg6[%swap3A_959, %swap3A_960], %broadcast_in_dim3A_16 {strides = array<i32>} : memref<8x4096xf32, #tpu.memory_space<vmem>>, vector<16xf32>,
      %add3A_962 = arith.constant 16 : i32
      %add3A_963 = arith.addi %mul3A_956, %add3A_962 : i32
      %swap3A_964 = arith.constant 2 : i32
      %swap3A_965 = arith.index_cast %swap3A_964 : i32 to index
      %swap3A_966 = arith.index_cast %add3A_963 : i32 to index
      %swap3A_967 = tpu.vector_load %arg6[%swap3A_965, %swap3A_966] {strides = array<i32>} : memref<8x4096xf32, #tpu.memory_space<vmem>>, vector<16xf32>,
      tpu.vector_store %arg6[%swap3A_965, %swap3A_966], %broadcast_in_dim3A_16 {strides = array<i32>} : memref<8x4096xf32, #tpu.memory_space<vmem>>, vector<16xf32>,
      %add3A_968 = arith.constant 32 : i32
      %add3A_969 = arith.addi %mul3A_956, %add3A_968 : i32
      %swap3A_970 = arith.constant 2 : i32
      %swap3A_971 = arith.index_cast %swap3A_970 : i32 to index
      %swap3A_972 = arith.index_cast %add3A_969 : i32 to index
      %swap3A_973 = tpu.vector_load %arg6[%swap3A_971, %swap3A_972] {strides = array<i32>} : memref<8x4096xf32, #tpu.memory_space<vmem>>, vector<16xf32>,
      tpu.vector_store %arg6[%swap3A_971, %swap3A_972], %broadcast_in_dim3A_16 {strides = array<i32>} : memref<8x4096xf32, #tpu.memory_space<vmem>>, vector<16xf32>,
      %add3A_974 = arith.constant 48 : i32
      %add3A_975 = arith.addi %mul3A_956, %add3A_974 : i32
      %swap3A_976 = arith.constant 2 : i32
      %swap3A_977 = arith.index_cast %swap3A_976 : i32 to index
      %swap3A_978 = arith.index_cast %add3A_975 : i32 to index
      %swap3A_979 = tpu.vector_load %arg6[%swap3A_977, %swap3A_978] {strides = array<i32>} : memref<8x4096xf32, #tpu.memory_space<vmem>>, vector<16xf32>,
      tpu.vector_store %arg6[%swap3A_977, %swap3A_978], %broadcast_in_dim3A_16 {strides = array<i32>} : memref<8x4096xf32, #tpu.memory_space<vmem>>, vector<16xf32>,
      %add3A_980 = arith.constant 64 : i32
      %add3A_981 = arith.addi %mul3A_956, %add3A_980 : i32
      %swap3A_982 = arith.constant 2 : i32
      %swap3A_983 = arith.index_cast %swap3A_982 : i32 to index
      %swap3A_984 = arith.index_cast %add3A_981 : i32 to index
      %swap3A_985 = tpu.vector_load %arg6[%swap3A_983, %swap3A_984] {strides = array<i32>} : memref<8x4096xf32, #tpu.memory_space<vmem>>, vector<16xf32>,
      tpu.vector_store %arg6[%swap3A_983, %swap3A_984], %broadcast_in_dim3A_16 {strides = array<i32>} : memref<8x4096xf32, #tpu.memory_space<vmem>>, vector<16xf32>,
      %add3A_986 = arith.constant 80 : i32
      %add3A_987 = arith.addi %mul3A_956, %add3A_986 : i32
      %swap3A_988 = arith.constant 2 : i32
      %swap3A_989 = arith.index_cast %swap3A_988 : i32 to index
      %swap3A_990 = arith.index_cast %add3A_987 : i32 to index
      %swap3A_991 = tpu.vector_load %arg6[%swap3A_989, %swap3A_990] {strides = array<i32>} : memref<8x4096xf32, #tpu.memory_space<vmem>>, vector<16xf32>,
      tpu.vector_store %arg6[%swap3A_989, %swap3A_990], %broadcast_in_dim3A_16 {strides = array<i32>} : memref<8x4096xf32, #tpu.memory_space<vmem>>, vector<16xf32>,
      %add3A_992 = arith.constant 96 : i32
      %add3A_993 = arith.addi %mul3A_956, %add3A_992 : i32
      %swap3A_994 = arith.constant 2 : i32
      %swap3A_995 = arith.index_cast %swap3A_994 : i32 to index
      %swap3A_996 = arith.index_cast %add3A_993 : i32 to index
      %swap3A_997 = tpu.vector_load %arg6[%swap3A_995, %swap3A_996] {strides = array<i32>} : memref<8x4096xf32, #tpu.memory_space<vmem>>, vector<16xf32>,
      tpu.vector_store %arg6[%swap3A_995, %swap3A_996], %broadcast_in_dim3A_16 {strides = array<i32>} : memref<8x4096xf32, #tpu.memory_space<vmem>>, vector<16xf32>,
      %add3A_998 = arith.constant 112 : i32
      %add3A_999 = arith.addi %mul3A_956, %add3A_998 : i32
      %swap3A_1000 = arith.constant 2 : i32
      %swap3A_1001 = arith.index_cast %swap3A_1000 : i32 to index
      %swap3A_1002 = arith.index_cast %add3A_999 : i32 to index
      %swap3A_1003 = tpu.vector_load %arg6[%swap3A_1001, %swap3A_1002] {strides = array<i32>} : memref<8x4096xf32, #tpu.memory_space<vmem>>, vector<16xf32>,
      tpu.vector_store %arg6[%swap3A_1001, %swap3A_1002], %broadcast_in_dim3A_16 {strides = array<i32>} : memref<8x4096xf32, #tpu.memory_space<vmem>>, vector<16xf32>,
      %scan3A_1004 = arith.constant 0 : i32
      scf.yield %scan3A_1004 : i32
    }
    %scan3A_125 = arith.constant 32 : i32
    %scan3A_126 = arith.constant 0 : i32
    %scan3A_127 = arith.constant 0 : i32
    %scan3A_128 = arith.constant 32 : i32
    %scan3A_129 = arith.addi %scan3A_127, %scan3A_128 : i32
    %scan3A_130 = arith.constant 1 : i32
    %scan3A_131 = scf.for %scan3A_953 = %scan3A_127 to %scan3A_129 step %scan3A_130 iter_args(%scan3A_954 = %scan3A_126) -> (i32)  : i32 {
      %mul3A_955 = arith.constant 128 : i32
      %mul3A_956 = arith.muli %scan3A_953, %mul3A_955 : i32
      %add3A_957 = arith.constant 0 : i32
      %add3A_958 = arith.addi %mul3A_956, %add3A_957 : i32
      %swap3A = arith.constant 3 : i32
      %swap3A_959 = arith.index_cast %swap3A : i32 to index
      %swap3A_960 = arith.index_cast %add3A_958 : i32 to index
      %swap3A_961 = tpu.vector_load %arg6[%swap3A_959, %swap3A_960] {strides = array<i32>} : memref<8x4096xf32, #tpu.memory_space<vmem>>, vector<16xf32>,
      tpu.vector_store %arg6[%swap3A_959, %swap3A_960], %broadcast_in_dim3A_16 {strides = array<i32>} : memref<8x4096xf32, #tpu.memory_space<vmem>>, vector<16xf32>,
      %add3A_962 = arith.constant 16 : i32
      %add3A_963 = arith.addi %mul3A_956, %add3A_962 : i32
      %swap3A_964 = arith.constant 3 : i32
      %swap3A_965 = arith.index_cast %swap3A_964 : i32 to index
      %swap3A_966 = arith.index_cast %add3A_963 : i32 to index
      %swap3A_967 = tpu.vector_load %arg6[%swap3A_965, %swap3A_966] {strides = array<i32>} : memref<8x4096xf32, #tpu.memory_space<vmem>>, vector<16xf32>,
      tpu.vector_store %arg6[%swap3A_965, %swap3A_966], %broadcast_in_dim3A_16 {strides = array<i32>} : memref<8x4096xf32, #tpu.memory_space<vmem>>, vector<16xf32>,
      %add3A_968 = arith.constant 32 : i32
      %add3A_969 = arith.addi %mul3A_956, %add3A_968 : i32
      %swap3A_970 = arith.constant 3 : i32
      %swap3A_971 = arith.index_cast %swap3A_970 : i32 to index
      %swap3A_972 = arith.index_cast %add3A_969 : i32 to index
      %swap3A_973 = tpu.vector_load %arg6[%swap3A_971, %swap3A_972] {strides = array<i32>} : memref<8x4096xf32, #tpu.memory_space<vmem>>, vector<16xf32>,
      tpu.vector_store %arg6[%swap3A_971, %swap3A_972], %broadcast_in_dim3A_16 {strides = array<i32>} : memref<8x4096xf32, #tpu.memory_space<vmem>>, vector<16xf32>,
      %add3A_974 = arith.constant 48 : i32
      %add3A_975 = arith.addi %mul3A_956, %add3A_974 : i32
      %swap3A_976 = arith.constant 3 : i32
      %swap3A_977 = arith.index_cast %swap3A_976 : i32 to index
      %swap3A_978 = arith.index_cast %add3A_975 : i32 to index
      %swap3A_979 = tpu.vector_load %arg6[%swap3A_977, %swap3A_978] {strides = array<i32>} : memref<8x4096xf32, #tpu.memory_space<vmem>>, vector<16xf32>,
      tpu.vector_store %arg6[%swap3A_977, %swap3A_978], %broadcast_in_dim3A_16 {strides = array<i32>} : memref<8x4096xf32, #tpu.memory_space<vmem>>, vector<16xf32>,
      %add3A_980 = arith.constant 64 : i32
      %add3A_981 = arith.addi %mul3A_956, %add3A_980 : i32
      %swap3A_982 = arith.constant 3 : i32
      %swap3A_983 = arith.index_cast %swap3A_982 : i32 to index
      %swap3A_984 = arith.index_cast %add3A_981 : i32 to index
      %swap3A_985 = tpu.vector_load %arg6[%swap3A_983, %swap3A_984] {strides = array<i32>} : memref<8x4096xf32, #tpu.memory_space<vmem>>, vector<16xf32>,
      tpu.vector_store %arg6[%swap3A_983, %swap3A_984], %broadcast_in_dim3A_16 {strides = array<i32>} : memref<8x4096xf32, #tpu.memory_space<vmem>>, vector<16xf32>,
      %add3A_986 = arith.constant 80 : i32
      %add3A_987 = arith.addi %mul3A_956, %add3A_986 : i32
      %swap3A_988 = arith.constant 3 : i32
      %swap3A_989 = arith.index_cast %swap3A_988 : i32 to index
      %swap3A_990 = arith.index_cast %add3A_987 : i32 to index
      %swap3A_991 = tpu.vector_load %arg6[%swap3A_989, %swap3A_990] {strides = array<i32>} : memref<8x4096xf32, #tpu.memory_space<vmem>>, vector<16xf32>,
      tpu.vector_store %arg6[%swap3A_989, %swap3A_990], %broadcast_in_dim3A_16 {strides = array<i32>} : memref<8x4096xf32, #tpu.memory_space<vmem>>, vector<16xf32>,
      %add3A_992 = arith.constant 96 : i32
      %add3A_993 = arith.addi %mul3A_956, %add3A_992 : i32
      %swap3A_994 = arith.constant 3 : i32
      %swap3A_995 = arith.index_cast %swap3A_994 : i32 to index
      %swap3A_996 = arith.index_cast %add3A_993 : i32 to index
      %swap3A_997 = tpu.vector_load %arg6[%swap3A_995, %swap3A_996] {strides = array<i32>} : memref<8x4096xf32, #tpu.memory_space<vmem>>, vector<16xf32>,
      tpu.vector_store %arg6[%swap3A_995, %swap3A_996], %broadcast_in_dim3A_16 {strides = array<i32>} : memref<8x4096xf32, #tpu.memory_space<vmem>>, vector<16xf32>,
      %add3A_998 = arith.constant 112 : i32
      %add3A_999 = arith.addi %mul3A_956, %add3A_998 : i32
      %swap3A_1000 = arith.constant 3 : i32
      %swap3A_1001 = arith.index_cast %swap3A_1000 : i32 to index
      %swap3A_1002 = arith.index_cast %add3A_999 : i32 to index
      %swap3A_1003 = tpu.vector_load %arg6[%swap3A_1001, %swap3A_1002] {strides = array<i32>} : memref<8x4096xf32, #tpu.memory_space<vmem>>, vector<16xf32>,
      tpu.vector_store %arg6[%swap3A_1001, %swap3A_1002], %broadcast_in_dim3A_16 {strides = array<i32>} : memref<8x4096xf32, #tpu.memory_space<vmem>>, vector<16xf32>,
      %scan3A_1004 = arith.constant 0 : i32
      scf.yield %scan3A_1004 : i32
    }
    %scan3A_132 = arith.constant 32 : i32
    %scan3A_133 = arith.constant 0 : i32
    %scan3A_134 = arith.constant 0 : i32
    %scan3A_135 = arith.constant 32 : i32
    %scan3A_136 = arith.addi %scan3A_134, %scan3A_135 : i32
    %scan3A_137 = arith.constant 1 : i32
    %scan3A_138 = scf.for %scan3A_953 = %scan3A_134 to %scan3A_136 step %scan3A_137 iter_args(%scan3A_954 = %scan3A_133) -> (i32)  : i32 {
      %mul3A_955 = arith.constant 128 : i32
      %mul3A_956 = arith.muli %scan3A_953, %mul3A_955 : i32
      %add3A_957 = arith.constant 0 : i32
      %add3A_958 = arith.addi %mul3A_956, %add3A_957 : i32
      %swap3A = arith.constant 4 : i32
      %swap3A_959 = arith.index_cast %swap3A : i32 to index
      %swap3A_960 = arith.index_cast %add3A_958 : i32 to index
      %swap3A_961 = tpu.vector_load %arg6[%swap3A_959, %swap3A_960] {strides = array<i32>} : memref<8x4096xf32, #tpu.memory_space<vmem>>, vector<16xf32>,
      tpu.vector_store %arg6[%swap3A_959, %swap3A_960], %broadcast_in_dim3A_16 {strides = array<i32>} : memref<8x4096xf32, #tpu.memory_space<vmem>>, vector<16xf32>,
      %add3A_962 = arith.constant 16 : i32
      %add3A_963 = arith.addi %mul3A_956, %add3A_962 : i32
      %swap3A_964 = arith.constant 4 : i32
      %swap3A_965 = arith.index_cast %swap3A_964 : i32 to index
      %swap3A_966 = arith.index_cast %add3A_963 : i32 to index
      %swap3A_967 = tpu.vector_load %arg6[%swap3A_965, %swap3A_966] {strides = array<i32>} : memref<8x4096xf32, #tpu.memory_space<vmem>>, vector<16xf32>,
      tpu.vector_store %arg6[%swap3A_965, %swap3A_966], %broadcast_in_dim3A_16 {strides = array<i32>} : memref<8x4096xf32, #tpu.memory_space<vmem>>, vector<16xf32>,
      %add3A_968 = arith.constant 32 : i32
      %add3A_969 = arith.addi %mul3A_956, %add3A_968 : i32
      %swap3A_970 = arith.constant 4 : i32
      %swap3A_971 = arith.index_cast %swap3A_970 : i32 to index
      %swap3A_972 = arith.index_cast %add3A_969 : i32 to index
      %swap3A_973 = tpu.vector_load %arg6[%swap3A_971, %swap3A_972] {strides = array<i32>} : memref<8x4096xf32, #tpu.memory_space<vmem>>, vector<16xf32>,
      tpu.vector_store %arg6[%swap3A_971, %swap3A_972], %broadcast_in_dim3A_16 {strides = array<i32>} : memref<8x4096xf32, #tpu.memory_space<vmem>>, vector<16xf32>,
      %add3A_974 = arith.constant 48 : i32
      %add3A_975 = arith.addi %mul3A_956, %add3A_974 : i32
      %swap3A_976 = arith.constant 4 : i32
      %swap3A_977 = arith.index_cast %swap3A_976 : i32 to index
      %swap3A_978 = arith.index_cast %add3A_975 : i32 to index
      %swap3A_979 = tpu.vector_load %arg6[%swap3A_977, %swap3A_978] {strides = array<i32>} : memref<8x4096xf32, #tpu.memory_space<vmem>>, vector<16xf32>,
      tpu.vector_store %arg6[%swap3A_977, %swap3A_978], %broadcast_in_dim3A_16 {strides = array<i32>} : memref<8x4096xf32, #tpu.memory_space<vmem>>, vector<16xf32>,
      %add3A_980 = arith.constant 64 : i32
      %add3A_981 = arith.addi %mul3A_956, %add3A_980 : i32
      %swap3A_982 = arith.constant 4 : i32
      %swap3A_983 = arith.index_cast %swap3A_982 : i32 to index
      %swap3A_984 = arith.index_cast %add3A_981 : i32 to index
      %swap3A_985 = tpu.vector_load %arg6[%swap3A_983, %swap3A_984] {strides = array<i32>} : memref<8x4096xf32, #tpu.memory_space<vmem>>, vector<16xf32>,
      tpu.vector_store %arg6[%swap3A_983, %swap3A_984], %broadcast_in_dim3A_16 {strides = array<i32>} : memref<8x4096xf32, #tpu.memory_space<vmem>>, vector<16xf32>,
      %add3A_986 = arith.constant 80 : i32
      %add3A_987 = arith.addi %mul3A_956, %add3A_986 : i32
      %swap3A_988 = arith.constant 4 : i32
      %swap3A_989 = arith.index_cast %swap3A_988 : i32 to index
      %swap3A_990 = arith.index_cast %add3A_987 : i32 to index
      %swap3A_991 = tpu.vector_load %arg6[%swap3A_989, %swap3A_990] {strides = array<i32>} : memref<8x4096xf32, #tpu.memory_space<vmem>>, vector<16xf32>,
      tpu.vector_store %arg6[%swap3A_989, %swap3A_990], %broadcast_in_dim3A_16 {strides = array<i32>} : memref<8x4096xf32, #tpu.memory_space<vmem>>, vector<16xf32>,
      %add3A_992 = arith.constant 96 : i32
      %add3A_993 = arith.addi %mul3A_956, %add3A_992 : i32
      %swap3A_994 = arith.constant 4 : i32
      %swap3A_995 = arith.index_cast %swap3A_994 : i32 to index
      %swap3A_996 = arith.index_cast %add3A_993 : i32 to index
      %swap3A_997 = tpu.vector_load %arg6[%swap3A_995, %swap3A_996] {strides = array<i32>} : memref<8x4096xf32, #tpu.memory_space<vmem>>, vector<16xf32>,
      tpu.vector_store %arg6[%swap3A_995, %swap3A_996], %broadcast_in_dim3A_16 {strides = array<i32>} : memref<8x4096xf32, #tpu.memory_space<vmem>>, vector<16xf32>,
      %add3A_998 = arith.constant 112 : i32
      %add3A_999 = arith.addi %mul3A_956, %add3A_998 : i32
      %swap3A_1000 = arith.constant 4 : i32
      %swap3A_1001 = arith.index_cast %swap3A_1000 : i32 to index
      %swap3A_1002 = arith.index_cast %add3A_999 : i32 to index
      %swap3A_1003 = tpu.vector_load %arg6[%swap3A_1001, %swap3A_1002] {strides = array<i32>} : memref<8x4096xf32, #tpu.memory_space<vmem>>, vector<16xf32>,
      tpu.vector_store %arg6[%swap3A_1001, %swap3A_1002], %broadcast_in_dim3A_16 {strides = array<i32>} : memref<8x4096xf32, #tpu.memory_space<vmem>>, vector<16xf32>,
      %scan3A_1004 = arith.constant 0 : i32
      scf.yield %scan3A_1004 : i32
    }
    %scan3A_139 = arith.constant 32 : i32
    %scan3A_140 = arith.constant 0 : i32
    %scan3A_141 = arith.constant 0 : i32
    %scan3A_142 = arith.constant 32 : i32
    %scan3A_143 = arith.addi %scan3A_141, %scan3A_142 : i32
    %scan3A_144 = arith.constant 1 : i32
    %scan3A_145 = scf.for %scan3A_953 = %scan3A_141 to %scan3A_143 step %scan3A_144 iter_args(%scan3A_954 = %scan3A_140) -> (i32)  : i32 {
      %mul3A_955 = arith.constant 128 : i32
      %mul3A_956 = arith.muli %scan3A_953, %mul3A_955 : i32
      %add3A_957 = arith.constant 0 : i32
      %add3A_958 = arith.addi %mul3A_956, %add3A_957 : i32
      %swap3A = arith.constant 5 : i32
      %swap3A_959 = arith.index_cast %swap3A : i32 to index
      %swap3A_960 = arith.index_cast %add3A_958 : i32 to index
      %swap3A_961 = tpu.vector_load %arg6[%swap3A_959, %swap3A_960] {strides = array<i32>} : memref<8x4096xf32, #tpu.memory_space<vmem>>, vector<16xf32>,
      tpu.vector_store %arg6[%swap3A_959, %swap3A_960], %broadcast_in_dim3A_16 {strides = array<i32>} : memref<8x4096xf32, #tpu.memory_space<vmem>>, vector<16xf32>,
      %add3A_962 = arith.constant 16 : i32
      %add3A_963 = arith.addi %mul3A_956, %add3A_962 : i32
      %swap3A_964 = arith.constant 5 : i32
      %swap3A_965 = arith.index_cast %swap3A_964 : i32 to index
      %swap3A_966 = arith.index_cast %add3A_963 : i32 to index
      %swap3A_967 = tpu.vector_load %arg6[%swap3A_965, %swap3A_966] {strides = array<i32>} : memref<8x4096xf32, #tpu.memory_space<vmem>>, vector<16xf32>,
      tpu.vector_store %arg6[%swap3A_965, %swap3A_966], %broadcast_in_dim3A_16 {strides = array<i32>} : memref<8x4096xf32, #tpu.memory_space<vmem>>, vector<16xf32>,
      %add3A_968 = arith.constant 32 : i32
      %add3A_969 = arith.addi %mul3A_956, %add3A_968 : i32
      %swap3A_970 = arith.constant 5 : i32
      %swap3A_971 = arith.index_cast %swap3A_970 : i32 to index
      %swap3A_972 = arith.index_cast %add3A_969 : i32 to index
      %swap3A_973 = tpu.vector_load %arg6[%swap3A_971, %swap3A_972] {strides = array<i32>} : memref<8x4096xf32, #tpu.memory_space<vmem>>, vector<16xf32>,
      tpu.vector_store %arg6[%swap3A_971, %swap3A_972], %broadcast_in_dim3A_16 {strides = array<i32>} : memref<8x4096xf32, #tpu.memory_space<vmem>>, vector<16xf32>,
      %add3A_974 = arith.constant 48 : i32
      %add3A_975 = arith.addi %mul3A_956, %add3A_974 : i32
      %swap3A_976 = arith.constant 5 : i32
      %swap3A_977 = arith.index_cast %swap3A_976 : i32 to index
      %swap3A_978 = arith.index_cast %add3A_975 : i32 to index
      %swap3A_979 = tpu.vector_load %arg6[%swap3A_977, %swap3A_978] {strides = array<i32>} : memref<8x4096xf32, #tpu.memory_space<vmem>>, vector<16xf32>,
      tpu.vector_store %arg6[%swap3A_977, %swap3A_978], %broadcast_in_dim3A_16 {strides = array<i32>} : memref<8x4096xf32, #tpu.memory_space<vmem>>, vector<16xf32>,
      %add3A_980 = arith.constant 64 : i32
      %add3A_981 = arith.addi %mul3A_956, %add3A_980 : i32
      %swap3A_982 = arith.constant 5 : i32
      %swap3A_983 = arith.index_cast %swap3A_982 : i32 to index
      %swap3A_984 = arith.index_cast %add3A_981 : i32 to index
      %swap3A_985 = tpu.vector_load %arg6[%swap3A_983, %swap3A_984] {strides = array<i32>} : memref<8x4096xf32, #tpu.memory_space<vmem>>, vector<16xf32>,
      tpu.vector_store %arg6[%swap3A_983, %swap3A_984], %broadcast_in_dim3A_16 {strides = array<i32>} : memref<8x4096xf32, #tpu.memory_space<vmem>>, vector<16xf32>,
      %add3A_986 = arith.constant 80 : i32
      %add3A_987 = arith.addi %mul3A_956, %add3A_986 : i32
      %swap3A_988 = arith.constant 5 : i32
      %swap3A_989 = arith.index_cast %swap3A_988 : i32 to index
      %swap3A_990 = arith.index_cast %add3A_987 : i32 to index
      %swap3A_991 = tpu.vector_load %arg6[%swap3A_989, %swap3A_990] {strides = array<i32>} : memref<8x4096xf32, #tpu.memory_space<vmem>>, vector<16xf32>,
      tpu.vector_store %arg6[%swap3A_989, %swap3A_990], %broadcast_in_dim3A_16 {strides = array<i32>} : memref<8x4096xf32, #tpu.memory_space<vmem>>, vector<16xf32>,
      %add3A_992 = arith.constant 96 : i32
      %add3A_993 = arith.addi %mul3A_956, %add3A_992 : i32
      %swap3A_994 = arith.constant 5 : i32
      %swap3A_995 = arith.index_cast %swap3A_994 : i32 to index
      %swap3A_996 = arith.index_cast %add3A_993 : i32 to index
      %swap3A_997 = tpu.vector_load %arg6[%swap3A_995, %swap3A_996] {strides = array<i32>} : memref<8x4096xf32, #tpu.memory_space<vmem>>, vector<16xf32>,
      tpu.vector_store %arg6[%swap3A_995, %swap3A_996], %broadcast_in_dim3A_16 {strides = array<i32>} : memref<8x4096xf32, #tpu.memory_space<vmem>>, vector<16xf32>,
      %add3A_998 = arith.constant 112 : i32
      %add3A_999 = arith.addi %mul3A_956, %add3A_998 : i32
      %swap3A_1000 = arith.constant 5 : i32
      %swap3A_1001 = arith.index_cast %swap3A_1000 : i32 to index
      %swap3A_1002 = arith.index_cast %add3A_999 : i32 to index
      %swap3A_1003 = tpu.vector_load %arg6[%swap3A_1001, %swap3A_1002] {strides = array<i32>} : memref<8x4096xf32, #tpu.memory_space<vmem>>, vector<16xf32>,
      tpu.vector_store %arg6[%swap3A_1001, %swap3A_1002], %broadcast_in_dim3A_16 {strides = array<i32>} : memref<8x4096xf32, #tpu.memory_space<vmem>>, vector<16xf32>,
      %scan3A_1004 = arith.constant 0 : i32
      scf.yield %scan3A_1004 : i32
    }
    %scan3A_146 = arith.constant 32 : i32
    %scan3A_147 = arith.constant 0 : i32
    %scan3A_148 = arith.constant 0 : i32
    %scan3A_149 = arith.constant 32 : i32
    %scan3A_150 = arith.addi %scan3A_148, %scan3A_149 : i32
    %scan3A_151 = arith.constant 1 : i32
    %scan3A_152 = scf.for %scan3A_953 = %scan3A_148 to %scan3A_150 step %scan3A_151 iter_args(%scan3A_954 = %scan3A_147) -> (i32)  : i32 {
      %mul3A_955 = arith.constant 128 : i32
      %mul3A_956 = arith.muli %scan3A_953, %mul3A_955 : i32
      %add3A_957 = arith.constant 0 : i32
      %add3A_958 = arith.addi %mul3A_956, %add3A_957 : i32
      %swap3A = arith.constant 6 : i32
      %swap3A_959 = arith.index_cast %swap3A : i32 to index
      %swap3A_960 = arith.index_cast %add3A_958 : i32 to index
      %swap3A_961 = tpu.vector_load %arg6[%swap3A_959, %swap3A_960] {strides = array<i32>} : memref<8x4096xf32, #tpu.memory_space<vmem>>, vector<16xf32>,
      tpu.vector_store %arg6[%swap3A_959, %swap3A_960], %broadcast_in_dim3A_16 {strides = array<i32>} : memref<8x4096xf32, #tpu.memory_space<vmem>>, vector<16xf32>,
      %add3A_962 = arith.constant 16 : i32
      %add3A_963 = arith.addi %mul3A_956, %add3A_962 : i32
      %swap3A_964 = arith.constant 6 : i32
      %swap3A_965 = arith.index_cast %swap3A_964 : i32 to index
      %swap3A_966 = arith.index_cast %add3A_963 : i32 to index
      %swap3A_967 = tpu.vector_load %arg6[%swap3A_965, %swap3A_966] {strides = array<i32>} : memref<8x4096xf32, #tpu.memory_space<vmem>>, vector<16xf32>,
      tpu.vector_store %arg6[%swap3A_965, %swap3A_966], %broadcast_in_dim3A_16 {strides = array<i32>} : memref<8x4096xf32, #tpu.memory_space<vmem>>, vector<16xf32>,
      %add3A_968 = arith.constant 32 : i32
      %add3A_969 = arith.addi %mul3A_956, %add3A_968 : i32
      %swap3A_970 = arith.constant 6 : i32
      %swap3A_971 = arith.index_cast %swap3A_970 : i32 to index
      %swap3A_972 = arith.index_cast %add3A_969 : i32 to index
      %swap3A_973 = tpu.vector_load %arg6[%swap3A_971, %swap3A_972] {strides = array<i32>} : memref<8x4096xf32, #tpu.memory_space<vmem>>, vector<16xf32>,
      tpu.vector_store %arg6[%swap3A_971, %swap3A_972], %broadcast_in_dim3A_16 {strides = array<i32>} : memref<8x4096xf32, #tpu.memory_space<vmem>>, vector<16xf32>,
      %add3A_974 = arith.constant 48 : i32
      %add3A_975 = arith.addi %mul3A_956, %add3A_974 : i32
      %swap3A_976 = arith.constant 6 : i32
      %swap3A_977 = arith.index_cast %swap3A_976 : i32 to index
      %swap3A_978 = arith.index_cast %add3A_975 : i32 to index
      %swap3A_979 = tpu.vector_load %arg6[%swap3A_977, %swap3A_978] {strides = array<i32>} : memref<8x4096xf32, #tpu.memory_space<vmem>>, vector<16xf32>,
      tpu.vector_store %arg6[%swap3A_977, %swap3A_978], %broadcast_in_dim3A_16 {strides = array<i32>} : memref<8x4096xf32, #tpu.memory_space<vmem>>, vector<16xf32>,
      %add3A_980 = arith.constant 64 : i32
      %add3A_981 = arith.addi %mul3A_956, %add3A_980 : i32
      %swap3A_982 = arith.constant 6 : i32
      %swap3A_983 = arith.index_cast %swap3A_982 : i32 to index
      %swap3A_984 = arith.index_cast %add3A_981 : i32 to index
      %swap3A_985 = tpu.vector_load %arg6[%swap3A_983, %swap3A_984] {strides = array<i32>} : memref<8x4096xf32, #tpu.memory_space<vmem>>, vector<16xf32>,
      tpu.vector_store %arg6[%swap3A_983, %swap3A_984], %broadcast_in_dim3A_16 {strides = array<i32>} : memref<8x4096xf32, #tpu.memory_space<vmem>>, vector<16xf32>,
      %add3A_986 = arith.constant 80 : i32
      %add3A_987 = arith.addi %mul3A_956, %add3A_986 : i32
      %swap3A_988 = arith.constant 6 : i32
      %swap3A_989 = arith.index_cast %swap3A_988 : i32 to index
      %swap3A_990 = arith.index_cast %add3A_987 : i32 to index
      %swap3A_991 = tpu.vector_load %arg6[%swap3A_989, %swap3A_990] {strides = array<i32>} : memref<8x4096xf32, #tpu.memory_space<vmem>>, vector<16xf32>,
      tpu.vector_store %arg6[%swap3A_989, %swap3A_990], %broadcast_in_dim3A_16 {strides = array<i32>} : memref<8x4096xf32, #tpu.memory_space<vmem>>, vector<16xf32>,
      %add3A_992 = arith.constant 96 : i32
      %add3A_993 = arith.addi %mul3A_956, %add3A_992 : i32
      %swap3A_994 = arith.constant 6 : i32
      %swap3A_995 = arith.index_cast %swap3A_994 : i32 to index
      %swap3A_996 = arith.index_cast %add3A_993 : i32 to index
      %swap3A_997 = tpu.vector_load %arg6[%swap3A_995, %swap3A_996] {strides = array<i32>} : memref<8x4096xf32, #tpu.memory_space<vmem>>, vector<16xf32>,
      tpu.vector_store %arg6[%swap3A_995, %swap3A_996], %broadcast_in_dim3A_16 {strides = array<i32>} : memref<8x4096xf32, #tpu.memory_space<vmem>>, vector<16xf32>,
      %add3A_998 = arith.constant 112 : i32
      %add3A_999 = arith.addi %mul3A_956, %add3A_998 : i32
      %swap3A_1000 = arith.constant 6 : i32
      %swap3A_1001 = arith.index_cast %swap3A_1000 : i32 to index
      %swap3A_1002 = arith.index_cast %add3A_999 : i32 to index
      %swap3A_1003 = tpu.vector_load %arg6[%swap3A_1001, %swap3A_1002] {strides = array<i32>} : memref<8x4096xf32, #tpu.memory_space<vmem>>, vector<16xf32>,
      tpu.vector_store %arg6[%swap3A_1001, %swap3A_1002], %broadcast_in_dim3A_16 {strides = array<i32>} : memref<8x4096xf32, #tpu.memory_space<vmem>>, vector<16xf32>,
      %scan3A_1004 = arith.constant 0 : i32
      scf.yield %scan3A_1004 : i32
    }
    %scan3A_153 = arith.constant 32 : i32
    %scan3A_154 = arith.constant 0 : i32
    %scan3A_155 = arith.constant 0 : i32
    %scan3A_156 = arith.constant 32 : i32
    %scan3A_157 = arith.addi %scan3A_155, %scan3A_156 : i32
    %scan3A_158 = arith.constant 1 : i32
    %scan3A_159 = scf.for %scan3A_953 = %scan3A_155 to %scan3A_157 step %scan3A_158 iter_args(%scan3A_954 = %scan3A_154) -> (i32)  : i32 {
      %mul3A_955 = arith.constant 128 : i32
      %mul3A_956 = arith.muli %scan3A_953, %mul3A_955 : i32
      %add3A_957 = arith.constant 0 : i32
      %add3A_958 = arith.addi %mul3A_956, %add3A_957 : i32
      %swap3A = arith.constant 7 : i32
      %swap3A_959 = arith.index_cast %swap3A : i32 to index
      %swap3A_960 = arith.index_cast %add3A_958 : i32 to index
      %swap3A_961 = tpu.vector_load %arg6[%swap3A_959, %swap3A_960] {strides = array<i32>} : memref<8x4096xf32, #tpu.memory_space<vmem>>, vector<16xf32>,
      tpu.vector_store %arg6[%swap3A_959, %swap3A_960], %broadcast_in_dim3A_16 {strides = array<i32>} : memref<8x4096xf32, #tpu.memory_space<vmem>>, vector<16xf32>,
      %add3A_962 = arith.constant 16 : i32
      %add3A_963 = arith.addi %mul3A_956, %add3A_962 : i32
      %swap3A_964 = arith.constant 7 : i32
      %swap3A_965 = arith.index_cast %swap3A_964 : i32 to index
      %swap3A_966 = arith.index_cast %add3A_963 : i32 to index
      %swap3A_967 = tpu.vector_load %arg6[%swap3A_965, %swap3A_966] {strides = array<i32>} : memref<8x4096xf32, #tpu.memory_space<vmem>>, vector<16xf32>,
      tpu.vector_store %arg6[%swap3A_965, %swap3A_966], %broadcast_in_dim3A_16 {strides = array<i32>} : memref<8x4096xf32, #tpu.memory_space<vmem>>, vector<16xf32>,
      %add3A_968 = arith.constant 32 : i32
      %add3A_969 = arith.addi %mul3A_956, %add3A_968 : i32
      %swap3A_970 = arith.constant 7 : i32
      %swap3A_971 = arith.index_cast %swap3A_970 : i32 to index
      %swap3A_972 = arith.index_cast %add3A_969 : i32 to index
      %swap3A_973 = tpu.vector_load %arg6[%swap3A_971, %swap3A_972] {strides = array<i32>} : memref<8x4096xf32, #tpu.memory_space<vmem>>, vector<16xf32>,
      tpu.vector_store %arg6[%swap3A_971, %swap3A_972], %broadcast_in_dim3A_16 {strides = array<i32>} : memref<8x4096xf32, #tpu.memory_space<vmem>>, vector<16xf32>,
      %add3A_974 = arith.constant 48 : i32
      %add3A_975 = arith.addi %mul3A_956, %add3A_974 : i32
      %swap3A_976 = arith.constant 7 : i32
      %swap3A_977 = arith.index_cast %swap3A_976 : i32 to index
      %swap3A_978 = arith.index_cast %add3A_975 : i32 to index
      %swap3A_979 = tpu.vector_load %arg6[%swap3A_977, %swap3A_978] {strides = array<i32>} : memref<8x4096xf32, #tpu.memory_space<vmem>>, vector<16xf32>,
      tpu.vector_store %arg6[%swap3A_977, %swap3A_978], %broadcast_in_dim3A_16 {strides = array<i32>} : memref<8x4096xf32, #tpu.memory_space<vmem>>, vector<16xf32>,
      %add3A_980 = arith.constant 64 : i32
      %add3A_981 = arith.addi %mul3A_956, %add3A_980 : i32
      %swap3A_982 = arith.constant 7 : i32
      %swap3A_983 = arith.index_cast %swap3A_982 : i32 to index
      %swap3A_984 = arith.index_cast %add3A_981 : i32 to index
      %swap3A_985 = tpu.vector_load %arg6[%swap3A_983, %swap3A_984] {strides = array<i32>} : memref<8x4096xf32, #tpu.memory_space<vmem>>, vector<16xf32>,
      tpu.vector_store %arg6[%swap3A_983, %swap3A_984], %broadcast_in_dim3A_16 {strides = array<i32>} : memref<8x4096xf32, #tpu.memory_space<vmem>>, vector<16xf32>,
      %add3A_986 = arith.constant 80 : i32
      %add3A_987 = arith.addi %mul3A_956, %add3A_986 : i32
      %swap3A_988 = arith.constant 7 : i32
      %swap3A_989 = arith.index_cast %swap3A_988 : i32 to index
      %swap3A_990 = arith.index_cast %add3A_987 : i32 to index
      %swap3A_991 = tpu.vector_load %arg6[%swap3A_989, %swap3A_990] {strides = array<i32>} : memref<8x4096xf32, #tpu.memory_space<vmem>>, vector<16xf32>,
      tpu.vector_store %arg6[%swap3A_989, %swap3A_990], %broadcast_in_dim3A_16 {strides = array<i32>} : memref<8x4096xf32, #tpu.memory_space<vmem>>, vector<16xf32>,
      %add3A_992 = arith.constant 96 : i32
      %add3A_993 = arith.addi %mul3A_956, %add3A_992 : i32
      %swap3A_994 = arith.constant 7 : i32
      %swap3A_995 = arith.index_cast %swap3A_994 : i32 to index
      %swap3A_996 = arith.index_cast %add3A_993 : i32 to index
      %swap3A_997 = tpu.vector_load %arg6[%swap3A_995, %swap3A_996] {strides = array<i32>} : memref<8x4096xf32, #tpu.memory_space<vmem>>, vector<16xf32>,
      tpu.vector_store %arg6[%swap3A_995, %swap3A_996], %broadcast_in_dim3A_16 {strides = array<i32>} : memref<8x4096xf32, #tpu.memory_space<vmem>>, vector<16xf32>,
      %add3A_998 = arith.constant 112 : i32
      %add3A_999 = arith.addi %mul3A_956, %add3A_998 : i32
      %swap3A_1000 = arith.constant 7 : i32
      %swap3A_1001 = arith.index_cast %swap3A_1000 : i32 to index
      %swap3A_1002 = arith.index_cast %add3A_999 : i32 to index
      %swap3A_1003 = tpu.vector_load %arg6[%swap3A_1001, %swap3A_1002] {strides = array<i32>} : memref<8x4096xf32, #tpu.memory_space<vmem>>, vector<16xf32>,
      tpu.vector_store %arg6[%swap3A_1001, %swap3A_1002], %broadcast_in_dim3A_16 {strides = array<i32>} : memref<8x4096xf32, #tpu.memory_space<vmem>>, vector<16xf32>,
      %scan3A_1004 = arith.constant 0 : i32
      scf.yield %scan3A_1004 : i32
    }
    %scan3A_160 = arith.constant 32 : i32
    %sub3A_161 = arith.constant 8 : i32
    %sub3A_162 = arith.subi %mul3A_2, %sub3A_161 : i32
    %add3A_163 = arith.constant 8 : i32
    %add3A_164 = arith.addi %sub3A_162, %add3A_163 : i32
    %add3A_165 = vector.broadcast %add3A_164 : i32 to vector<16xi32>
    %add3A_166 = arith.addi %add3A_165, %iota3A : vector<16xi32>
    %ge3A_167 = arith.constant 0 : i32
    %ge3A_168 = vector.broadcast %ge3A_167 : i32 to vector<16xi32>
    %ge3A_169 = arith.cmpi sge, %add3A_166, %ge3A_168 : vector<16xi32>
    %and3A_170 = arith.andi %and3A, %ge3A_169 : vector<16xi1>
    %sub3A_171 = arith.constant 7 : i32
    %sub3A_172 = vector.broadcast %sub3A_171 : i32 to vector<16xi32>
    %sub3A_173 = arith.subi %iota3A, %sub3A_172 : vector<16xi32>
    %jit3A_174 = arith.constant 0 : i32
    %broadcast_in_dim3A_175 = vector.broadcast %jit3A_174 : i32 to vector<16xi32>
    %select_n3A_176 = arith.select %and3A_170, %sub3A_173, %broadcast_in_dim3A_175 : vector<16xi1>, vector<16xi32>
    %jit3A_177 = arith.constant 0 : i32
    %broadcast_in_dim3A_178 = vector.broadcast %jit3A_177 : i32 to vector<16xi32>
    %select_n3A_179 = arith.select %and3A_170, %add3A_166, %broadcast_in_dim3A_178 : vector<16xi1>, vector<16xi32>
    %get3A_180 = arith.constant 8 : index
    %get3A_181 = tpu.vector_load %arg8[%get3A_180] {strides = array<i32>} : memref<144xf32, #tpu.memory_space<vmem>>, vector<16xf32>,
    tpu.vector_store_idx %arg6[%select_n3A_176, %select_n3A_179], %get3A_181 masked %and3A_170 : memref<8x4096xf32, #tpu.memory_space<vmem>>[vector<16xi32>, vector<16xi32>], vector<16xf32>, vector<16xi1>
    %add3A_182 = arith.constant 8 : i32
    %add3A_183 = arith.addi %mul3A_2, %add3A_182 : i32
    %dma_start3A_184 = arith.constant 0 : i32
    %dma_start3A_185 = tpu.memref_slice %arg4[%add3A_183, %dma_start3A_184] : memref<4097x4096xf32, #tpu.memory_space<hbm>> -> memref<8x4096xf32, #tpu.memory_space<hbm>>
    %dma_start3A_186 = arith.constant 0 : i32
    %dma_start3A_187 = tpu.memref_slice %arg4[%add3A_183, %dma_start3A_186] : memref<4097x4096xf32, #tpu.memory_space<hbm>> -> memref<8x4096xf32, #tpu.memory_space<hbm>>
    tpu.enqueue_dma source(%arg6 : memref<8x4096xf32, #tpu.memory_space<vmem>>) target(%dma_start3A_187 : memref<8x4096xf32, #tpu.memory_space<hbm>>) target_semaphore(%arg11 : memref<!tpu.dma_semaphore, #tpu.memory_space<semaphore_mem>>)
    %scan3A_188 = arith.constant 0 : i32
    %scan3A_189 = arith.constant 0 : i32
    %scan3A_190 = arith.constant 32 : i32
    %scan3A_191 = arith.addi %scan3A_189, %scan3A_190 : i32
    %scan3A_192 = arith.constant 1 : i32
    %scan3A_193 = scf.for %scan3A_953 = %scan3A_189 to %scan3A_191 step %scan3A_192 iter_args(%scan3A_954 = %scan3A_188) -> (i32)  : i32 {
      %mul3A_955 = arith.constant 128 : i32
      %mul3A_956 = arith.muli %scan3A_953, %mul3A_955 : i32
      %add3A_957 = arith.constant 0 : i32
      %add3A_958 = arith.addi %mul3A_956, %add3A_957 : i32
      %swap3A = arith.constant 0 : i32
      %swap3A_959 = arith.index_cast %swap3A : i32 to index
      %swap3A_960 = arith.index_cast %add3A_958 : i32 to index
      %swap3A_961 = tpu.vector_load %arg7[%swap3A_959, %swap3A_960] {strides = array<i32>} : memref<8x4096xf32, #tpu.memory_space<vmem>>, vector<16xf32>,
      tpu.vector_store %arg7[%swap3A_959, %swap3A_960], %broadcast_in_dim3A_16 {strides = array<i32>} : memref<8x4096xf32, #tpu.memory_space<vmem>>, vector<16xf32>,
      %add3A_962 = arith.constant 16 : i32
      %add3A_963 = arith.addi %mul3A_956, %add3A_962 : i32
      %swap3A_964 = arith.constant 0 : i32
      %swap3A_965 = arith.index_cast %swap3A_964 : i32 to index
      %swap3A_966 = arith.index_cast %add3A_963 : i32 to index
      %swap3A_967 = tpu.vector_load %arg7[%swap3A_965, %swap3A_966] {strides = array<i32>} : memref<8x4096xf32, #tpu.memory_space<vmem>>, vector<16xf32>,
      tpu.vector_store %arg7[%swap3A_965, %swap3A_966], %broadcast_in_dim3A_16 {strides = array<i32>} : memref<8x4096xf32, #tpu.memory_space<vmem>>, vector<16xf32>,
      %add3A_968 = arith.constant 32 : i32
      %add3A_969 = arith.addi %mul3A_956, %add3A_968 : i32
      %swap3A_970 = arith.constant 0 : i32
      %swap3A_971 = arith.index_cast %swap3A_970 : i32 to index
      %swap3A_972 = arith.index_cast %add3A_969 : i32 to index
      %swap3A_973 = tpu.vector_load %arg7[%swap3A_971, %swap3A_972] {strides = array<i32>} : memref<8x4096xf32, #tpu.memory_space<vmem>>, vector<16xf32>,
      tpu.vector_store %arg7[%swap3A_971, %swap3A_972], %broadcast_in_dim3A_16 {strides = array<i32>} : memref<8x4096xf32, #tpu.memory_space<vmem>>, vector<16xf32>,
      %add3A_974 = arith.constant 48 : i32
      %add3A_975 = arith.addi %mul3A_956, %add3A_974 : i32
      %swap3A_976 = arith.constant 0 : i32
      %swap3A_977 = arith.index_cast %swap3A_976 : i32 to index
      %swap3A_978 = arith.index_cast %add3A_975 : i32 to index
      %swap3A_979 = tpu.vector_load %arg7[%swap3A_977, %swap3A_978] {strides = array<i32>} : memref<8x4096xf32, #tpu.memory_space<vmem>>, vector<16xf32>,
      tpu.vector_store %arg7[%swap3A_977, %swap3A_978], %broadcast_in_dim3A_16 {strides = array<i32>} : memref<8x4096xf32, #tpu.memory_space<vmem>>, vector<16xf32>,
      %add3A_980 = arith.constant 64 : i32
      %add3A_981 = arith.addi %mul3A_956, %add3A_980 : i32
      %swap3A_982 = arith.constant 0 : i32
      %swap3A_983 = arith.index_cast %swap3A_982 : i32 to index
      %swap3A_984 = arith.index_cast %add3A_981 : i32 to index
      %swap3A_985 = tpu.vector_load %arg7[%swap3A_983, %swap3A_984] {strides = array<i32>} : memref<8x4096xf32, #tpu.memory_space<vmem>>, vector<16xf32>,
      tpu.vector_store %arg7[%swap3A_983, %swap3A_984], %broadcast_in_dim3A_16 {strides = array<i32>} : memref<8x4096xf32, #tpu.memory_space<vmem>>, vector<16xf32>,
      %add3A_986 = arith.constant 80 : i32
      %add3A_987 = arith.addi %mul3A_956, %add3A_986 : i32
      %swap3A_988 = arith.constant 0 : i32
      %swap3A_989 = arith.index_cast %swap3A_988 : i32 to index
      %swap3A_990 = arith.index_cast %add3A_987 : i32 to index
      %swap3A_991 = tpu.vector_load %arg7[%swap3A_989, %swap3A_990] {strides = array<i32>} : memref<8x4096xf32, #tpu.memory_space<vmem>>, vector<16xf32>,
      tpu.vector_store %arg7[%swap3A_989, %swap3A_990], %broadcast_in_dim3A_16 {strides = array<i32>} : memref<8x4096xf32, #tpu.memory_space<vmem>>, vector<16xf32>,
      %add3A_992 = arith.constant 96 : i32
      %add3A_993 = arith.addi %mul3A_956, %add3A_992 : i32
      %swap3A_994 = arith.constant 0 : i32
      %swap3A_995 = arith.index_cast %swap3A_994 : i32 to index
      %swap3A_996 = arith.index_cast %add3A_993 : i32 to index
      %swap3A_997 = tpu.vector_load %arg7[%swap3A_995, %swap3A_996] {strides = array<i32>} : memref<8x4096xf32, #tpu.memory_space<vmem>>, vector<16xf32>,
      tpu.vector_store %arg7[%swap3A_995, %swap3A_996], %broadcast_in_dim3A_16 {strides = array<i32>} : memref<8x4096xf32, #tpu.memory_space<vmem>>, vector<16xf32>,
      %add3A_998 = arith.constant 112 : i32
      %add3A_999 = arith.addi %mul3A_956, %add3A_998 : i32
      %swap3A_1000 = arith.constant 0 : i32
      %swap3A_1001 = arith.index_cast %swap3A_1000 : i32 to index
      %swap3A_1002 = arith.index_cast %add3A_999 : i32 to index
      %swap3A_1003 = tpu.vector_load %arg7[%swap3A_1001, %swap3A_1002] {strides = array<i32>} : memref<8x4096xf32, #tpu.memory_space<vmem>>, vector<16xf32>,
      tpu.vector_store %arg7[%swap3A_1001, %swap3A_1002], %broadcast_in_dim3A_16 {strides = array<i32>} : memref<8x4096xf32, #tpu.memory_space<vmem>>, vector<16xf32>,
      %scan3A_1004 = arith.constant 0 : i32
      scf.yield %scan3A_1004 : i32
    }
    %scan3A_194 = arith.constant 32 : i32
    %scan3A_195 = arith.constant 0 : i32
    %scan3A_196 = arith.constant 0 : i32
    %scan3A_197 = arith.constant 32 : i32
    %scan3A_198 = arith.addi %scan3A_196, %scan3A_197 : i32
    %scan3A_199 = arith.constant 1 : i32
    %scan3A_200 = scf.for %scan3A_953 = %scan3A_196 to %scan3A_198 step %scan3A_199 iter_args(%scan3A_954 = %scan3A_195) -> (i32)  : i32 {
      %mul3A_955 = arith.constant 128 : i32
      %mul3A_956 = arith.muli %scan3A_953, %mul3A_955 : i32
      %add3A_957 = arith.constant 0 : i32
      %add3A_958 = arith.addi %mul3A_956, %add3A_957 : i32
      %swap3A = arith.constant 1 : i32
      %swap3A_959 = arith.index_cast %swap3A : i32 to index
      %swap3A_960 = arith.index_cast %add3A_958 : i32 to index
      %swap3A_961 = tpu.vector_load %arg7[%swap3A_959, %swap3A_960] {strides = array<i32>} : memref<8x4096xf32, #tpu.memory_space<vmem>>, vector<16xf32>,
      tpu.vector_store %arg7[%swap3A_959, %swap3A_960], %broadcast_in_dim3A_16 {strides = array<i32>} : memref<8x4096xf32, #tpu.memory_space<vmem>>, vector<16xf32>,
      %add3A_962 = arith.constant 16 : i32
      %add3A_963 = arith.addi %mul3A_956, %add3A_962 : i32
      %swap3A_964 = arith.constant 1 : i32
      %swap3A_965 = arith.index_cast %swap3A_964 : i32 to index
      %swap3A_966 = arith.index_cast %add3A_963 : i32 to index
      %swap3A_967 = tpu.vector_load %arg7[%swap3A_965, %swap3A_966] {strides = array<i32>} : memref<8x4096xf32, #tpu.memory_space<vmem>>, vector<16xf32>,
      tpu.vector_store %arg7[%swap3A_965, %swap3A_966], %broadcast_in_dim3A_16 {strides = array<i32>} : memref<8x4096xf32, #tpu.memory_space<vmem>>, vector<16xf32>,
      %add3A_968 = arith.constant 32 : i32
      %add3A_969 = arith.addi %mul3A_956, %add3A_968 : i32
      %swap3A_970 = arith.constant 1 : i32
      %swap3A_971 = arith.index_cast %swap3A_970 : i32 to index
      %swap3A_972 = arith.index_cast %add3A_969 : i32 to index
      %swap3A_973 = tpu.vector_load %arg7[%swap3A_971, %swap3A_972] {strides = array<i32>} : memref<8x4096xf32, #tpu.memory_space<vmem>>, vector<16xf32>,
      tpu.vector_store %arg7[%swap3A_971, %swap3A_972], %broadcast_in_dim3A_16 {strides = array<i32>} : memref<8x4096xf32, #tpu.memory_space<vmem>>, vector<16xf32>,
      %add3A_974 = arith.constant 48 : i32
      %add3A_975 = arith.addi %mul3A_956, %add3A_974 : i32
      %swap3A_976 = arith.constant 1 : i32
      %swap3A_977 = arith.index_cast %swap3A_976 : i32 to index
      %swap3A_978 = arith.index_cast %add3A_975 : i32 to index
      %swap3A_979 = tpu.vector_load %arg7[%swap3A_977, %swap3A_978] {strides = array<i32>} : memref<8x4096xf32, #tpu.memory_space<vmem>>, vector<16xf32>,
      tpu.vector_store %arg7[%swap3A_977, %swap3A_978], %broadcast_in_dim3A_16 {strides = array<i32>} : memref<8x4096xf32, #tpu.memory_space<vmem>>, vector<16xf32>,
      %add3A_980 = arith.constant 64 : i32
      %add3A_981 = arith.addi %mul3A_956, %add3A_980 : i32
      %swap3A_982 = arith.constant 1 : i32
      %swap3A_983 = arith.index_cast %swap3A_982 : i32 to index
      %swap3A_984 = arith.index_cast %add3A_981 : i32 to index
      %swap3A_985 = tpu.vector_load %arg7[%swap3A_983, %swap3A_984] {strides = array<i32>} : memref<8x4096xf32, #tpu.memory_space<vmem>>, vector<16xf32>,
      tpu.vector_store %arg7[%swap3A_983, %swap3A_984], %broadcast_in_dim3A_16 {strides = array<i32>} : memref<8x4096xf32, #tpu.memory_space<vmem>>, vector<16xf32>,
      %add3A_986 = arith.constant 80 : i32
      %add3A_987 = arith.addi %mul3A_956, %add3A_986 : i32
      %swap3A_988 = arith.constant 1 : i32
      %swap3A_989 = arith.index_cast %swap3A_988 : i32 to index
      %swap3A_990 = arith.index_cast %add3A_987 : i32 to index
      %swap3A_991 = tpu.vector_load %arg7[%swap3A_989, %swap3A_990] {strides = array<i32>} : memref<8x4096xf32, #tpu.memory_space<vmem>>, vector<16xf32>,
      tpu.vector_store %arg7[%swap3A_989, %swap3A_990], %broadcast_in_dim3A_16 {strides = array<i32>} : memref<8x4096xf32, #tpu.memory_space<vmem>>, vector<16xf32>,
      %add3A_992 = arith.constant 96 : i32
      %add3A_993 = arith.addi %mul3A_956, %add3A_992 : i32
      %swap3A_994 = arith.constant 1 : i32
      %swap3A_995 = arith.index_cast %swap3A_994 : i32 to index
      %swap3A_996 = arith.index_cast %add3A_993 : i32 to index
      %swap3A_997 = tpu.vector_load %arg7[%swap3A_995, %swap3A_996] {strides = array<i32>} : memref<8x4096xf32, #tpu.memory_space<vmem>>, vector<16xf32>,
      tpu.vector_store %arg7[%swap3A_995, %swap3A_996], %broadcast_in_dim3A_16 {strides = array<i32>} : memref<8x4096xf32, #tpu.memory_space<vmem>>, vector<16xf32>,
      %add3A_998 = arith.constant 112 : i32
      %add3A_999 = arith.addi %mul3A_956, %add3A_998 : i32
      %swap3A_1000 = arith.constant 1 : i32
      %swap3A_1001 = arith.index_cast %swap3A_1000 : i32 to index
      %swap3A_1002 = arith.index_cast %add3A_999 : i32 to index
      %swap3A_1003 = tpu.vector_load %arg7[%swap3A_1001, %swap3A_1002] {strides = array<i32>} : memref<8x4096xf32, #tpu.memory_space<vmem>>, vector<16xf32>,
      tpu.vector_store %arg7[%swap3A_1001, %swap3A_1002], %broadcast_in_dim3A_16 {strides = array<i32>} : memref<8x4096xf32, #tpu.memory_space<vmem>>, vector<16xf32>,
      %scan3A_1004 = arith.constant 0 : i32
      scf.yield %scan3A_1004 : i32
    }
    %scan3A_201 = arith.constant 32 : i32
    %scan3A_202 = arith.constant 0 : i32
    %scan3A_203 = arith.constant 0 : i32
    %scan3A_204 = arith.constant 32 : i32
    %scan3A_205 = arith.addi %scan3A_203, %scan3A_204 : i32
    %scan3A_206 = arith.constant 1 : i32
    %scan3A_207 = scf.for %scan3A_953 = %scan3A_203 to %scan3A_205 step %scan3A_206 iter_args(%scan3A_954 = %scan3A_202) -> (i32)  : i32 {
      %mul3A_955 = arith.constant 128 : i32
      %mul3A_956 = arith.muli %scan3A_953, %mul3A_955 : i32
      %add3A_957 = arith.constant 0 : i32
      %add3A_958 = arith.addi %mul3A_956, %add3A_957 : i32
      %swap3A = arith.constant 2 : i32
      %swap3A_959 = arith.index_cast %swap3A : i32 to index
      %swap3A_960 = arith.index_cast %add3A_958 : i32 to index
      %swap3A_961 = tpu.vector_load %arg7[%swap3A_959, %swap3A_960] {strides = array<i32>} : memref<8x4096xf32, #tpu.memory_space<vmem>>, vector<16xf32>,
      tpu.vector_store %arg7[%swap3A_959, %swap3A_960], %broadcast_in_dim3A_16 {strides = array<i32>} : memref<8x4096xf32, #tpu.memory_space<vmem>>, vector<16xf32>,
      %add3A_962 = arith.constant 16 : i32
      %add3A_963 = arith.addi %mul3A_956, %add3A_962 : i32
      %swap3A_964 = arith.constant 2 : i32
      %swap3A_965 = arith.index_cast %swap3A_964 : i32 to index
      %swap3A_966 = arith.index_cast %add3A_963 : i32 to index
      %swap3A_967 = tpu.vector_load %arg7[%swap3A_965, %swap3A_966] {strides = array<i32>} : memref<8x4096xf32, #tpu.memory_space<vmem>>, vector<16xf32>,
      tpu.vector_store %arg7[%swap3A_965, %swap3A_966], %broadcast_in_dim3A_16 {strides = array<i32>} : memref<8x4096xf32, #tpu.memory_space<vmem>>, vector<16xf32>,
      %add3A_968 = arith.constant 32 : i32
      %add3A_969 = arith.addi %mul3A_956, %add3A_968 : i32
      %swap3A_970 = arith.constant 2 : i32
      %swap3A_971 = arith.index_cast %swap3A_970 : i32 to index
      %swap3A_972 = arith.index_cast %add3A_969 : i32 to index
      %swap3A_973 = tpu.vector_load %arg7[%swap3A_971, %swap3A_972] {strides = array<i32>} : memref<8x4096xf32, #tpu.memory_space<vmem>>, vector<16xf32>,
      tpu.vector_store %arg7[%swap3A_971, %swap3A_972], %broadcast_in_dim3A_16 {strides = array<i32>} : memref<8x4096xf32, #tpu.memory_space<vmem>>, vector<16xf32>,
      %add3A_974 = arith.constant 48 : i32
      %add3A_975 = arith.addi %mul3A_956, %add3A_974 : i32
      %swap3A_976 = arith.constant 2 : i32
      %swap3A_977 = arith.index_cast %swap3A_976 : i32 to index
      %swap3A_978 = arith.index_cast %add3A_975 : i32 to index
      %swap3A_979 = tpu.vector_load %arg7[%swap3A_977, %swap3A_978] {strides = array<i32>} : memref<8x4096xf32, #tpu.memory_space<vmem>>, vector<16xf32>,
      tpu.vector_store %arg7[%swap3A_977, %swap3A_978], %broadcast_in_dim3A_16 {strides = array<i32>} : memref<8x4096xf32, #tpu.memory_space<vmem>>, vector<16xf32>,
      %add3A_980 = arith.constant 64 : i32
      %add3A_981 = arith.addi %mul3A_956, %add3A_980 : i32
      %swap3A_982 = arith.constant 2 : i32
      %swap3A_983 = arith.index_cast %swap3A_982 : i32 to index
      %swap3A_984 = arith.index_cast %add3A_981 : i32 to index
      %swap3A_985 = tpu.vector_load %arg7[%swap3A_983, %swap3A_984] {strides = array<i32>} : memref<8x4096xf32, #tpu.memory_space<vmem>>, vector<16xf32>,
      tpu.vector_store %arg7[%swap3A_983, %swap3A_984], %broadcast_in_dim3A_16 {strides = array<i32>} : memref<8x4096xf32, #tpu.memory_space<vmem>>, vector<16xf32>,
      %add3A_986 = arith.constant 80 : i32
      %add3A_987 = arith.addi %mul3A_956, %add3A_986 : i32
      %swap3A_988 = arith.constant 2 : i32
      %swap3A_989 = arith.index_cast %swap3A_988 : i32 to index
      %swap3A_990 = arith.index_cast %add3A_987 : i32 to index
      %swap3A_991 = tpu.vector_load %arg7[%swap3A_989, %swap3A_990] {strides = array<i32>} : memref<8x4096xf32, #tpu.memory_space<vmem>>, vector<16xf32>,
      tpu.vector_store %arg7[%swap3A_989, %swap3A_990], %broadcast_in_dim3A_16 {strides = array<i32>} : memref<8x4096xf32, #tpu.memory_space<vmem>>, vector<16xf32>,
      %add3A_992 = arith.constant 96 : i32
      %add3A_993 = arith.addi %mul3A_956, %add3A_992 : i32
      %swap3A_994 = arith.constant 2 : i32
      %swap3A_995 = arith.index_cast %swap3A_994 : i32 to index
      %swap3A_996 = arith.index_cast %add3A_993 : i32 to index
      %swap3A_997 = tpu.vector_load %arg7[%swap3A_995, %swap3A_996] {strides = array<i32>} : memref<8x4096xf32, #tpu.memory_space<vmem>>, vector<16xf32>,
      tpu.vector_store %arg7[%swap3A_995, %swap3A_996], %broadcast_in_dim3A_16 {strides = array<i32>} : memref<8x4096xf32, #tpu.memory_space<vmem>>, vector<16xf32>,
      %add3A_998 = arith.constant 112 : i32
      %add3A_999 = arith.addi %mul3A_956, %add3A_998 : i32
      %swap3A_1000 = arith.constant 2 : i32
      %swap3A_1001 = arith.index_cast %swap3A_1000 : i32 to index
      %swap3A_1002 = arith.index_cast %add3A_999 : i32 to index
      %swap3A_1003 = tpu.vector_load %arg7[%swap3A_1001, %swap3A_1002] {strides = array<i32>} : memref<8x4096xf32, #tpu.memory_space<vmem>>, vector<16xf32>,
      tpu.vector_store %arg7[%swap3A_1001, %swap3A_1002], %broadcast_in_dim3A_16 {strides = array<i32>} : memref<8x4096xf32, #tpu.memory_space<vmem>>, vector<16xf32>,
      %scan3A_1004 = arith.constant 0 : i32
      scf.yield %scan3A_1004 : i32
    }
    %scan3A_208 = arith.constant 32 : i32
    %scan3A_209 = arith.constant 0 : i32
    %scan3A_210 = arith.constant 0 : i32
    %scan3A_211 = arith.constant 32 : i32
    %scan3A_212 = arith.addi %scan3A_210, %scan3A_211 : i32
    %scan3A_213 = arith.constant 1 : i32
    %scan3A_214 = scf.for %scan3A_953 = %scan3A_210 to %scan3A_212 step %scan3A_213 iter_args(%scan3A_954 = %scan3A_209) -> (i32)  : i32 {
      %mul3A_955 = arith.constant 128 : i32
      %mul3A_956 = arith.muli %scan3A_953, %mul3A_955 : i32
      %add3A_957 = arith.constant 0 : i32
      %add3A_958 = arith.addi %mul3A_956, %add3A_957 : i32
      %swap3A = arith.constant 3 : i32
      %swap3A_959 = arith.index_cast %swap3A : i32 to index
      %swap3A_960 = arith.index_cast %add3A_958 : i32 to index
      %swap3A_961 = tpu.vector_load %arg7[%swap3A_959, %swap3A_960] {strides = array<i32>} : memref<8x4096xf32, #tpu.memory_space<vmem>>, vector<16xf32>,
      tpu.vector_store %arg7[%swap3A_959, %swap3A_960], %broadcast_in_dim3A_16 {strides = array<i32>} : memref<8x4096xf32, #tpu.memory_space<vmem>>, vector<16xf32>,
      %add3A_962 = arith.constant 16 : i32
      %add3A_963 = arith.addi %mul3A_956, %add3A_962 : i32
      %swap3A_964 = arith.constant 3 : i32
      %swap3A_965 = arith.index_cast %swap3A_964 : i32 to index
      %swap3A_966 = arith.index_cast %add3A_963 : i32 to index
      %swap3A_967 = tpu.vector_load %arg7[%swap3A_965, %swap3A_966] {strides = array<i32>} : memref<8x4096xf32, #tpu.memory_space<vmem>>, vector<16xf32>,
      tpu.vector_store %arg7[%swap3A_965, %swap3A_966], %broadcast_in_dim3A_16 {strides = array<i32>} : memref<8x4096xf32, #tpu.memory_space<vmem>>, vector<16xf32>,
      %add3A_968 = arith.constant 32 : i32
      %add3A_969 = arith.addi %mul3A_956, %add3A_968 : i32
      %swap3A_970 = arith.constant 3 : i32
      %swap3A_971 = arith.index_cast %swap3A_970 : i32 to index
      %swap3A_972 = arith.index_cast %add3A_969 : i32 to index
      %swap3A_973 = tpu.vector_load %arg7[%swap3A_971, %swap3A_972] {strides = array<i32>} : memref<8x4096xf32, #tpu.memory_space<vmem>>, vector<16xf32>,
      tpu.vector_store %arg7[%swap3A_971, %swap3A_972], %broadcast_in_dim3A_16 {strides = array<i32>} : memref<8x4096xf32, #tpu.memory_space<vmem>>, vector<16xf32>,
      %add3A_974 = arith.constant 48 : i32
      %add3A_975 = arith.addi %mul3A_956, %add3A_974 : i32
      %swap3A_976 = arith.constant 3 : i32
      %swap3A_977 = arith.index_cast %swap3A_976 : i32 to index
      %swap3A_978 = arith.index_cast %add3A_975 : i32 to index
      %swap3A_979 = tpu.vector_load %arg7[%swap3A_977, %swap3A_978] {strides = array<i32>} : memref<8x4096xf32, #tpu.memory_space<vmem>>, vector<16xf32>,
      tpu.vector_store %arg7[%swap3A_977, %swap3A_978], %broadcast_in_dim3A_16 {strides = array<i32>} : memref<8x4096xf32, #tpu.memory_space<vmem>>, vector<16xf32>,
      %add3A_980 = arith.constant 64 : i32
      %add3A_981 = arith.addi %mul3A_956, %add3A_980 : i32
      %swap3A_982 = arith.constant 3 : i32
      %swap3A_983 = arith.index_cast %swap3A_982 : i32 to index
      %swap3A_984 = arith.index_cast %add3A_981 : i32 to index
      %swap3A_985 = tpu.vector_load %arg7[%swap3A_983, %swap3A_984] {strides = array<i32>} : memref<8x4096xf32, #tpu.memory_space<vmem>>, vector<16xf32>,
      tpu.vector_store %arg7[%swap3A_983, %swap3A_984], %broadcast_in_dim3A_16 {strides = array<i32>} : memref<8x4096xf32, #tpu.memory_space<vmem>>, vector<16xf32>,
      %add3A_986 = arith.constant 80 : i32
      %add3A_987 = arith.addi %mul3A_956, %add3A_986 : i32
      %swap3A_988 = arith.constant 3 : i32
      %swap3A_989 = arith.index_cast %swap3A_988 : i32 to index
      %swap3A_990 = arith.index_cast %add3A_987 : i32 to index
      %swap3A_991 = tpu.vector_load %arg7[%swap3A_989, %swap3A_990] {strides = array<i32>} : memref<8x4096xf32, #tpu.memory_space<vmem>>, vector<16xf32>,
      tpu.vector_store %arg7[%swap3A_989, %swap3A_990], %broadcast_in_dim3A_16 {strides = array<i32>} : memref<8x4096xf32, #tpu.memory_space<vmem>>, vector<16xf32>,
      %add3A_992 = arith.constant 96 : i32
      %add3A_993 = arith.addi %mul3A_956, %add3A_992 : i32
      %swap3A_994 = arith.constant 3 : i32
      %swap3A_995 = arith.index_cast %swap3A_994 : i32 to index
      %swap3A_996 = arith.index_cast %add3A_993 : i32 to index
      %swap3A_997 = tpu.vector_load %arg7[%swap3A_995, %swap3A_996] {strides = array<i32>} : memref<8x4096xf32, #tpu.memory_space<vmem>>, vector<16xf32>,
      tpu.vector_store %arg7[%swap3A_995, %swap3A_996], %broadcast_in_dim3A_16 {strides = array<i32>} : memref<8x4096xf32, #tpu.memory_space<vmem>>, vector<16xf32>,
      %add3A_998 = arith.constant 112 : i32
      %add3A_999 = arith.addi %mul3A_956, %add3A_998 : i32
      %swap3A_1000 = arith.constant 3 : i32
      %swap3A_1001 = arith.index_cast %swap3A_1000 : i32 to index
      %swap3A_1002 = arith.index_cast %add3A_999 : i32 to index
      %swap3A_1003 = tpu.vector_load %arg7[%swap3A_1001, %swap3A_1002] {strides = array<i32>} : memref<8x4096xf32, #tpu.memory_space<vmem>>, vector<16xf32>,
      tpu.vector_store %arg7[%swap3A_1001, %swap3A_1002], %broadcast_in_dim3A_16 {strides = array<i32>} : memref<8x4096xf32, #tpu.memory_space<vmem>>, vector<16xf32>,
      %scan3A_1004 = arith.constant 0 : i32
      scf.yield %scan3A_1004 : i32
    }
    %scan3A_215 = arith.constant 32 : i32
    %scan3A_216 = arith.constant 0 : i32
    %scan3A_217 = arith.constant 0 : i32
    %scan3A_218 = arith.constant 32 : i32
    %scan3A_219 = arith.addi %scan3A_217, %scan3A_218 : i32
    %scan3A_220 = arith.constant 1 : i32
    %scan3A_221 = scf.for %scan3A_953 = %scan3A_217 to %scan3A_219 step %scan3A_220 iter_args(%scan3A_954 = %scan3A_216) -> (i32)  : i32 {
      %mul3A_955 = arith.constant 128 : i32
      %mul3A_956 = arith.muli %scan3A_953, %mul3A_955 : i32
      %add3A_957 = arith.constant 0 : i32
      %add3A_958 = arith.addi %mul3A_956, %add3A_957 : i32
      %swap3A = arith.constant 4 : i32
      %swap3A_959 = arith.index_cast %swap3A : i32 to index
      %swap3A_960 = arith.index_cast %add3A_958 : i32 to index
      %swap3A_961 = tpu.vector_load %arg7[%swap3A_959, %swap3A_960] {strides = array<i32>} : memref<8x4096xf32, #tpu.memory_space<vmem>>, vector<16xf32>,
      tpu.vector_store %arg7[%swap3A_959, %swap3A_960], %broadcast_in_dim3A_16 {strides = array<i32>} : memref<8x4096xf32, #tpu.memory_space<vmem>>, vector<16xf32>,
      %add3A_962 = arith.constant 16 : i32
      %add3A_963 = arith.addi %mul3A_956, %add3A_962 : i32
      %swap3A_964 = arith.constant 4 : i32
      %swap3A_965 = arith.index_cast %swap3A_964 : i32 to index
      %swap3A_966 = arith.index_cast %add3A_963 : i32 to index
      %swap3A_967 = tpu.vector_load %arg7[%swap3A_965, %swap3A_966] {strides = array<i32>} : memref<8x4096xf32, #tpu.memory_space<vmem>>, vector<16xf32>,
      tpu.vector_store %arg7[%swap3A_965, %swap3A_966], %broadcast_in_dim3A_16 {strides = array<i32>} : memref<8x4096xf32, #tpu.memory_space<vmem>>, vector<16xf32>,
      %add3A_968 = arith.constant 32 : i32
      %add3A_969 = arith.addi %mul3A_956, %add3A_968 : i32
      %swap3A_970 = arith.constant 4 : i32
      %swap3A_971 = arith.index_cast %swap3A_970 : i32 to index
      %swap3A_972 = arith.index_cast %add3A_969 : i32 to index
      %swap3A_973 = tpu.vector_load %arg7[%swap3A_971, %swap3A_972] {strides = array<i32>} : memref<8x4096xf32, #tpu.memory_space<vmem>>, vector<16xf32>,
      tpu.vector_store %arg7[%swap3A_971, %swap3A_972], %broadcast_in_dim3A_16 {strides = array<i32>} : memref<8x4096xf32, #tpu.memory_space<vmem>>, vector<16xf32>,
      %add3A_974 = arith.constant 48 : i32
      %add3A_975 = arith.addi %mul3A_956, %add3A_974 : i32
      %swap3A_976 = arith.constant 4 : i32
      %swap3A_977 = arith.index_cast %swap3A_976 : i32 to index
      %swap3A_978 = arith.index_cast %add3A_975 : i32 to index
      %swap3A_979 = tpu.vector_load %arg7[%swap3A_977, %swap3A_978] {strides = array<i32>} : memref<8x4096xf32, #tpu.memory_space<vmem>>, vector<16xf32>,
      tpu.vector_store %arg7[%swap3A_977, %swap3A_978], %broadcast_in_dim3A_16 {strides = array<i32>} : memref<8x4096xf32, #tpu.memory_space<vmem>>, vector<16xf32>,
      %add3A_980 = arith.constant 64 : i32
      %add3A_981 = arith.addi %mul3A_956, %add3A_980 : i32
      %swap3A_982 = arith.constant 4 : i32
      %swap3A_983 = arith.index_cast %swap3A_982 : i32 to index
      %swap3A_984 = arith.index_cast %add3A_981 : i32 to index
      %swap3A_985 = tpu.vector_load %arg7[%swap3A_983, %swap3A_984] {strides = array<i32>} : memref<8x4096xf32, #tpu.memory_space<vmem>>, vector<16xf32>,
      tpu.vector_store %arg7[%swap3A_983, %swap3A_984], %broadcast_in_dim3A_16 {strides = array<i32>} : memref<8x4096xf32, #tpu.memory_space<vmem>>, vector<16xf32>,
      %add3A_986 = arith.constant 80 : i32
      %add3A_987 = arith.addi %mul3A_956, %add3A_986 : i32
      %swap3A_988 = arith.constant 4 : i32
      %swap3A_989 = arith.index_cast %swap3A_988 : i32 to index
      %swap3A_990 = arith.index_cast %add3A_987 : i32 to index
      %swap3A_991 = tpu.vector_load %arg7[%swap3A_989, %swap3A_990] {strides = array<i32>} : memref<8x4096xf32, #tpu.memory_space<vmem>>, vector<16xf32>,
      tpu.vector_store %arg7[%swap3A_989, %swap3A_990], %broadcast_in_dim3A_16 {strides = array<i32>} : memref<8x4096xf32, #tpu.memory_space<vmem>>, vector<16xf32>,
      %add3A_992 = arith.constant 96 : i32
      %add3A_993 = arith.addi %mul3A_956, %add3A_992 : i32
      %swap3A_994 = arith.constant 4 : i32
      %swap3A_995 = arith.index_cast %swap3A_994 : i32 to index
      %swap3A_996 = arith.index_cast %add3A_993 : i32 to index
      %swap3A_997 = tpu.vector_load %arg7[%swap3A_995, %swap3A_996] {strides = array<i32>} : memref<8x4096xf32, #tpu.memory_space<vmem>>, vector<16xf32>,
      tpu.vector_store %arg7[%swap3A_995, %swap3A_996], %broadcast_in_dim3A_16 {strides = array<i32>} : memref<8x4096xf32, #tpu.memory_space<vmem>>, vector<16xf32>,
      %add3A_998 = arith.constant 112 : i32
      %add3A_999 = arith.addi %mul3A_956, %add3A_998 : i32
      %swap3A_1000 = arith.constant 4 : i32
      %swap3A_1001 = arith.index_cast %swap3A_1000 : i32 to index
      %swap3A_1002 = arith.index_cast %add3A_999 : i32 to index
      %swap3A_1003 = tpu.vector_load %arg7[%swap3A_1001, %swap3A_1002] {strides = array<i32>} : memref<8x4096xf32, #tpu.memory_space<vmem>>, vector<16xf32>,
      tpu.vector_store %arg7[%swap3A_1001, %swap3A_1002], %broadcast_in_dim3A_16 {strides = array<i32>} : memref<8x4096xf32, #tpu.memory_space<vmem>>, vector<16xf32>,
      %scan3A_1004 = arith.constant 0 : i32
      scf.yield %scan3A_1004 : i32
    }
    %scan3A_222 = arith.constant 32 : i32
    %scan3A_223 = arith.constant 0 : i32
    %scan3A_224 = arith.constant 0 : i32
    %scan3A_225 = arith.constant 32 : i32
    %scan3A_226 = arith.addi %scan3A_224, %scan3A_225 : i32
    %scan3A_227 = arith.constant 1 : i32
    %scan3A_228 = scf.for %scan3A_953 = %scan3A_224 to %scan3A_226 step %scan3A_227 iter_args(%scan3A_954 = %scan3A_223) -> (i32)  : i32 {
      %mul3A_955 = arith.constant 128 : i32
      %mul3A_956 = arith.muli %scan3A_953, %mul3A_955 : i32
      %add3A_957 = arith.constant 0 : i32
      %add3A_958 = arith.addi %mul3A_956, %add3A_957 : i32
      %swap3A = arith.constant 5 : i32
      %swap3A_959 = arith.index_cast %swap3A : i32 to index
      %swap3A_960 = arith.index_cast %add3A_958 : i32 to index
      %swap3A_961 = tpu.vector_load %arg7[%swap3A_959, %swap3A_960] {strides = array<i32>} : memref<8x4096xf32, #tpu.memory_space<vmem>>, vector<16xf32>,
      tpu.vector_store %arg7[%swap3A_959, %swap3A_960], %broadcast_in_dim3A_16 {strides = array<i32>} : memref<8x4096xf32, #tpu.memory_space<vmem>>, vector<16xf32>,
      %add3A_962 = arith.constant 16 : i32
      %add3A_963 = arith.addi %mul3A_956, %add3A_962 : i32
      %swap3A_964 = arith.constant 5 : i32
      %swap3A_965 = arith.index_cast %swap3A_964 : i32 to index
      %swap3A_966 = arith.index_cast %add3A_963 : i32 to index
      %swap3A_967 = tpu.vector_load %arg7[%swap3A_965, %swap3A_966] {strides = array<i32>} : memref<8x4096xf32, #tpu.memory_space<vmem>>, vector<16xf32>,
      tpu.vector_store %arg7[%swap3A_965, %swap3A_966], %broadcast_in_dim3A_16 {strides = array<i32>} : memref<8x4096xf32, #tpu.memory_space<vmem>>, vector<16xf32>,
      %add3A_968 = arith.constant 32 : i32
      %add3A_969 = arith.addi %mul3A_956, %add3A_968 : i32
      %swap3A_970 = arith.constant 5 : i32
      %swap3A_971 = arith.index_cast %swap3A_970 : i32 to index
      %swap3A_972 = arith.index_cast %add3A_969 : i32 to index
      %swap3A_973 = tpu.vector_load %arg7[%swap3A_971, %swap3A_972] {strides = array<i32>} : memref<8x4096xf32, #tpu.memory_space<vmem>>, vector<16xf32>,
      tpu.vector_store %arg7[%swap3A_971, %swap3A_972], %broadcast_in_dim3A_16 {strides = array<i32>} : memref<8x4096xf32, #tpu.memory_space<vmem>>, vector<16xf32>,
      %add3A_974 = arith.constant 48 : i32
      %add3A_975 = arith.addi %mul3A_956, %add3A_974 : i32
      %swap3A_976 = arith.constant 5 : i32
      %swap3A_977 = arith.index_cast %swap3A_976 : i32 to index
      %swap3A_978 = arith.index_cast %add3A_975 : i32 to index
      %swap3A_979 = tpu.vector_load %arg7[%swap3A_977, %swap3A_978] {strides = array<i32>} : memref<8x4096xf32, #tpu.memory_space<vmem>>, vector<16xf32>,
      tpu.vector_store %arg7[%swap3A_977, %swap3A_978], %broadcast_in_dim3A_16 {strides = array<i32>} : memref<8x4096xf32, #tpu.memory_space<vmem>>, vector<16xf32>,
      %add3A_980 = arith.constant 64 : i32
      %add3A_981 = arith.addi %mul3A_956, %add3A_980 : i32
      %swap3A_982 = arith.constant 5 : i32
      %swap3A_983 = arith.index_cast %swap3A_982 : i32 to index
      %swap3A_984 = arith.index_cast %add3A_981 : i32 to index
      %swap3A_985 = tpu.vector_load %arg7[%swap3A_983, %swap3A_984] {strides = array<i32>} : memref<8x4096xf32, #tpu.memory_space<vmem>>, vector<16xf32>,
      tpu.vector_store %arg7[%swap3A_983, %swap3A_984], %broadcast_in_dim3A_16 {strides = array<i32>} : memref<8x4096xf32, #tpu.memory_space<vmem>>, vector<16xf32>,
      %add3A_986 = arith.constant 80 : i32
      %add3A_987 = arith.addi %mul3A_956, %add3A_986 : i32
      %swap3A_988 = arith.constant 5 : i32
      %swap3A_989 = arith.index_cast %swap3A_988 : i32 to index
      %swap3A_990 = arith.index_cast %add3A_987 : i32 to index
      %swap3A_991 = tpu.vector_load %arg7[%swap3A_989, %swap3A_990] {strides = array<i32>} : memref<8x4096xf32, #tpu.memory_space<vmem>>, vector<16xf32>,
      tpu.vector_store %arg7[%swap3A_989, %swap3A_990], %broadcast_in_dim3A_16 {strides = array<i32>} : memref<8x4096xf32, #tpu.memory_space<vmem>>, vector<16xf32>,
      %add3A_992 = arith.constant 96 : i32
      %add3A_993 = arith.addi %mul3A_956, %add3A_992 : i32
      %swap3A_994 = arith.constant 5 : i32
      %swap3A_995 = arith.index_cast %swap3A_994 : i32 to index
      %swap3A_996 = arith.index_cast %add3A_993 : i32 to index
      %swap3A_997 = tpu.vector_load %arg7[%swap3A_995, %swap3A_996] {strides = array<i32>} : memref<8x4096xf32, #tpu.memory_space<vmem>>, vector<16xf32>,
      tpu.vector_store %arg7[%swap3A_995, %swap3A_996], %broadcast_in_dim3A_16 {strides = array<i32>} : memref<8x4096xf32, #tpu.memory_space<vmem>>, vector<16xf32>,
      %add3A_998 = arith.constant 112 : i32
      %add3A_999 = arith.addi %mul3A_956, %add3A_998 : i32
      %swap3A_1000 = arith.constant 5 : i32
      %swap3A_1001 = arith.index_cast %swap3A_1000 : i32 to index
      %swap3A_1002 = arith.index_cast %add3A_999 : i32 to index
      %swap3A_1003 = tpu.vector_load %arg7[%swap3A_1001, %swap3A_1002] {strides = array<i32>} : memref<8x4096xf32, #tpu.memory_space<vmem>>, vector<16xf32>,
      tpu.vector_store %arg7[%swap3A_1001, %swap3A_1002], %broadcast_in_dim3A_16 {strides = array<i32>} : memref<8x4096xf32, #tpu.memory_space<vmem>>, vector<16xf32>,
      %scan3A_1004 = arith.constant 0 : i32
      scf.yield %scan3A_1004 : i32
    }
    %scan3A_229 = arith.constant 32 : i32
    %scan3A_230 = arith.constant 0 : i32
    %scan3A_231 = arith.constant 0 : i32
    %scan3A_232 = arith.constant 32 : i32
    %scan3A_233 = arith.addi %scan3A_231, %scan3A_232 : i32
    %scan3A_234 = arith.constant 1 : i32
    %scan3A_235 = scf.for %scan3A_953 = %scan3A_231 to %scan3A_233 step %scan3A_234 iter_args(%scan3A_954 = %scan3A_230) -> (i32)  : i32 {
      %mul3A_955 = arith.constant 128 : i32
      %mul3A_956 = arith.muli %scan3A_953, %mul3A_955 : i32
      %add3A_957 = arith.constant 0 : i32
      %add3A_958 = arith.addi %mul3A_956, %add3A_957 : i32
      %swap3A = arith.constant 6 : i32
      %swap3A_959 = arith.index_cast %swap3A : i32 to index
      %swap3A_960 = arith.index_cast %add3A_958 : i32 to index
      %swap3A_961 = tpu.vector_load %arg7[%swap3A_959, %swap3A_960] {strides = array<i32>} : memref<8x4096xf32, #tpu.memory_space<vmem>>, vector<16xf32>,
      tpu.vector_store %arg7[%swap3A_959, %swap3A_960], %broadcast_in_dim3A_16 {strides = array<i32>} : memref<8x4096xf32, #tpu.memory_space<vmem>>, vector<16xf32>,
      %add3A_962 = arith.constant 16 : i32
      %add3A_963 = arith.addi %mul3A_956, %add3A_962 : i32
      %swap3A_964 = arith.constant 6 : i32
      %swap3A_965 = arith.index_cast %swap3A_964 : i32 to index
      %swap3A_966 = arith.index_cast %add3A_963 : i32 to index
      %swap3A_967 = tpu.vector_load %arg7[%swap3A_965, %swap3A_966] {strides = array<i32>} : memref<8x4096xf32, #tpu.memory_space<vmem>>, vector<16xf32>,
      tpu.vector_store %arg7[%swap3A_965, %swap3A_966], %broadcast_in_dim3A_16 {strides = array<i32>} : memref<8x4096xf32, #tpu.memory_space<vmem>>, vector<16xf32>,
      %add3A_968 = arith.constant 32 : i32
      %add3A_969 = arith.addi %mul3A_956, %add3A_968 : i32
      %swap3A_970 = arith.constant 6 : i32
      %swap3A_971 = arith.index_cast %swap3A_970 : i32 to index
      %swap3A_972 = arith.index_cast %add3A_969 : i32 to index
      %swap3A_973 = tpu.vector_load %arg7[%swap3A_971, %swap3A_972] {strides = array<i32>} : memref<8x4096xf32, #tpu.memory_space<vmem>>, vector<16xf32>,
      tpu.vector_store %arg7[%swap3A_971, %swap3A_972], %broadcast_in_dim3A_16 {strides = array<i32>} : memref<8x4096xf32, #tpu.memory_space<vmem>>, vector<16xf32>,
      %add3A_974 = arith.constant 48 : i32
      %add3A_975 = arith.addi %mul3A_956, %add3A_974 : i32
      %swap3A_976 = arith.constant 6 : i32
      %swap3A_977 = arith.index_cast %swap3A_976 : i32 to index
      %swap3A_978 = arith.index_cast %add3A_975 : i32 to index
      %swap3A_979 = tpu.vector_load %arg7[%swap3A_977, %swap3A_978] {strides = array<i32>} : memref<8x4096xf32, #tpu.memory_space<vmem>>, vector<16xf32>,
      tpu.vector_store %arg7[%swap3A_977, %swap3A_978], %broadcast_in_dim3A_16 {strides = array<i32>} : memref<8x4096xf32, #tpu.memory_space<vmem>>, vector<16xf32>,
      %add3A_980 = arith.constant 64 : i32
      %add3A_981 = arith.addi %mul3A_956, %add3A_980 : i32
      %swap3A_982 = arith.constant 6 : i32
      %swap3A_983 = arith.index_cast %swap3A_982 : i32 to index
      %swap3A_984 = arith.index_cast %add3A_981 : i32 to index
      %swap3A_985 = tpu.vector_load %arg7[%swap3A_983, %swap3A_984] {strides = array<i32>} : memref<8x4096xf32, #tpu.memory_space<vmem>>, vector<16xf32>,
      tpu.vector_store %arg7[%swap3A_983, %swap3A_984], %broadcast_in_dim3A_16 {strides = array<i32>} : memref<8x4096xf32, #tpu.memory_space<vmem>>, vector<16xf32>,
      %add3A_986 = arith.constant 80 : i32
      %add3A_987 = arith.addi %mul3A_956, %add3A_986 : i32
      %swap3A_988 = arith.constant 6 : i32
      %swap3A_989 = arith.index_cast %swap3A_988 : i32 to index
      %swap3A_990 = arith.index_cast %add3A_987 : i32 to index
      %swap3A_991 = tpu.vector_load %arg7[%swap3A_989, %swap3A_990] {strides = array<i32>} : memref<8x4096xf32, #tpu.memory_space<vmem>>, vector<16xf32>,
      tpu.vector_store %arg7[%swap3A_989, %swap3A_990], %broadcast_in_dim3A_16 {strides = array<i32>} : memref<8x4096xf32, #tpu.memory_space<vmem>>, vector<16xf32>,
      %add3A_992 = arith.constant 96 : i32
      %add3A_993 = arith.addi %mul3A_956, %add3A_992 : i32
      %swap3A_994 = arith.constant 6 : i32
      %swap3A_995 = arith.index_cast %swap3A_994 : i32 to index
      %swap3A_996 = arith.index_cast %add3A_993 : i32 to index
      %swap3A_997 = tpu.vector_load %arg7[%swap3A_995, %swap3A_996] {strides = array<i32>} : memref<8x4096xf32, #tpu.memory_space<vmem>>, vector<16xf32>,
      tpu.vector_store %arg7[%swap3A_995, %swap3A_996], %broadcast_in_dim3A_16 {strides = array<i32>} : memref<8x4096xf32, #tpu.memory_space<vmem>>, vector<16xf32>,
      %add3A_998 = arith.constant 112 : i32
      %add3A_999 = arith.addi %mul3A_956, %add3A_998 : i32
      %swap3A_1000 = arith.constant 6 : i32
      %swap3A_1001 = arith.index_cast %swap3A_1000 : i32 to index
      %swap3A_1002 = arith.index_cast %add3A_999 : i32 to index
      %swap3A_1003 = tpu.vector_load %arg7[%swap3A_1001, %swap3A_1002] {strides = array<i32>} : memref<8x4096xf32, #tpu.memory_space<vmem>>, vector<16xf32>,
      tpu.vector_store %arg7[%swap3A_1001, %swap3A_1002], %broadcast_in_dim3A_16 {strides = array<i32>} : memref<8x4096xf32, #tpu.memory_space<vmem>>, vector<16xf32>,
      %scan3A_1004 = arith.constant 0 : i32
      scf.yield %scan3A_1004 : i32
    }
    %scan3A_236 = arith.constant 32 : i32
    %scan3A_237 = arith.constant 0 : i32
    %scan3A_238 = arith.constant 0 : i32
    %scan3A_239 = arith.constant 32 : i32
    %scan3A_240 = arith.addi %scan3A_238, %scan3A_239 : i32
    %scan3A_241 = arith.constant 1 : i32
    %scan3A_242 = scf.for %scan3A_953 = %scan3A_238 to %scan3A_240 step %scan3A_241 iter_args(%scan3A_954 = %scan3A_237) -> (i32)  : i32 {
      %mul3A_955 = arith.constant 128 : i32
      %mul3A_956 = arith.muli %scan3A_953, %mul3A_955 : i32
      %add3A_957 = arith.constant 0 : i32
      %add3A_958 = arith.addi %mul3A_956, %add3A_957 : i32
      %swap3A = arith.constant 7 : i32
      %swap3A_959 = arith.index_cast %swap3A : i32 to index
      %swap3A_960 = arith.index_cast %add3A_958 : i32 to index
      %swap3A_961 = tpu.vector_load %arg7[%swap3A_959, %swap3A_960] {strides = array<i32>} : memref<8x4096xf32, #tpu.memory_space<vmem>>, vector<16xf32>,
      tpu.vector_store %arg7[%swap3A_959, %swap3A_960], %broadcast_in_dim3A_16 {strides = array<i32>} : memref<8x4096xf32, #tpu.memory_space<vmem>>, vector<16xf32>,
      %add3A_962 = arith.constant 16 : i32
      %add3A_963 = arith.addi %mul3A_956, %add3A_962 : i32
      %swap3A_964 = arith.constant 7 : i32
      %swap3A_965 = arith.index_cast %swap3A_964 : i32 to index
      %swap3A_966 = arith.index_cast %add3A_963 : i32 to index
      %swap3A_967 = tpu.vector_load %arg7[%swap3A_965, %swap3A_966] {strides = array<i32>} : memref<8x4096xf32, #tpu.memory_space<vmem>>, vector<16xf32>,
      tpu.vector_store %arg7[%swap3A_965, %swap3A_966], %broadcast_in_dim3A_16 {strides = array<i32>} : memref<8x4096xf32, #tpu.memory_space<vmem>>, vector<16xf32>,
      %add3A_968 = arith.constant 32 : i32
      %add3A_969 = arith.addi %mul3A_956, %add3A_968 : i32
      %swap3A_970 = arith.constant 7 : i32
      %swap3A_971 = arith.index_cast %swap3A_970 : i32 to index
      %swap3A_972 = arith.index_cast %add3A_969 : i32 to index
      %swap3A_973 = tpu.vector_load %arg7[%swap3A_971, %swap3A_972] {strides = array<i32>} : memref<8x4096xf32, #tpu.memory_space<vmem>>, vector<16xf32>,
      tpu.vector_store %arg7[%swap3A_971, %swap3A_972], %broadcast_in_dim3A_16 {strides = array<i32>} : memref<8x4096xf32, #tpu.memory_space<vmem>>, vector<16xf32>,
      %add3A_974 = arith.constant 48 : i32
      %add3A_975 = arith.addi %mul3A_956, %add3A_974 : i32
      %swap3A_976 = arith.constant 7 : i32
      %swap3A_977 = arith.index_cast %swap3A_976 : i32 to index
      %swap3A_978 = arith.index_cast %add3A_975 : i32 to index
      %swap3A_979 = tpu.vector_load %arg7[%swap3A_977, %swap3A_978] {strides = array<i32>} : memref<8x4096xf32, #tpu.memory_space<vmem>>, vector<16xf32>,
      tpu.vector_store %arg7[%swap3A_977, %swap3A_978], %broadcast_in_dim3A_16 {strides = array<i32>} : memref<8x4096xf32, #tpu.memory_space<vmem>>, vector<16xf32>,
      %add3A_980 = arith.constant 64 : i32
      %add3A_981 = arith.addi %mul3A_956, %add3A_980 : i32
      %swap3A_982 = arith.constant 7 : i32
      %swap3A_983 = arith.index_cast %swap3A_982 : i32 to index
      %swap3A_984 = arith.index_cast %add3A_981 : i32 to index
      %swap3A_985 = tpu.vector_load %arg7[%swap3A_983, %swap3A_984] {strides = array<i32>} : memref<8x4096xf32, #tpu.memory_space<vmem>>, vector<16xf32>,
      tpu.vector_store %arg7[%swap3A_983, %swap3A_984], %broadcast_in_dim3A_16 {strides = array<i32>} : memref<8x4096xf32, #tpu.memory_space<vmem>>, vector<16xf32>,
      %add3A_986 = arith.constant 80 : i32
      %add3A_987 = arith.addi %mul3A_956, %add3A_986 : i32
      %swap3A_988 = arith.constant 7 : i32
      %swap3A_989 = arith.index_cast %swap3A_988 : i32 to index
      %swap3A_990 = arith.index_cast %add3A_987 : i32 to index
      %swap3A_991 = tpu.vector_load %arg7[%swap3A_989, %swap3A_990] {strides = array<i32>} : memref<8x4096xf32, #tpu.memory_space<vmem>>, vector<16xf32>,
      tpu.vector_store %arg7[%swap3A_989, %swap3A_990], %broadcast_in_dim3A_16 {strides = array<i32>} : memref<8x4096xf32, #tpu.memory_space<vmem>>, vector<16xf32>,
      %add3A_992 = arith.constant 96 : i32
      %add3A_993 = arith.addi %mul3A_956, %add3A_992 : i32
      %swap3A_994 = arith.constant 7 : i32
      %swap3A_995 = arith.index_cast %swap3A_994 : i32 to index
      %swap3A_996 = arith.index_cast %add3A_993 : i32 to index
      %swap3A_997 = tpu.vector_load %arg7[%swap3A_995, %swap3A_996] {strides = array<i32>} : memref<8x4096xf32, #tpu.memory_space<vmem>>, vector<16xf32>,
      tpu.vector_store %arg7[%swap3A_995, %swap3A_996], %broadcast_in_dim3A_16 {strides = array<i32>} : memref<8x4096xf32, #tpu.memory_space<vmem>>, vector<16xf32>,
      %add3A_998 = arith.constant 112 : i32
      %add3A_999 = arith.addi %mul3A_956, %add3A_998 : i32
      %swap3A_1000 = arith.constant 7 : i32
      %swap3A_1001 = arith.index_cast %swap3A_1000 : i32 to index
      %swap3A_1002 = arith.index_cast %add3A_999 : i32 to index
      %swap3A_1003 = tpu.vector_load %arg7[%swap3A_1001, %swap3A_1002] {strides = array<i32>} : memref<8x4096xf32, #tpu.memory_space<vmem>>, vector<16xf32>,
      tpu.vector_store %arg7[%swap3A_1001, %swap3A_1002], %broadcast_in_dim3A_16 {strides = array<i32>} : memref<8x4096xf32, #tpu.memory_space<vmem>>, vector<16xf32>,
      %scan3A_1004 = arith.constant 0 : i32
      scf.yield %scan3A_1004 : i32
    }
    %scan3A_243 = arith.constant 32 : i32
    %sub3A_244 = arith.constant 8 : i32
    %sub3A_245 = arith.subi %mul3A_2, %sub3A_244 : i32
    %add3A_246 = arith.constant 16 : i32
    %add3A_247 = arith.addi %sub3A_245, %add3A_246 : i32
    %add3A_248 = vector.broadcast %add3A_247 : i32 to vector<16xi32>
    %add3A_249 = arith.addi %add3A_248, %iota3A : vector<16xi32>
    %ge3A_250 = arith.constant 0 : i32
    %ge3A_251 = vector.broadcast %ge3A_250 : i32 to vector<16xi32>
    %ge3A_252 = arith.cmpi sge, %add3A_249, %ge3A_251 : vector<16xi32>
    %and3A_253 = arith.andi %and3A, %ge3A_252 : vector<16xi1>
    %sub3A_254 = arith.constant 7 : i32
    %sub3A_255 = vector.broadcast %sub3A_254 : i32 to vector<16xi32>
    %sub3A_256 = arith.subi %iota3A, %sub3A_255 : vector<16xi32>
    %jit3A_257 = arith.constant 0 : i32
    %broadcast_in_dim3A_258 = vector.broadcast %jit3A_257 : i32 to vector<16xi32>
    %select_n3A_259 = arith.select %and3A_253, %sub3A_256, %broadcast_in_dim3A_258 : vector<16xi1>, vector<16xi32>
    %jit3A_260 = arith.constant 0 : i32
    %broadcast_in_dim3A_261 = vector.broadcast %jit3A_260 : i32 to vector<16xi32>
    %select_n3A_262 = arith.select %and3A_253, %add3A_249, %broadcast_in_dim3A_261 : vector<16xi1>, vector<16xi32>
    %get3A_263 = arith.constant 16 : index
    %get3A_264 = tpu.vector_load %arg8[%get3A_263] {strides = array<i32>} : memref<144xf32, #tpu.memory_space<vmem>>, vector<16xf32>,
    tpu.vector_store_idx %arg7[%select_n3A_259, %select_n3A_262], %get3A_264 masked %and3A_253 : memref<8x4096xf32, #tpu.memory_space<vmem>>[vector<16xi32>, vector<16xi32>], vector<16xf32>, vector<16xi1>
    %add3A_265 = arith.constant 16 : i32
    %add3A_266 = arith.addi %mul3A_2, %add3A_265 : i32
    %dma_start3A_267 = arith.constant 0 : i32
    %dma_start3A_268 = tpu.memref_slice %arg4[%add3A_266, %dma_start3A_267] : memref<4097x4096xf32, #tpu.memory_space<hbm>> -> memref<8x4096xf32, #tpu.memory_space<hbm>>
    %dma_start3A_269 = arith.constant 0 : i32
    %dma_start3A_270 = tpu.memref_slice %arg4[%add3A_266, %dma_start3A_269] : memref<4097x4096xf32, #tpu.memory_space<hbm>> -> memref<8x4096xf32, #tpu.memory_space<hbm>>
    tpu.enqueue_dma source(%arg7 : memref<8x4096xf32, #tpu.memory_space<vmem>>) target(%dma_start3A_270 : memref<8x4096xf32, #tpu.memory_space<hbm>>) target_semaphore(%arg12 : memref<!tpu.dma_semaphore, #tpu.memory_space<semaphore_mem>>)
    %eq3A_271 = arith.constant 31 : i32
    %eq3A_272 = arith.cmpi eq, %add3A, %eq3A_271 : i32
    %convert_element_type3A_273 = arith.extui %eq3A_272 : i1 to i32
    %cond3A_274 = arith.constant 0 : i32
    %cond3A_275 = arith.cmpi ne, %convert_element_type3A_273, %cond3A_274 : i32
    scf.if %cond3A_275 {
      %scan3A_953 = arith.constant 0 : i32
      %scan3A_954 = arith.constant 0 : i32
      %scan3A_955 = arith.constant 32 : i32
      %scan3A_956 = arith.addi %scan3A_954, %scan3A_955 : i32
      %scan3A_957 = arith.constant 1 : i32
      %scan3A_958 = scf.for %scan3A_978 = %scan3A_954 to %scan3A_956 step %scan3A_957 iter_args(%scan3A_979 = %scan3A_953) -> (i32)  : i32 {
        %mul3A_980 = arith.constant 128 : i32
        %mul3A_981 = arith.muli %scan3A_978, %mul3A_980 : i32
        %add3A_982 = arith.constant 0 : i32
        %add3A_983 = arith.addi %mul3A_981, %add3A_982 : i32
        %swap3A = arith.constant 0 : i32
        %swap3A_984 = arith.index_cast %swap3A : i32 to index
        %swap3A_985 = arith.index_cast %add3A_983 : i32 to index
        %swap3A_986 = tpu.vector_load %arg9[%swap3A_984, %swap3A_985] {strides = array<i32>} : memref<1x4096xf32, #tpu.memory_space<vmem>>, vector<16xf32>,
        tpu.vector_store %arg9[%swap3A_984, %swap3A_985], %broadcast_in_dim3A_16 {strides = array<i32>} : memref<1x4096xf32, #tpu.memory_space<vmem>>, vector<16xf32>,
        %add3A_987 = arith.constant 16 : i32
        %add3A_988 = arith.addi %mul3A_981, %add3A_987 : i32
        %swap3A_989 = arith.constant 0 : i32
        %swap3A_990 = arith.index_cast %swap3A_989 : i32 to index
        %swap3A_991 = arith.index_cast %add3A_988 : i32 to index
        %swap3A_992 = tpu.vector_load %arg9[%swap3A_990, %swap3A_991] {strides = array<i32>} : memref<1x4096xf32, #tpu.memory_space<vmem>>, vector<16xf32>,
        tpu.vector_store %arg9[%swap3A_990, %swap3A_991], %broadcast_in_dim3A_16 {strides = array<i32>} : memref<1x4096xf32, #tpu.memory_space<vmem>>, vector<16xf32>,
        %add3A_993 = arith.constant 32 : i32
        %add3A_994 = arith.addi %mul3A_981, %add3A_993 : i32
        %swap3A_995 = arith.constant 0 : i32
        %swap3A_996 = arith.index_cast %swap3A_995 : i32 to index
        %swap3A_997 = arith.index_cast %add3A_994 : i32 to index
        %swap3A_998 = tpu.vector_load %arg9[%swap3A_996, %swap3A_997] {strides = array<i32>} : memref<1x4096xf32, #tpu.memory_space<vmem>>, vector<16xf32>,
        tpu.vector_store %arg9[%swap3A_996, %swap3A_997], %broadcast_in_dim3A_16 {strides = array<i32>} : memref<1x4096xf32, #tpu.memory_space<vmem>>, vector<16xf32>,
        %add3A_999 = arith.constant 48 : i32
        %add3A_1000 = arith.addi %mul3A_981, %add3A_999 : i32
        %swap3A_1001 = arith.constant 0 : i32
        %swap3A_1002 = arith.index_cast %swap3A_1001 : i32 to index
        %swap3A_1003 = arith.index_cast %add3A_1000 : i32 to index
        %swap3A_1004 = tpu.vector_load %arg9[%swap3A_1002, %swap3A_1003] {strides = array<i32>} : memref<1x4096xf32, #tpu.memory_space<vmem>>, vector<16xf32>,
        tpu.vector_store %arg9[%swap3A_1002, %swap3A_1003], %broadcast_in_dim3A_16 {strides = array<i32>} : memref<1x4096xf32, #tpu.memory_space<vmem>>, vector<16xf32>,
        %add3A_1005 = arith.constant 64 : i32
        %add3A_1006 = arith.addi %mul3A_981, %add3A_1005 : i32
        %swap3A_1007 = arith.constant 0 : i32
        %swap3A_1008 = arith.index_cast %swap3A_1007 : i32 to index
        %swap3A_1009 = arith.index_cast %add3A_1006 : i32 to index
        %swap3A_1010 = tpu.vector_load %arg9[%swap3A_1008, %swap3A_1009] {strides = array<i32>} : memref<1x4096xf32, #tpu.memory_space<vmem>>, vector<16xf32>,
        tpu.vector_store %arg9[%swap3A_1008, %swap3A_1009], %broadcast_in_dim3A_16 {strides = array<i32>} : memref<1x4096xf32, #tpu.memory_space<vmem>>, vector<16xf32>,
        %add3A_1011 = arith.constant 80 : i32
        %add3A_1012 = arith.addi %mul3A_981, %add3A_1011 : i32
        %swap3A_1013 = arith.constant 0 : i32
        %swap3A_1014 = arith.index_cast %swap3A_1013 : i32 to index
        %swap3A_1015 = arith.index_cast %add3A_1012 : i32 to index
        %swap3A_1016 = tpu.vector_load %arg9[%swap3A_1014, %swap3A_1015] {strides = array<i32>} : memref<1x4096xf32, #tpu.memory_space<vmem>>, vector<16xf32>,
        tpu.vector_store %arg9[%swap3A_1014, %swap3A_1015], %broadcast_in_dim3A_16 {strides = array<i32>} : memref<1x4096xf32, #tpu.memory_space<vmem>>, vector<16xf32>,
        %add3A_1017 = arith.constant 96 : i32
        %add3A_1018 = arith.addi %mul3A_981, %add3A_1017 : i32
        %swap3A_1019 = arith.constant 0 : i32
        %swap3A_1020 = arith.index_cast %swap3A_1019 : i32 to index
        %swap3A_1021 = arith.index_cast %add3A_1018 : i32 to index
        %swap3A_1022 = tpu.vector_load %arg9[%swap3A_1020, %swap3A_1021] {strides = array<i32>} : memref<1x4096xf32, #tpu.memory_space<vmem>>, vector<16xf32>,
        tpu.vector_store %arg9[%swap3A_1020, %swap3A_1021], %broadcast_in_dim3A_16 {strides = array<i32>} : memref<1x4096xf32, #tpu.memory_space<vmem>>, vector<16xf32>,
        %add3A_1023 = arith.constant 112 : i32
        %add3A_1024 = arith.addi %mul3A_981, %add3A_1023 : i32
        %swap3A_1025 = arith.constant 0 : i32
        %swap3A_1026 = arith.index_cast %swap3A_1025 : i32 to index
        %swap3A_1027 = arith.index_cast %add3A_1024 : i32 to index
        %swap3A_1028 = tpu.vector_load %arg9[%swap3A_1026, %swap3A_1027] {strides = array<i32>} : memref<1x4096xf32, #tpu.memory_space<vmem>>, vector<16xf32>,
        tpu.vector_store %arg9[%swap3A_1026, %swap3A_1027], %broadcast_in_dim3A_16 {strides = array<i32>} : memref<1x4096xf32, #tpu.memory_space<vmem>>, vector<16xf32>,
        %scan3A_1029 = arith.constant 0 : i32
        scf.yield %scan3A_1029 : i32
      }
      %scan3A_959 = arith.constant 32 : i32
      %eq3A_960 = arith.constant 7 : i32
      %eq3A_961 = vector.broadcast %eq3A_960 : i32 to vector<16xi32>
      %eq3A_962 = arith.cmpi eq, %iota3A, %eq3A_961 : vector<16xi32>
      %get3A_963 = arith.constant 128 : index
      %get3A_964 = tpu.vector_load %arg8[%get3A_963] {strides = array<i32>} : memref<144xf32, #tpu.memory_space<vmem>>, vector<16xf32>,
      %broadcast_in_dim3A_965 = arith.constant 0 : i32
      %broadcast_in_dim3A_966 = vector.broadcast %broadcast_in_dim3A_965 : i32 to vector<16xi32>
      %jit3A_967 = arith.constant 4095 : i32
      %jit3A_968 = arith.constant 0 : i32
      %broadcast_in_dim3A_969 = vector.broadcast %jit3A_967 : i32 to vector<16xi32>
      %broadcast_in_dim3A_970 = vector.broadcast %jit3A_968 : i32 to vector<16xi32>
      %select_n3A_971 = arith.select %eq3A_962, %broadcast_in_dim3A_969, %broadcast_in_dim3A_970 : vector<16xi1>, vector<16xi32>
      tpu.vector_store_idx %arg9[%broadcast_in_dim3A_966, %select_n3A_971], %get3A_964 masked %eq3A_962 : memref<1x4096xf32, #tpu.memory_space<vmem>>[vector<16xi32>, vector<16xi32>], vector<16xf32>, vector<16xi1>
      %dma_start3A_972 = arith.constant 4096 : i32
      %dma_start3A_973 = arith.constant 0 : i32
      %dma_start3A_974 = tpu.memref_slice %arg4[%dma_start3A_972, %dma_start3A_973] : memref<4097x4096xf32, #tpu.memory_space<hbm>> -> memref<1x4096xf32, #tpu.memory_space<hbm>>
      %dma_start3A_975 = arith.constant 4096 : i32
      %dma_start3A_976 = arith.constant 0 : i32
      %dma_start3A_977 = tpu.memref_slice %arg4[%dma_start3A_975, %dma_start3A_976] : memref<4097x4096xf32, #tpu.memory_space<hbm>> -> memref<1x4096xf32, #tpu.memory_space<hbm>>
      tpu.enqueue_dma source(%arg9 : memref<1x4096xf32, #tpu.memory_space<vmem>>) target(%dma_start3A_977 : memref<1x4096xf32, #tpu.memory_space<hbm>>) target_semaphore(%arg14 : memref<!tpu.dma_semaphore, #tpu.memory_space<semaphore_mem>>)
    } else {
    }
    %dma_wait3A_276 = arith.constant 0 : i32
    %dma_wait3A_277 = tpu.memref_slice %arg4[%add3A_100, %dma_wait3A_276] : memref<4097x4096xf32, #tpu.memory_space<hbm>> -> memref<8x4096xf32, #tpu.memory_space<hbm>>
    %dma_wait3A_278 = arith.constant 0 : i32
    %dma_wait3A_279 = tpu.memref_slice %arg4[%add3A_100, %dma_wait3A_278] : memref<4097x4096xf32, #tpu.memory_space<hbm>> -> memref<8x4096xf32, #tpu.memory_space<hbm>>
    tpu.wait_dma2 semaphore(%arg10 : memref<!tpu.dma_semaphore, #tpu.memory_space<semaphore_mem>>) src(%arg5 : memref<8x4096xf32, #tpu.memory_space<vmem>>) dst(%dma_wait3A_279 : memref<8x4096xf32, #tpu.memory_space<hbm>>)
    %sub3A_280 = arith.constant 8 : i32
    %sub3A_281 = arith.subi %mul3A_2, %sub3A_280 : i32
    %add3A_282 = arith.constant 0 : i32
    %add3A_283 = arith.addi %sub3A_281, %add3A_282 : i32
    %add3A_284 = vector.broadcast %add3A_283 : i32 to vector<16xi32>
    %add3A_285 = arith.addi %add3A_284, %iota3A : vector<16xi32>
    %ge3A_286 = arith.constant 0 : i32
    %ge3A_287 = vector.broadcast %ge3A_286 : i32 to vector<16xi32>
    %ge3A_288 = arith.cmpi sge, %add3A_285, %ge3A_287 : vector<16xi32>
    %and3A_289 = arith.andi %and3A, %ge3A_288 : vector<16xi1>
    %sub3A_290 = arith.constant 7 : i32
    %sub3A_291 = vector.broadcast %sub3A_290 : i32 to vector<16xi32>
    %sub3A_292 = arith.subi %iota3A, %sub3A_291 : vector<16xi32>
    %jit3A_293 = arith.constant 0 : i32
    %broadcast_in_dim3A_294 = vector.broadcast %jit3A_293 : i32 to vector<16xi32>
    %select_n3A_295 = arith.select %and3A_289, %sub3A_292, %broadcast_in_dim3A_294 : vector<16xi1>, vector<16xi32>
    %jit3A_296 = arith.constant 0 : i32
    %broadcast_in_dim3A_297 = vector.broadcast %jit3A_296 : i32 to vector<16xi32>
    %select_n3A_298 = arith.select %and3A_289, %add3A_285, %broadcast_in_dim3A_297 : vector<16xi1>, vector<16xi32>
    tpu.vector_store_idx %arg5[%select_n3A_295, %select_n3A_298], %broadcast_in_dim3A_16 masked %and3A_289 : memref<8x4096xf32, #tpu.memory_space<vmem>>[vector<16xi32>, vector<16xi32>], vector<16xf32>, vector<16xi1>
    %sub3A_299 = arith.constant 8 : i32
    %sub3A_300 = arith.subi %mul3A_2, %sub3A_299 : i32
    %add3A_301 = arith.constant 24 : i32
    %add3A_302 = arith.addi %sub3A_300, %add3A_301 : i32
    %add3A_303 = vector.broadcast %add3A_302 : i32 to vector<16xi32>
    %add3A_304 = arith.addi %add3A_303, %iota3A : vector<16xi32>
    %ge3A_305 = arith.constant 0 : i32
    %ge3A_306 = vector.broadcast %ge3A_305 : i32 to vector<16xi32>
    %ge3A_307 = arith.cmpi sge, %add3A_304, %ge3A_306 : vector<16xi32>
    %and3A_308 = arith.andi %and3A, %ge3A_307 : vector<16xi1>
    %sub3A_309 = arith.constant 7 : i32
    %sub3A_310 = vector.broadcast %sub3A_309 : i32 to vector<16xi32>
    %sub3A_311 = arith.subi %iota3A, %sub3A_310 : vector<16xi32>
    %jit3A_312 = arith.constant 0 : i32
    %broadcast_in_dim3A_313 = vector.broadcast %jit3A_312 : i32 to vector<16xi32>
    %select_n3A_314 = arith.select %and3A_308, %sub3A_311, %broadcast_in_dim3A_313 : vector<16xi1>, vector<16xi32>
    %jit3A_315 = arith.constant 0 : i32
    %broadcast_in_dim3A_316 = vector.broadcast %jit3A_315 : i32 to vector<16xi32>
    %select_n3A_317 = arith.select %and3A_308, %add3A_304, %broadcast_in_dim3A_316 : vector<16xi1>, vector<16xi32>
    %get3A_318 = arith.constant 24 : index
    %get3A_319 = tpu.vector_load %arg8[%get3A_318] {strides = array<i32>} : memref<144xf32, #tpu.memory_space<vmem>>, vector<16xf32>,
    tpu.vector_store_idx %arg5[%select_n3A_314, %select_n3A_317], %get3A_319 masked %and3A_308 : memref<8x4096xf32, #tpu.memory_space<vmem>>[vector<16xi32>, vector<16xi32>], vector<16xf32>, vector<16xi1>
    %add3A_320 = arith.constant 24 : i32
    %add3A_321 = arith.addi %mul3A_2, %add3A_320 : i32
    %dma_start3A_322 = arith.constant 0 : i32
    %dma_start3A_323 = tpu.memref_slice %arg4[%add3A_321, %dma_start3A_322] : memref<4097x4096xf32, #tpu.memory_space<hbm>> -> memref<8x4096xf32, #tpu.memory_space<hbm>>
    %dma_start3A_324 = arith.constant 0 : i32
    %dma_start3A_325 = tpu.memref_slice %arg4[%add3A_321, %dma_start3A_324] : memref<4097x4096xf32, #tpu.memory_space<hbm>> -> memref<8x4096xf32, #tpu.memory_space<hbm>>
    tpu.enqueue_dma source(%arg5 : memref<8x4096xf32, #tpu.memory_space<vmem>>) target(%dma_start3A_325 : memref<8x4096xf32, #tpu.memory_space<hbm>>) target_semaphore(%arg10 : memref<!tpu.dma_semaphore, #tpu.memory_space<semaphore_mem>>)
    %eq3A_326 = arith.constant 0 : i32
    %eq3A_327 = arith.cmpi eq, %add3A, %eq3A_326 : i32
    %convert_element_type3A_328 = arith.extui %eq3A_327 : i1 to i32
    %cond3A_329 = arith.constant 0 : i32
    %cond3A_330 = arith.cmpi ne, %convert_element_type3A_328, %cond3A_329 : i32
    scf.if %cond3A_330 {
      tpu.wait_dma2 semaphore(%arg14 : memref<!tpu.dma_semaphore, #tpu.memory_space<semaphore_mem>>) src(%arg2 : memref<1x4096xf32, #tpu.memory_space<hbm>>) dst(%arg9 : memref<1x4096xf32, #tpu.memory_space<vmem>>)
      %dma_start3A_953 = arith.constant 0 : i32
      %dma_start3A_954 = arith.constant 0 : i32
      %dma_start3A_955 = tpu.memref_slice %arg4[%dma_start3A_953, %dma_start3A_954] : memref<4097x4096xf32, #tpu.memory_space<hbm>> -> memref<1x4096xf32, #tpu.memory_space<hbm>>
      %dma_start3A_956 = arith.constant 0 : i32
      %dma_start3A_957 = arith.constant 0 : i32
      %dma_start3A_958 = tpu.memref_slice %arg4[%dma_start3A_956, %dma_start3A_957] : memref<4097x4096xf32, #tpu.memory_space<hbm>> -> memref<1x4096xf32, #tpu.memory_space<hbm>>
      tpu.enqueue_dma source(%arg9 : memref<1x4096xf32, #tpu.memory_space<vmem>>) target(%dma_start3A_958 : memref<1x4096xf32, #tpu.memory_space<hbm>>) target_semaphore(%arg14 : memref<!tpu.dma_semaphore, #tpu.memory_space<semaphore_mem>>)
    } else {
    }
    %dma_wait3A_331 = arith.constant 0 : i32
    %dma_wait3A_332 = tpu.memref_slice %arg4[%add3A_183, %dma_wait3A_331] : memref<4097x4096xf32, #tpu.memory_space<hbm>> -> memref<8x4096xf32, #tpu.memory_space<hbm>>
    %dma_wait3A_333 = arith.constant 0 : i32
    %dma_wait3A_334 = tpu.memref_slice %arg4[%add3A_183, %dma_wait3A_333] : memref<4097x4096xf32, #tpu.memory_space<hbm>> -> memref<8x4096xf32, #tpu.memory_space<hbm>>
    tpu.wait_dma2 semaphore(%arg11 : memref<!tpu.dma_semaphore, #tpu.memory_space<semaphore_mem>>) src(%arg6 : memref<8x4096xf32, #tpu.memory_space<vmem>>) dst(%dma_wait3A_334 : memref<8x4096xf32, #tpu.memory_space<hbm>>)
    %sub3A_335 = arith.constant 8 : i32
    %sub3A_336 = arith.subi %mul3A_2, %sub3A_335 : i32
    %add3A_337 = arith.constant 8 : i32
    %add3A_338 = arith.addi %sub3A_336, %add3A_337 : i32
    %add3A_339 = vector.broadcast %add3A_338 : i32 to vector<16xi32>
    %add3A_340 = arith.addi %add3A_339, %iota3A : vector<16xi32>
    %ge3A_341 = arith.constant 0 : i32
    %ge3A_342 = vector.broadcast %ge3A_341 : i32 to vector<16xi32>
    %ge3A_343 = arith.cmpi sge, %add3A_340, %ge3A_342 : vector<16xi32>
    %and3A_344 = arith.andi %and3A, %ge3A_343 : vector<16xi1>
    %sub3A_345 = arith.constant 7 : i32
    %sub3A_346 = vector.broadcast %sub3A_345 : i32 to vector<16xi32>
    %sub3A_347 = arith.subi %iota3A, %sub3A_346 : vector<16xi32>
    %jit3A_348 = arith.constant 0 : i32
    %broadcast_in_dim3A_349 = vector.broadcast %jit3A_348 : i32 to vector<16xi32>
    %select_n3A_350 = arith.select %and3A_344, %sub3A_347, %broadcast_in_dim3A_349 : vector<16xi1>, vector<16xi32>
    %jit3A_351 = arith.constant 0 : i32
    %broadcast_in_dim3A_352 = vector.broadcast %jit3A_351 : i32 to vector<16xi32>
    %select_n3A_353 = arith.select %and3A_344, %add3A_340, %broadcast_in_dim3A_352 : vector<16xi1>, vector<16xi32>
    tpu.vector_store_idx %arg6[%select_n3A_350, %select_n3A_353], %broadcast_in_dim3A_16 masked %and3A_344 : memref<8x4096xf32, #tpu.memory_space<vmem>>[vector<16xi32>, vector<16xi32>], vector<16xf32>, vector<16xi1>
    %sub3A_354 = arith.constant 8 : i32
    %sub3A_355 = arith.subi %mul3A_2, %sub3A_354 : i32
    %add3A_356 = arith.constant 32 : i32
    %add3A_357 = arith.addi %sub3A_355, %add3A_356 : i32
    %add3A_358 = vector.broadcast %add3A_357 : i32 to vector<16xi32>
    %add3A_359 = arith.addi %add3A_358, %iota3A : vector<16xi32>
    %ge3A_360 = arith.constant 0 : i32
    %ge3A_361 = vector.broadcast %ge3A_360 : i32 to vector<16xi32>
    %ge3A_362 = arith.cmpi sge, %add3A_359, %ge3A_361 : vector<16xi32>
    %and3A_363 = arith.andi %and3A, %ge3A_362 : vector<16xi1>
    %sub3A_364 = arith.constant 7 : i32
    %sub3A_365 = vector.broadcast %sub3A_364 : i32 to vector<16xi32>
    %sub3A_366 = arith.subi %iota3A, %sub3A_365 : vector<16xi32>
    %jit3A_367 = arith.constant 0 : i32
    %broadcast_in_dim3A_368 = vector.broadcast %jit3A_367 : i32 to vector<16xi32>
    %select_n3A_369 = arith.select %and3A_363, %sub3A_366, %broadcast_in_dim3A_368 : vector<16xi1>, vector<16xi32>
    %jit3A_370 = arith.constant 0 : i32
    %broadcast_in_dim3A_371 = vector.broadcast %jit3A_370 : i32 to vector<16xi32>
    %select_n3A_372 = arith.select %and3A_363, %add3A_359, %broadcast_in_dim3A_371 : vector<16xi1>, vector<16xi32>
    %get3A_373 = arith.constant 32 : index
    %get3A_374 = tpu.vector_load %arg8[%get3A_373] {strides = array<i32>} : memref<144xf32, #tpu.memory_space<vmem>>, vector<16xf32>,
    tpu.vector_store_idx %arg6[%select_n3A_369, %select_n3A_372], %get3A_374 masked %and3A_363 : memref<8x4096xf32, #tpu.memory_space<vmem>>[vector<16xi32>, vector<16xi32>], vector<16xf32>, vector<16xi1>
    %add3A_375 = arith.constant 32 : i32
    %add3A_376 = arith.addi %mul3A_2, %add3A_375 : i32
    %dma_start3A_377 = arith.constant 0 : i32
    %dma_start3A_378 = tpu.memref_slice %arg4[%add3A_376, %dma_start3A_377] : memref<4097x4096xf32, #tpu.memory_space<hbm>> -> memref<8x4096xf32, #tpu.memory_space<hbm>>
    %dma_start3A_379 = arith.constant 0 : i32
    %dma_start3A_380 = tpu.memref_slice %arg4[%add3A_376, %dma_start3A_379] : memref<4097x4096xf32, #tpu.memory_space<hbm>> -> memref<8x4096xf32, #tpu.memory_space<hbm>>
    tpu.enqueue_dma source(%arg6 : memref<8x4096xf32, #tpu.memory_space<vmem>>) target(%dma_start3A_380 : memref<8x4096xf32, #tpu.memory_space<hbm>>) target_semaphore(%arg11 : memref<!tpu.dma_semaphore, #tpu.memory_space<semaphore_mem>>)
    %dma_wait3A_381 = arith.constant 0 : i32
    %dma_wait3A_382 = tpu.memref_slice %arg4[%add3A_266, %dma_wait3A_381] : memref<4097x4096xf32, #tpu.memory_space<hbm>> -> memref<8x4096xf32, #tpu.memory_space<hbm>>
    %dma_wait3A_383 = arith.constant 0 : i32
    %dma_wait3A_384 = tpu.memref_slice %arg4[%add3A_266, %dma_wait3A_383] : memref<4097x4096xf32, #tpu.memory_space<hbm>> -> memref<8x4096xf32, #tpu.memory_space<hbm>>
    tpu.wait_dma2 semaphore(%arg12 : memref<!tpu.dma_semaphore, #tpu.memory_space<semaphore_mem>>) src(%arg7 : memref<8x4096xf32, #tpu.memory_space<vmem>>) dst(%dma_wait3A_384 : memref<8x4096xf32, #tpu.memory_space<hbm>>)
    %sub3A_385 = arith.constant 8 : i32
    %sub3A_386 = arith.subi %mul3A_2, %sub3A_385 : i32
    %add3A_387 = arith.constant 16 : i32
    %add3A_388 = arith.addi %sub3A_386, %add3A_387 : i32
    %add3A_389 = vector.broadcast %add3A_388 : i32 to vector<16xi32>
    %add3A_390 = arith.addi %add3A_389, %iota3A : vector<16xi32>
    %ge3A_391 = arith.constant 0 : i32
    %ge3A_392 = vector.broadcast %ge3A_391 : i32 to vector<16xi32>
    %ge3A_393 = arith.cmpi sge, %add3A_390, %ge3A_392 : vector<16xi32>
    %and3A_394 = arith.andi %and3A, %ge3A_393 : vector<16xi1>
    %sub3A_395 = arith.constant 7 : i32
    %sub3A_396 = vector.broadcast %sub3A_395 : i32 to vector<16xi32>
    %sub3A_397 = arith.subi %iota3A, %sub3A_396 : vector<16xi32>
    %jit3A_398 = arith.constant 0 : i32
    %broadcast_in_dim3A_399 = vector.broadcast %jit3A_398 : i32 to vector<16xi32>
    %select_n3A_400 = arith.select %and3A_394, %sub3A_397, %broadcast_in_dim3A_399 : vector<16xi1>, vector<16xi32>
    %jit3A_401 = arith.constant 0 : i32
    %broadcast_in_dim3A_402 = vector.broadcast %jit3A_401 : i32 to vector<16xi32>
    %select_n3A_403 = arith.select %and3A_394, %add3A_390, %broadcast_in_dim3A_402 : vector<16xi1>, vector<16xi32>
    tpu.vector_store_idx %arg7[%select_n3A_400, %select_n3A_403], %broadcast_in_dim3A_16 masked %and3A_394 : memref<8x4096xf32, #tpu.memory_space<vmem>>[vector<16xi32>, vector<16xi32>], vector<16xf32>, vector<16xi1>
    %sub3A_404 = arith.constant 8 : i32
    %sub3A_405 = arith.subi %mul3A_2, %sub3A_404 : i32
    %add3A_406 = arith.constant 40 : i32
    %add3A_407 = arith.addi %sub3A_405, %add3A_406 : i32
    %add3A_408 = vector.broadcast %add3A_407 : i32 to vector<16xi32>
    %add3A_409 = arith.addi %add3A_408, %iota3A : vector<16xi32>
    %ge3A_410 = arith.constant 0 : i32
    %ge3A_411 = vector.broadcast %ge3A_410 : i32 to vector<16xi32>
    %ge3A_412 = arith.cmpi sge, %add3A_409, %ge3A_411 : vector<16xi32>
    %and3A_413 = arith.andi %and3A, %ge3A_412 : vector<16xi1>
    %sub3A_414 = arith.constant 7 : i32
    %sub3A_415 = vector.broadcast %sub3A_414 : i32 to vector<16xi32>
    %sub3A_416 = arith.subi %iota3A, %sub3A_415 : vector<16xi32>
    %jit3A_417 = arith.constant 0 : i32
    %broadcast_in_dim3A_418 = vector.broadcast %jit3A_417 : i32 to vector<16xi32>
    %select_n3A_419 = arith.select %and3A_413, %sub3A_416, %broadcast_in_dim3A_418 : vector<16xi1>, vector<16xi32>
    %jit3A_420 = arith.constant 0 : i32
    %broadcast_in_dim3A_421 = vector.broadcast %jit3A_420 : i32 to vector<16xi32>
    %select_n3A_422 = arith.select %and3A_413, %add3A_409, %broadcast_in_dim3A_421 : vector<16xi1>, vector<16xi32>
    %get3A_423 = arith.constant 40 : index
    %get3A_424 = tpu.vector_load %arg8[%get3A_423] {strides = array<i32>} : memref<144xf32, #tpu.memory_space<vmem>>, vector<16xf32>,
    tpu.vector_store_idx %arg7[%select_n3A_419, %select_n3A_422], %get3A_424 masked %and3A_413 : memref<8x4096xf32, #tpu.memory_space<vmem>>[vector<16xi32>, vector<16xi32>], vector<16xf32>, vector<16xi1>
    %add3A_425 = arith.constant 40 : i32
    %add3A_426 = arith.addi %mul3A_2, %add3A_425 : i32
    %dma_start3A_427 = arith.constant 0 : i32
    %dma_start3A_428 = tpu.memref_slice %arg4[%add3A_426, %dma_start3A_427] : memref<4097x4096xf32, #tpu.memory_space<hbm>> -> memref<8x4096xf32, #tpu.memory_space<hbm>>
    %dma_start3A_429 = arith.constant 0 : i32
    %dma_start3A_430 = tpu.memref_slice %arg4[%add3A_426, %dma_start3A_429] : memref<4097x4096xf32, #tpu.memory_space<hbm>> -> memref<8x4096xf32, #tpu.memory_space<hbm>>
    tpu.enqueue_dma source(%arg7 : memref<8x4096xf32, #tpu.memory_space<vmem>>) target(%dma_start3A_430 : memref<8x4096xf32, #tpu.memory_space<hbm>>) target_semaphore(%arg12 : memref<!tpu.dma_semaphore, #tpu.memory_space<semaphore_mem>>)
    %dma_wait3A_431 = arith.constant 0 : i32
    %dma_wait3A_432 = tpu.memref_slice %arg4[%add3A_321, %dma_wait3A_431] : memref<4097x4096xf32, #tpu.memory_space<hbm>> -> memref<8x4096xf32, #tpu.memory_space<hbm>>
    %dma_wait3A_433 = arith.constant 0 : i32
    %dma_wait3A_434 = tpu.memref_slice %arg4[%add3A_321, %dma_wait3A_433] : memref<4097x4096xf32, #tpu.memory_space<hbm>> -> memref<8x4096xf32, #tpu.memory_space<hbm>>
    tpu.wait_dma2 semaphore(%arg10 : memref<!tpu.dma_semaphore, #tpu.memory_space<semaphore_mem>>) src(%arg5 : memref<8x4096xf32, #tpu.memory_space<vmem>>) dst(%dma_wait3A_434 : memref<8x4096xf32, #tpu.memory_space<hbm>>)
    %sub3A_435 = arith.constant 8 : i32
    %sub3A_436 = arith.subi %mul3A_2, %sub3A_435 : i32
    %add3A_437 = arith.constant 24 : i32
    %add3A_438 = arith.addi %sub3A_436, %add3A_437 : i32
    %add3A_439 = vector.broadcast %add3A_438 : i32 to vector<16xi32>
    %add3A_440 = arith.addi %add3A_439, %iota3A : vector<16xi32>
    %ge3A_441 = arith.constant 0 : i32
    %ge3A_442 = vector.broadcast %ge3A_441 : i32 to vector<16xi32>
    %ge3A_443 = arith.cmpi sge, %add3A_440, %ge3A_442 : vector<16xi32>
    %and3A_444 = arith.andi %and3A, %ge3A_443 : vector<16xi1>
    %sub3A_445 = arith.constant 7 : i32
    %sub3A_446 = vector.broadcast %sub3A_445 : i32 to vector<16xi32>
    %sub3A_447 = arith.subi %iota3A, %sub3A_446 : vector<16xi32>
    %jit3A_448 = arith.constant 0 : i32
    %broadcast_in_dim3A_449 = vector.broadcast %jit3A_448 : i32 to vector<16xi32>
    %select_n3A_450 = arith.select %and3A_444, %sub3A_447, %broadcast_in_dim3A_449 : vector<16xi1>, vector<16xi32>
    %jit3A_451 = arith.constant 0 : i32
    %broadcast_in_dim3A_452 = vector.broadcast %jit3A_451 : i32 to vector<16xi32>
    %select_n3A_453 = arith.select %and3A_444, %add3A_440, %broadcast_in_dim3A_452 : vector<16xi1>, vector<16xi32>
    tpu.vector_store_idx %arg5[%select_n3A_450, %select_n3A_453], %broadcast_in_dim3A_16 masked %and3A_444 : memref<8x4096xf32, #tpu.memory_space<vmem>>[vector<16xi32>, vector<16xi32>], vector<16xf32>, vector<16xi1>
    %sub3A_454 = arith.constant 8 : i32
    %sub3A_455 = arith.subi %mul3A_2, %sub3A_454 : i32
    %add3A_456 = arith.constant 48 : i32
    %add3A_457 = arith.addi %sub3A_455, %add3A_456 : i32
    %add3A_458 = vector.broadcast %add3A_457 : i32 to vector<16xi32>
    %add3A_459 = arith.addi %add3A_458, %iota3A : vector<16xi32>
    %ge3A_460 = arith.constant 0 : i32
    %ge3A_461 = vector.broadcast %ge3A_460 : i32 to vector<16xi32>
    %ge3A_462 = arith.cmpi sge, %add3A_459, %ge3A_461 : vector<16xi32>
    %and3A_463 = arith.andi %and3A, %ge3A_462 : vector<16xi1>
    %sub3A_464 = arith.constant 7 : i32
    %sub3A_465 = vector.broadcast %sub3A_464 : i32 to vector<16xi32>
    %sub3A_466 = arith.subi %iota3A, %sub3A_465 : vector<16xi32>
    %jit3A_467 = arith.constant 0 : i32
    %broadcast_in_dim3A_468 = vector.broadcast %jit3A_467 : i32 to vector<16xi32>
    %select_n3A_469 = arith.select %and3A_463, %sub3A_466, %broadcast_in_dim3A_468 : vector<16xi1>, vector<16xi32>
    %jit3A_470 = arith.constant 0 : i32
    %broadcast_in_dim3A_471 = vector.broadcast %jit3A_470 : i32 to vector<16xi32>
    %select_n3A_472 = arith.select %and3A_463, %add3A_459, %broadcast_in_dim3A_471 : vector<16xi1>, vector<16xi32>
    %get3A_473 = arith.constant 48 : index
    %get3A_474 = tpu.vector_load %arg8[%get3A_473] {strides = array<i32>} : memref<144xf32, #tpu.memory_space<vmem>>, vector<16xf32>,
    tpu.vector_store_idx %arg5[%select_n3A_469, %select_n3A_472], %get3A_474 masked %and3A_463 : memref<8x4096xf32, #tpu.memory_space<vmem>>[vector<16xi32>, vector<16xi32>], vector<16xf32>, vector<16xi1>
    %add3A_475 = arith.constant 48 : i32
    %add3A_476 = arith.addi %mul3A_2, %add3A_475 : i32
    %dma_start3A_477 = arith.constant 0 : i32
    %dma_start3A_478 = tpu.memref_slice %arg4[%add3A_476, %dma_start3A_477] : memref<4097x4096xf32, #tpu.memory_space<hbm>> -> memref<8x4096xf32, #tpu.memory_space<hbm>>
    %dma_start3A_479 = arith.constant 0 : i32
    %dma_start3A_480 = tpu.memref_slice %arg4[%add3A_476, %dma_start3A_479] : memref<4097x4096xf32, #tpu.memory_space<hbm>> -> memref<8x4096xf32, #tpu.memory_space<hbm>>
    tpu.enqueue_dma source(%arg5 : memref<8x4096xf32, #tpu.memory_space<vmem>>) target(%dma_start3A_480 : memref<8x4096xf32, #tpu.memory_space<hbm>>) target_semaphore(%arg10 : memref<!tpu.dma_semaphore, #tpu.memory_space<semaphore_mem>>)
    %dma_wait3A_481 = arith.constant 0 : i32
    %dma_wait3A_482 = tpu.memref_slice %arg4[%add3A_376, %dma_wait3A_481] : memref<4097x4096xf32, #tpu.memory_space<hbm>> -> memref<8x4096xf32, #tpu.memory_space<hbm>>
    %dma_wait3A_483 = arith.constant 0 : i32
    %dma_wait3A_484 = tpu.memref_slice %arg4[%add3A_376, %dma_wait3A_483] : memref<4097x4096xf32, #tpu.memory_space<hbm>> -> memref<8x4096xf32, #tpu.memory_space<hbm>>
    tpu.wait_dma2 semaphore(%arg11 : memref<!tpu.dma_semaphore, #tpu.memory_space<semaphore_mem>>) src(%arg6 : memref<8x4096xf32, #tpu.memory_space<vmem>>) dst(%dma_wait3A_484 : memref<8x4096xf32, #tpu.memory_space<hbm>>)
    %sub3A_485 = arith.constant 8 : i32
    %sub3A_486 = arith.subi %mul3A_2, %sub3A_485 : i32
    %add3A_487 = arith.constant 32 : i32
    %add3A_488 = arith.addi %sub3A_486, %add3A_487 : i32
    %add3A_489 = vector.broadcast %add3A_488 : i32 to vector<16xi32>
    %add3A_490 = arith.addi %add3A_489, %iota3A : vector<16xi32>
    %ge3A_491 = arith.constant 0 : i32
    %ge3A_492 = vector.broadcast %ge3A_491 : i32 to vector<16xi32>
    %ge3A_493 = arith.cmpi sge, %add3A_490, %ge3A_492 : vector<16xi32>
    %and3A_494 = arith.andi %and3A, %ge3A_493 : vector<16xi1>
    %sub3A_495 = arith.constant 7 : i32
    %sub3A_496 = vector.broadcast %sub3A_495 : i32 to vector<16xi32>
    %sub3A_497 = arith.subi %iota3A, %sub3A_496 : vector<16xi32>
    %jit3A_498 = arith.constant 0 : i32
    %broadcast_in_dim3A_499 = vector.broadcast %jit3A_498 : i32 to vector<16xi32>
    %select_n3A_500 = arith.select %and3A_494, %sub3A_497, %broadcast_in_dim3A_499 : vector<16xi1>, vector<16xi32>
    %jit3A_501 = arith.constant 0 : i32
    %broadcast_in_dim3A_502 = vector.broadcast %jit3A_501 : i32 to vector<16xi32>
    %select_n3A_503 = arith.select %and3A_494, %add3A_490, %broadcast_in_dim3A_502 : vector<16xi1>, vector<16xi32>
    tpu.vector_store_idx %arg6[%select_n3A_500, %select_n3A_503], %broadcast_in_dim3A_16 masked %and3A_494 : memref<8x4096xf32, #tpu.memory_space<vmem>>[vector<16xi32>, vector<16xi32>], vector<16xf32>, vector<16xi1>
    %sub3A_504 = arith.constant 8 : i32
    %sub3A_505 = arith.subi %mul3A_2, %sub3A_504 : i32
    %add3A_506 = arith.constant 56 : i32
    %add3A_507 = arith.addi %sub3A_505, %add3A_506 : i32
    %add3A_508 = vector.broadcast %add3A_507 : i32 to vector<16xi32>
    %add3A_509 = arith.addi %add3A_508, %iota3A : vector<16xi32>
    %ge3A_510 = arith.constant 0 : i32
    %ge3A_511 = vector.broadcast %ge3A_510 : i32 to vector<16xi32>
    %ge3A_512 = arith.cmpi sge, %add3A_509, %ge3A_511 : vector<16xi32>
    %and3A_513 = arith.andi %and3A, %ge3A_512 : vector<16xi1>
    %sub3A_514 = arith.constant 7 : i32
    %sub3A_515 = vector.broadcast %sub3A_514 : i32 to vector<16xi32>
    %sub3A_516 = arith.subi %iota3A, %sub3A_515 : vector<16xi32>
    %jit3A_517 = arith.constant 0 : i32
    %broadcast_in_dim3A_518 = vector.broadcast %jit3A_517 : i32 to vector<16xi32>
    %select_n3A_519 = arith.select %and3A_513, %sub3A_516, %broadcast_in_dim3A_518 : vector<16xi1>, vector<16xi32>
    %jit3A_520 = arith.constant 0 : i32
    %broadcast_in_dim3A_521 = vector.broadcast %jit3A_520 : i32 to vector<16xi32>
    %select_n3A_522 = arith.select %and3A_513, %add3A_509, %broadcast_in_dim3A_521 : vector<16xi1>, vector<16xi32>
    %get3A_523 = arith.constant 56 : index
    %get3A_524 = tpu.vector_load %arg8[%get3A_523] {strides = array<i32>} : memref<144xf32, #tpu.memory_space<vmem>>, vector<16xf32>,
    tpu.vector_store_idx %arg6[%select_n3A_519, %select_n3A_522], %get3A_524 masked %and3A_513 : memref<8x4096xf32, #tpu.memory_space<vmem>>[vector<16xi32>, vector<16xi32>], vector<16xf32>, vector<16xi1>
    %add3A_525 = arith.constant 56 : i32
    %add3A_526 = arith.addi %mul3A_2, %add3A_525 : i32
    %dma_start3A_527 = arith.constant 0 : i32
    %dma_start3A_528 = tpu.memref_slice %arg4[%add3A_526, %dma_start3A_527] : memref<4097x4096xf32, #tpu.memory_space<hbm>> -> memref<8x4096xf32, #tpu.memory_space<hbm>>
    %dma_start3A_529 = arith.constant 0 : i32
    %dma_start3A_530 = tpu.memref_slice %arg4[%add3A_526, %dma_start3A_529] : memref<4097x4096xf32, #tpu.memory_space<hbm>> -> memref<8x4096xf32, #tpu.memory_space<hbm>>
    tpu.enqueue_dma source(%arg6 : memref<8x4096xf32, #tpu.memory_space<vmem>>) target(%dma_start3A_530 : memref<8x4096xf32, #tpu.memory_space<hbm>>) target_semaphore(%arg11 : memref<!tpu.dma_semaphore, #tpu.memory_space<semaphore_mem>>)
    %dma_wait3A_531 = arith.constant 0 : i32
    %dma_wait3A_532 = tpu.memref_slice %arg4[%add3A_426, %dma_wait3A_531] : memref<4097x4096xf32, #tpu.memory_space<hbm>> -> memref<8x4096xf32, #tpu.memory_space<hbm>>
    %dma_wait3A_533 = arith.constant 0 : i32
    %dma_wait3A_534 = tpu.memref_slice %arg4[%add3A_426, %dma_wait3A_533] : memref<4097x4096xf32, #tpu.memory_space<hbm>> -> memref<8x4096xf32, #tpu.memory_space<hbm>>
    tpu.wait_dma2 semaphore(%arg12 : memref<!tpu.dma_semaphore, #tpu.memory_space<semaphore_mem>>) src(%arg7 : memref<8x4096xf32, #tpu.memory_space<vmem>>) dst(%dma_wait3A_534 : memref<8x4096xf32, #tpu.memory_space<hbm>>)
    %sub3A_535 = arith.constant 8 : i32
    %sub3A_536 = arith.subi %mul3A_2, %sub3A_535 : i32
    %add3A_537 = arith.constant 40 : i32
    %add3A_538 = arith.addi %sub3A_536, %add3A_537 : i32
    %add3A_539 = vector.broadcast %add3A_538 : i32 to vector<16xi32>
    %add3A_540 = arith.addi %add3A_539, %iota3A : vector<16xi32>
    %ge3A_541 = arith.constant 0 : i32
    %ge3A_542 = vector.broadcast %ge3A_541 : i32 to vector<16xi32>
    %ge3A_543 = arith.cmpi sge, %add3A_540, %ge3A_542 : vector<16xi32>
    %and3A_544 = arith.andi %and3A, %ge3A_543 : vector<16xi1>
    %sub3A_545 = arith.constant 7 : i32
    %sub3A_546 = vector.broadcast %sub3A_545 : i32 to vector<16xi32>
    %sub3A_547 = arith.subi %iota3A, %sub3A_546 : vector<16xi32>
    %jit3A_548 = arith.constant 0 : i32
    %broadcast_in_dim3A_549 = vector.broadcast %jit3A_548 : i32 to vector<16xi32>
    %select_n3A_550 = arith.select %and3A_544, %sub3A_547, %broadcast_in_dim3A_549 : vector<16xi1>, vector<16xi32>
    %jit3A_551 = arith.constant 0 : i32
    %broadcast_in_dim3A_552 = vector.broadcast %jit3A_551 : i32 to vector<16xi32>
    %select_n3A_553 = arith.select %and3A_544, %add3A_540, %broadcast_in_dim3A_552 : vector<16xi1>, vector<16xi32>
    tpu.vector_store_idx %arg7[%select_n3A_550, %select_n3A_553], %broadcast_in_dim3A_16 masked %and3A_544 : memref<8x4096xf32, #tpu.memory_space<vmem>>[vector<16xi32>, vector<16xi32>], vector<16xf32>, vector<16xi1>
    %sub3A_554 = arith.constant 8 : i32
    %sub3A_555 = arith.subi %mul3A_2, %sub3A_554 : i32
    %add3A_556 = arith.constant 64 : i32
    %add3A_557 = arith.addi %sub3A_555, %add3A_556 : i32
    %add3A_558 = vector.broadcast %add3A_557 : i32 to vector<16xi32>
    %add3A_559 = arith.addi %add3A_558, %iota3A : vector<16xi32>
    %ge3A_560 = arith.constant 0 : i32
    %ge3A_561 = vector.broadcast %ge3A_560 : i32 to vector<16xi32>
    %ge3A_562 = arith.cmpi sge, %add3A_559, %ge3A_561 : vector<16xi32>
    %and3A_563 = arith.andi %and3A, %ge3A_562 : vector<16xi1>
    %sub3A_564 = arith.constant 7 : i32
    %sub3A_565 = vector.broadcast %sub3A_564 : i32 to vector<16xi32>
    %sub3A_566 = arith.subi %iota3A, %sub3A_565 : vector<16xi32>
    %jit3A_567 = arith.constant 0 : i32
    %broadcast_in_dim3A_568 = vector.broadcast %jit3A_567 : i32 to vector<16xi32>
    %select_n3A_569 = arith.select %and3A_563, %sub3A_566, %broadcast_in_dim3A_568 : vector<16xi1>, vector<16xi32>
    %jit3A_570 = arith.constant 0 : i32
    %broadcast_in_dim3A_571 = vector.broadcast %jit3A_570 : i32 to vector<16xi32>
    %select_n3A_572 = arith.select %and3A_563, %add3A_559, %broadcast_in_dim3A_571 : vector<16xi1>, vector<16xi32>
    %get3A_573 = arith.constant 64 : index
    %get3A_574 = tpu.vector_load %arg8[%get3A_573] {strides = array<i32>} : memref<144xf32, #tpu.memory_space<vmem>>, vector<16xf32>,
    tpu.vector_store_idx %arg7[%select_n3A_569, %select_n3A_572], %get3A_574 masked %and3A_563 : memref<8x4096xf32, #tpu.memory_space<vmem>>[vector<16xi32>, vector<16xi32>], vector<16xf32>, vector<16xi1>
    %add3A_575 = arith.constant 64 : i32
    %add3A_576 = arith.addi %mul3A_2, %add3A_575 : i32
    %dma_start3A_577 = arith.constant 0 : i32
    %dma_start3A_578 = tpu.memref_slice %arg4[%add3A_576, %dma_start3A_577] : memref<4097x4096xf32, #tpu.memory_space<hbm>> -> memref<8x4096xf32, #tpu.memory_space<hbm>>
    %dma_start3A_579 = arith.constant 0 : i32
    %dma_start3A_580 = tpu.memref_slice %arg4[%add3A_576, %dma_start3A_579] : memref<4097x4096xf32, #tpu.memory_space<hbm>> -> memref<8x4096xf32, #tpu.memory_space<hbm>>
    tpu.enqueue_dma source(%arg7 : memref<8x4096xf32, #tpu.memory_space<vmem>>) target(%dma_start3A_580 : memref<8x4096xf32, #tpu.memory_space<hbm>>) target_semaphore(%arg12 : memref<!tpu.dma_semaphore, #tpu.memory_space<semaphore_mem>>)
    %dma_wait3A_581 = arith.constant 0 : i32
    %dma_wait3A_582 = tpu.memref_slice %arg4[%add3A_476, %dma_wait3A_581] : memref<4097x4096xf32, #tpu.memory_space<hbm>> -> memref<8x4096xf32, #tpu.memory_space<hbm>>
    %dma_wait3A_583 = arith.constant 0 : i32
    %dma_wait3A_584 = tpu.memref_slice %arg4[%add3A_476, %dma_wait3A_583] : memref<4097x4096xf32, #tpu.memory_space<hbm>> -> memref<8x4096xf32, #tpu.memory_space<hbm>>
    tpu.wait_dma2 semaphore(%arg10 : memref<!tpu.dma_semaphore, #tpu.memory_space<semaphore_mem>>) src(%arg5 : memref<8x4096xf32, #tpu.memory_space<vmem>>) dst(%dma_wait3A_584 : memref<8x4096xf32, #tpu.memory_space<hbm>>)
    %sub3A_585 = arith.constant 8 : i32
    %sub3A_586 = arith.subi %mul3A_2, %sub3A_585 : i32
    %add3A_587 = arith.constant 48 : i32
    %add3A_588 = arith.addi %sub3A_586, %add3A_587 : i32
    %add3A_589 = vector.broadcast %add3A_588 : i32 to vector<16xi32>
    %add3A_590 = arith.addi %add3A_589, %iota3A : vector<16xi32>
    %ge3A_591 = arith.constant 0 : i32
    %ge3A_592 = vector.broadcast %ge3A_591 : i32 to vector<16xi32>
    %ge3A_593 = arith.cmpi sge, %add3A_590, %ge3A_592 : vector<16xi32>
    %and3A_594 = arith.andi %and3A, %ge3A_593 : vector<16xi1>
    %sub3A_595 = arith.constant 7 : i32
    %sub3A_596 = vector.broadcast %sub3A_595 : i32 to vector<16xi32>
    %sub3A_597 = arith.subi %iota3A, %sub3A_596 : vector<16xi32>
    %jit3A_598 = arith.constant 0 : i32
    %broadcast_in_dim3A_599 = vector.broadcast %jit3A_598 : i32 to vector<16xi32>
    %select_n3A_600 = arith.select %and3A_594, %sub3A_597, %broadcast_in_dim3A_599 : vector<16xi1>, vector<16xi32>
    %jit3A_601 = arith.constant 0 : i32
    %broadcast_in_dim3A_602 = vector.broadcast %jit3A_601 : i32 to vector<16xi32>
    %select_n3A_603 = arith.select %and3A_594, %add3A_590, %broadcast_in_dim3A_602 : vector<16xi1>, vector<16xi32>
    tpu.vector_store_idx %arg5[%select_n3A_600, %select_n3A_603], %broadcast_in_dim3A_16 masked %and3A_594 : memref<8x4096xf32, #tpu.memory_space<vmem>>[vector<16xi32>, vector<16xi32>], vector<16xf32>, vector<16xi1>
    %sub3A_604 = arith.constant 8 : i32
    %sub3A_605 = arith.subi %mul3A_2, %sub3A_604 : i32
    %add3A_606 = arith.constant 72 : i32
    %add3A_607 = arith.addi %sub3A_605, %add3A_606 : i32
    %add3A_608 = vector.broadcast %add3A_607 : i32 to vector<16xi32>
    %add3A_609 = arith.addi %add3A_608, %iota3A : vector<16xi32>
    %ge3A_610 = arith.constant 0 : i32
    %ge3A_611 = vector.broadcast %ge3A_610 : i32 to vector<16xi32>
    %ge3A_612 = arith.cmpi sge, %add3A_609, %ge3A_611 : vector<16xi32>
    %and3A_613 = arith.andi %and3A, %ge3A_612 : vector<16xi1>
    %sub3A_614 = arith.constant 7 : i32
    %sub3A_615 = vector.broadcast %sub3A_614 : i32 to vector<16xi32>
    %sub3A_616 = arith.subi %iota3A, %sub3A_615 : vector<16xi32>
    %jit3A_617 = arith.constant 0 : i32
    %broadcast_in_dim3A_618 = vector.broadcast %jit3A_617 : i32 to vector<16xi32>
    %select_n3A_619 = arith.select %and3A_613, %sub3A_616, %broadcast_in_dim3A_618 : vector<16xi1>, vector<16xi32>
    %jit3A_620 = arith.constant 0 : i32
    %broadcast_in_dim3A_621 = vector.broadcast %jit3A_620 : i32 to vector<16xi32>
    %select_n3A_622 = arith.select %and3A_613, %add3A_609, %broadcast_in_dim3A_621 : vector<16xi1>, vector<16xi32>
    %get3A_623 = arith.constant 72 : index
    %get3A_624 = tpu.vector_load %arg8[%get3A_623] {strides = array<i32>} : memref<144xf32, #tpu.memory_space<vmem>>, vector<16xf32>,
    tpu.vector_store_idx %arg5[%select_n3A_619, %select_n3A_622], %get3A_624 masked %and3A_613 : memref<8x4096xf32, #tpu.memory_space<vmem>>[vector<16xi32>, vector<16xi32>], vector<16xf32>, vector<16xi1>
    %add3A_625 = arith.constant 72 : i32
    %add3A_626 = arith.addi %mul3A_2, %add3A_625 : i32
    %dma_start3A_627 = arith.constant 0 : i32
    %dma_start3A_628 = tpu.memref_slice %arg4[%add3A_626, %dma_start3A_627] : memref<4097x4096xf32, #tpu.memory_space<hbm>> -> memref<8x4096xf32, #tpu.memory_space<hbm>>
    %dma_start3A_629 = arith.constant 0 : i32
    %dma_start3A_630 = tpu.memref_slice %arg4[%add3A_626, %dma_start3A_629] : memref<4097x4096xf32, #tpu.memory_space<hbm>> -> memref<8x4096xf32, #tpu.memory_space<hbm>>
    tpu.enqueue_dma source(%arg5 : memref<8x4096xf32, #tpu.memory_space<vmem>>) target(%dma_start3A_630 : memref<8x4096xf32, #tpu.memory_space<hbm>>) target_semaphore(%arg10 : memref<!tpu.dma_semaphore, #tpu.memory_space<semaphore_mem>>)
    %dma_wait3A_631 = arith.constant 0 : i32
    %dma_wait3A_632 = tpu.memref_slice %arg4[%add3A_526, %dma_wait3A_631] : memref<4097x4096xf32, #tpu.memory_space<hbm>> -> memref<8x4096xf32, #tpu.memory_space<hbm>>
    %dma_wait3A_633 = arith.constant 0 : i32
    %dma_wait3A_634 = tpu.memref_slice %arg4[%add3A_526, %dma_wait3A_633] : memref<4097x4096xf32, #tpu.memory_space<hbm>> -> memref<8x4096xf32, #tpu.memory_space<hbm>>
    tpu.wait_dma2 semaphore(%arg11 : memref<!tpu.dma_semaphore, #tpu.memory_space<semaphore_mem>>) src(%arg6 : memref<8x4096xf32, #tpu.memory_space<vmem>>) dst(%dma_wait3A_634 : memref<8x4096xf32, #tpu.memory_space<hbm>>)
    %sub3A_635 = arith.constant 8 : i32
    %sub3A_636 = arith.subi %mul3A_2, %sub3A_635 : i32
    %add3A_637 = arith.constant 56 : i32
    %add3A_638 = arith.addi %sub3A_636, %add3A_637 : i32
    %add3A_639 = vector.broadcast %add3A_638 : i32 to vector<16xi32>
    %add3A_640 = arith.addi %add3A_639, %iota3A : vector<16xi32>
    %ge3A_641 = arith.constant 0 : i32
    %ge3A_642 = vector.broadcast %ge3A_641 : i32 to vector<16xi32>
    %ge3A_643 = arith.cmpi sge, %add3A_640, %ge3A_642 : vector<16xi32>
    %and3A_644 = arith.andi %and3A, %ge3A_643 : vector<16xi1>
    %sub3A_645 = arith.constant 7 : i32
    %sub3A_646 = vector.broadcast %sub3A_645 : i32 to vector<16xi32>
    %sub3A_647 = arith.subi %iota3A, %sub3A_646 : vector<16xi32>
    %jit3A_648 = arith.constant 0 : i32
    %broadcast_in_dim3A_649 = vector.broadcast %jit3A_648 : i32 to vector<16xi32>
    %select_n3A_650 = arith.select %and3A_644, %sub3A_647, %broadcast_in_dim3A_649 : vector<16xi1>, vector<16xi32>
    %jit3A_651 = arith.constant 0 : i32
    %broadcast_in_dim3A_652 = vector.broadcast %jit3A_651 : i32 to vector<16xi32>
    %select_n3A_653 = arith.select %and3A_644, %add3A_640, %broadcast_in_dim3A_652 : vector<16xi1>, vector<16xi32>
    tpu.vector_store_idx %arg6[%select_n3A_650, %select_n3A_653], %broadcast_in_dim3A_16 masked %and3A_644 : memref<8x4096xf32, #tpu.memory_space<vmem>>[vector<16xi32>, vector<16xi32>], vector<16xf32>, vector<16xi1>
    %sub3A_654 = arith.constant 8 : i32
    %sub3A_655 = arith.subi %mul3A_2, %sub3A_654 : i32
    %add3A_656 = arith.constant 80 : i32
    %add3A_657 = arith.addi %sub3A_655, %add3A_656 : i32
    %add3A_658 = vector.broadcast %add3A_657 : i32 to vector<16xi32>
    %add3A_659 = arith.addi %add3A_658, %iota3A : vector<16xi32>
    %ge3A_660 = arith.constant 0 : i32
    %ge3A_661 = vector.broadcast %ge3A_660 : i32 to vector<16xi32>
    %ge3A_662 = arith.cmpi sge, %add3A_659, %ge3A_661 : vector<16xi32>
    %and3A_663 = arith.andi %and3A, %ge3A_662 : vector<16xi1>
    %sub3A_664 = arith.constant 7 : i32
    %sub3A_665 = vector.broadcast %sub3A_664 : i32 to vector<16xi32>
    %sub3A_666 = arith.subi %iota3A, %sub3A_665 : vector<16xi32>
    %jit3A_667 = arith.constant 0 : i32
    %broadcast_in_dim3A_668 = vector.broadcast %jit3A_667 : i32 to vector<16xi32>
    %select_n3A_669 = arith.select %and3A_663, %sub3A_666, %broadcast_in_dim3A_668 : vector<16xi1>, vector<16xi32>
    %jit3A_670 = arith.constant 0 : i32
    %broadcast_in_dim3A_671 = vector.broadcast %jit3A_670 : i32 to vector<16xi32>
    %select_n3A_672 = arith.select %and3A_663, %add3A_659, %broadcast_in_dim3A_671 : vector<16xi1>, vector<16xi32>
    %get3A_673 = arith.constant 80 : index
    %get3A_674 = tpu.vector_load %arg8[%get3A_673] {strides = array<i32>} : memref<144xf32, #tpu.memory_space<vmem>>, vector<16xf32>,
    tpu.vector_store_idx %arg6[%select_n3A_669, %select_n3A_672], %get3A_674 masked %and3A_663 : memref<8x4096xf32, #tpu.memory_space<vmem>>[vector<16xi32>, vector<16xi32>], vector<16xf32>, vector<16xi1>
    %add3A_675 = arith.constant 80 : i32
    %add3A_676 = arith.addi %mul3A_2, %add3A_675 : i32
    %dma_start3A_677 = arith.constant 0 : i32
    %dma_start3A_678 = tpu.memref_slice %arg4[%add3A_676, %dma_start3A_677] : memref<4097x4096xf32, #tpu.memory_space<hbm>> -> memref<8x4096xf32, #tpu.memory_space<hbm>>
    %dma_start3A_679 = arith.constant 0 : i32
    %dma_start3A_680 = tpu.memref_slice %arg4[%add3A_676, %dma_start3A_679] : memref<4097x4096xf32, #tpu.memory_space<hbm>> -> memref<8x4096xf32, #tpu.memory_space<hbm>>
    tpu.enqueue_dma source(%arg6 : memref<8x4096xf32, #tpu.memory_space<vmem>>) target(%dma_start3A_680 : memref<8x4096xf32, #tpu.memory_space<hbm>>) target_semaphore(%arg11 : memref<!tpu.dma_semaphore, #tpu.memory_space<semaphore_mem>>)
    %dma_wait3A_681 = arith.constant 0 : i32
    %dma_wait3A_682 = tpu.memref_slice %arg4[%add3A_576, %dma_wait3A_681] : memref<4097x4096xf32, #tpu.memory_space<hbm>> -> memref<8x4096xf32, #tpu.memory_space<hbm>>
    %dma_wait3A_683 = arith.constant 0 : i32
    %dma_wait3A_684 = tpu.memref_slice %arg4[%add3A_576, %dma_wait3A_683] : memref<4097x4096xf32, #tpu.memory_space<hbm>> -> memref<8x4096xf32, #tpu.memory_space<hbm>>
    tpu.wait_dma2 semaphore(%arg12 : memref<!tpu.dma_semaphore, #tpu.memory_space<semaphore_mem>>) src(%arg7 : memref<8x4096xf32, #tpu.memory_space<vmem>>) dst(%dma_wait3A_684 : memref<8x4096xf32, #tpu.memory_space<hbm>>)
    %sub3A_685 = arith.constant 8 : i32
    %sub3A_686 = arith.subi %mul3A_2, %sub3A_685 : i32
    %add3A_687 = arith.constant 64 : i32
    %add3A_688 = arith.addi %sub3A_686, %add3A_687 : i32
    %add3A_689 = vector.broadcast %add3A_688 : i32 to vector<16xi32>
    %add3A_690 = arith.addi %add3A_689, %iota3A : vector<16xi32>
    %ge3A_691 = arith.constant 0 : i32
    %ge3A_692 = vector.broadcast %ge3A_691 : i32 to vector<16xi32>
    %ge3A_693 = arith.cmpi sge, %add3A_690, %ge3A_692 : vector<16xi32>
    %and3A_694 = arith.andi %and3A, %ge3A_693 : vector<16xi1>
    %sub3A_695 = arith.constant 7 : i32
    %sub3A_696 = vector.broadcast %sub3A_695 : i32 to vector<16xi32>
    %sub3A_697 = arith.subi %iota3A, %sub3A_696 : vector<16xi32>
    %jit3A_698 = arith.constant 0 : i32
    %broadcast_in_dim3A_699 = vector.broadcast %jit3A_698 : i32 to vector<16xi32>
    %select_n3A_700 = arith.select %and3A_694, %sub3A_697, %broadcast_in_dim3A_699 : vector<16xi1>, vector<16xi32>
    %jit3A_701 = arith.constant 0 : i32
    %broadcast_in_dim3A_702 = vector.broadcast %jit3A_701 : i32 to vector<16xi32>
    %select_n3A_703 = arith.select %and3A_694, %add3A_690, %broadcast_in_dim3A_702 : vector<16xi1>, vector<16xi32>
    tpu.vector_store_idx %arg7[%select_n3A_700, %select_n3A_703], %broadcast_in_dim3A_16 masked %and3A_694 : memref<8x4096xf32, #tpu.memory_space<vmem>>[vector<16xi32>, vector<16xi32>], vector<16xf32>, vector<16xi1>
    %sub3A_704 = arith.constant 8 : i32
    %sub3A_705 = arith.subi %mul3A_2, %sub3A_704 : i32
    %add3A_706 = arith.constant 88 : i32
    %add3A_707 = arith.addi %sub3A_705, %add3A_706 : i32
    %add3A_708 = vector.broadcast %add3A_707 : i32 to vector<16xi32>
    %add3A_709 = arith.addi %add3A_708, %iota3A : vector<16xi32>
    %ge3A_710 = arith.constant 0 : i32
    %ge3A_711 = vector.broadcast %ge3A_710 : i32 to vector<16xi32>
    %ge3A_712 = arith.cmpi sge, %add3A_709, %ge3A_711 : vector<16xi32>
    %and3A_713 = arith.andi %and3A, %ge3A_712 : vector<16xi1>
    %sub3A_714 = arith.constant 7 : i32
    %sub3A_715 = vector.broadcast %sub3A_714 : i32 to vector<16xi32>
    %sub3A_716 = arith.subi %iota3A, %sub3A_715 : vector<16xi32>
    %jit3A_717 = arith.constant 0 : i32
    %broadcast_in_dim3A_718 = vector.broadcast %jit3A_717 : i32 to vector<16xi32>
    %select_n3A_719 = arith.select %and3A_713, %sub3A_716, %broadcast_in_dim3A_718 : vector<16xi1>, vector<16xi32>
    %jit3A_720 = arith.constant 0 : i32
    %broadcast_in_dim3A_721 = vector.broadcast %jit3A_720 : i32 to vector<16xi32>
    %select_n3A_722 = arith.select %and3A_713, %add3A_709, %broadcast_in_dim3A_721 : vector<16xi1>, vector<16xi32>
    %get3A_723 = arith.constant 88 : index
    %get3A_724 = tpu.vector_load %arg8[%get3A_723] {strides = array<i32>} : memref<144xf32, #tpu.memory_space<vmem>>, vector<16xf32>,
    tpu.vector_store_idx %arg7[%select_n3A_719, %select_n3A_722], %get3A_724 masked %and3A_713 : memref<8x4096xf32, #tpu.memory_space<vmem>>[vector<16xi32>, vector<16xi32>], vector<16xf32>, vector<16xi1>
    %add3A_725 = arith.constant 88 : i32
    %add3A_726 = arith.addi %mul3A_2, %add3A_725 : i32
    %dma_start3A_727 = arith.constant 0 : i32
    %dma_start3A_728 = tpu.memref_slice %arg4[%add3A_726, %dma_start3A_727] : memref<4097x4096xf32, #tpu.memory_space<hbm>> -> memref<8x4096xf32, #tpu.memory_space<hbm>>
    %dma_start3A_729 = arith.constant 0 : i32
    %dma_start3A_730 = tpu.memref_slice %arg4[%add3A_726, %dma_start3A_729] : memref<4097x4096xf32, #tpu.memory_space<hbm>> -> memref<8x4096xf32, #tpu.memory_space<hbm>>
    tpu.enqueue_dma source(%arg7 : memref<8x4096xf32, #tpu.memory_space<vmem>>) target(%dma_start3A_730 : memref<8x4096xf32, #tpu.memory_space<hbm>>) target_semaphore(%arg12 : memref<!tpu.dma_semaphore, #tpu.memory_space<semaphore_mem>>)
    %dma_wait3A_731 = arith.constant 0 : i32
    %dma_wait3A_732 = tpu.memref_slice %arg4[%add3A_626, %dma_wait3A_731] : memref<4097x4096xf32, #tpu.memory_space<hbm>> -> memref<8x4096xf32, #tpu.memory_space<hbm>>
    %dma_wait3A_733 = arith.constant 0 : i32
    %dma_wait3A_734 = tpu.memref_slice %arg4[%add3A_626, %dma_wait3A_733] : memref<4097x4096xf32, #tpu.memory_space<hbm>> -> memref<8x4096xf32, #tpu.memory_space<hbm>>
    tpu.wait_dma2 semaphore(%arg10 : memref<!tpu.dma_semaphore, #tpu.memory_space<semaphore_mem>>) src(%arg5 : memref<8x4096xf32, #tpu.memory_space<vmem>>) dst(%dma_wait3A_734 : memref<8x4096xf32, #tpu.memory_space<hbm>>)
    %sub3A_735 = arith.constant 8 : i32
    %sub3A_736 = arith.subi %mul3A_2, %sub3A_735 : i32
    %add3A_737 = arith.constant 72 : i32
    %add3A_738 = arith.addi %sub3A_736, %add3A_737 : i32
    %add3A_739 = vector.broadcast %add3A_738 : i32 to vector<16xi32>
    %add3A_740 = arith.addi %add3A_739, %iota3A : vector<16xi32>
    %ge3A_741 = arith.constant 0 : i32
    %ge3A_742 = vector.broadcast %ge3A_741 : i32 to vector<16xi32>
    %ge3A_743 = arith.cmpi sge, %add3A_740, %ge3A_742 : vector<16xi32>
    %and3A_744 = arith.andi %and3A, %ge3A_743 : vector<16xi1>
    %sub3A_745 = arith.constant 7 : i32
    %sub3A_746 = vector.broadcast %sub3A_745 : i32 to vector<16xi32>
    %sub3A_747 = arith.subi %iota3A, %sub3A_746 : vector<16xi32>
    %jit3A_748 = arith.constant 0 : i32
    %broadcast_in_dim3A_749 = vector.broadcast %jit3A_748 : i32 to vector<16xi32>
    %select_n3A_750 = arith.select %and3A_744, %sub3A_747, %broadcast_in_dim3A_749 : vector<16xi1>, vector<16xi32>
    %jit3A_751 = arith.constant 0 : i32
    %broadcast_in_dim3A_752 = vector.broadcast %jit3A_751 : i32 to vector<16xi32>
    %select_n3A_753 = arith.select %and3A_744, %add3A_740, %broadcast_in_dim3A_752 : vector<16xi1>, vector<16xi32>
    tpu.vector_store_idx %arg5[%select_n3A_750, %select_n3A_753], %broadcast_in_dim3A_16 masked %and3A_744 : memref<8x4096xf32, #tpu.memory_space<vmem>>[vector<16xi32>, vector<16xi32>], vector<16xf32>, vector<16xi1>
    %sub3A_754 = arith.constant 8 : i32
    %sub3A_755 = arith.subi %mul3A_2, %sub3A_754 : i32
    %add3A_756 = arith.constant 96 : i32
    %add3A_757 = arith.addi %sub3A_755, %add3A_756 : i32
    %add3A_758 = vector.broadcast %add3A_757 : i32 to vector<16xi32>
    %add3A_759 = arith.addi %add3A_758, %iota3A : vector<16xi32>
    %ge3A_760 = arith.constant 0 : i32
    %ge3A_761 = vector.broadcast %ge3A_760 : i32 to vector<16xi32>
    %ge3A_762 = arith.cmpi sge, %add3A_759, %ge3A_761 : vector<16xi32>
    %and3A_763 = arith.andi %and3A, %ge3A_762 : vector<16xi1>
    %sub3A_764 = arith.constant 7 : i32
    %sub3A_765 = vector.broadcast %sub3A_764 : i32 to vector<16xi32>
    %sub3A_766 = arith.subi %iota3A, %sub3A_765 : vector<16xi32>
    %jit3A_767 = arith.constant 0 : i32
    %broadcast_in_dim3A_768 = vector.broadcast %jit3A_767 : i32 to vector<16xi32>
    %select_n3A_769 = arith.select %and3A_763, %sub3A_766, %broadcast_in_dim3A_768 : vector<16xi1>, vector<16xi32>
    %jit3A_770 = arith.constant 0 : i32
    %broadcast_in_dim3A_771 = vector.broadcast %jit3A_770 : i32 to vector<16xi32>
    %select_n3A_772 = arith.select %and3A_763, %add3A_759, %broadcast_in_dim3A_771 : vector<16xi1>, vector<16xi32>
    %get3A_773 = arith.constant 96 : index
    %get3A_774 = tpu.vector_load %arg8[%get3A_773] {strides = array<i32>} : memref<144xf32, #tpu.memory_space<vmem>>, vector<16xf32>,
    tpu.vector_store_idx %arg5[%select_n3A_769, %select_n3A_772], %get3A_774 masked %and3A_763 : memref<8x4096xf32, #tpu.memory_space<vmem>>[vector<16xi32>, vector<16xi32>], vector<16xf32>, vector<16xi1>
    %add3A_775 = arith.constant 96 : i32
    %add3A_776 = arith.addi %mul3A_2, %add3A_775 : i32
    %dma_start3A_777 = arith.constant 0 : i32
    %dma_start3A_778 = tpu.memref_slice %arg4[%add3A_776, %dma_start3A_777] : memref<4097x4096xf32, #tpu.memory_space<hbm>> -> memref<8x4096xf32, #tpu.memory_space<hbm>>
    %dma_start3A_779 = arith.constant 0 : i32
    %dma_start3A_780 = tpu.memref_slice %arg4[%add3A_776, %dma_start3A_779] : memref<4097x4096xf32, #tpu.memory_space<hbm>> -> memref<8x4096xf32, #tpu.memory_space<hbm>>
    tpu.enqueue_dma source(%arg5 : memref<8x4096xf32, #tpu.memory_space<vmem>>) target(%dma_start3A_780 : memref<8x4096xf32, #tpu.memory_space<hbm>>) target_semaphore(%arg10 : memref<!tpu.dma_semaphore, #tpu.memory_space<semaphore_mem>>)
    %dma_wait3A_781 = arith.constant 0 : i32
    %dma_wait3A_782 = tpu.memref_slice %arg4[%add3A_676, %dma_wait3A_781] : memref<4097x4096xf32, #tpu.memory_space<hbm>> -> memref<8x4096xf32, #tpu.memory_space<hbm>>
    %dma_wait3A_783 = arith.constant 0 : i32
    %dma_wait3A_784 = tpu.memref_slice %arg4[%add3A_676, %dma_wait3A_783] : memref<4097x4096xf32, #tpu.memory_space<hbm>> -> memref<8x4096xf32, #tpu.memory_space<hbm>>
    tpu.wait_dma2 semaphore(%arg11 : memref<!tpu.dma_semaphore, #tpu.memory_space<semaphore_mem>>) src(%arg6 : memref<8x4096xf32, #tpu.memory_space<vmem>>) dst(%dma_wait3A_784 : memref<8x4096xf32, #tpu.memory_space<hbm>>)
    %sub3A_785 = arith.constant 8 : i32
    %sub3A_786 = arith.subi %mul3A_2, %sub3A_785 : i32
    %add3A_787 = arith.constant 80 : i32
    %add3A_788 = arith.addi %sub3A_786, %add3A_787 : i32
    %add3A_789 = vector.broadcast %add3A_788 : i32 to vector<16xi32>
    %add3A_790 = arith.addi %add3A_789, %iota3A : vector<16xi32>
    %ge3A_791 = arith.constant 0 : i32
    %ge3A_792 = vector.broadcast %ge3A_791 : i32 to vector<16xi32>
    %ge3A_793 = arith.cmpi sge, %add3A_790, %ge3A_792 : vector<16xi32>
    %and3A_794 = arith.andi %and3A, %ge3A_793 : vector<16xi1>
    %sub3A_795 = arith.constant 7 : i32
    %sub3A_796 = vector.broadcast %sub3A_795 : i32 to vector<16xi32>
    %sub3A_797 = arith.subi %iota3A, %sub3A_796 : vector<16xi32>
    %jit3A_798 = arith.constant 0 : i32
    %broadcast_in_dim3A_799 = vector.broadcast %jit3A_798 : i32 to vector<16xi32>
    %select_n3A_800 = arith.select %and3A_794, %sub3A_797, %broadcast_in_dim3A_799 : vector<16xi1>, vector<16xi32>
    %jit3A_801 = arith.constant 0 : i32
    %broadcast_in_dim3A_802 = vector.broadcast %jit3A_801 : i32 to vector<16xi32>
    %select_n3A_803 = arith.select %and3A_794, %add3A_790, %broadcast_in_dim3A_802 : vector<16xi1>, vector<16xi32>
    tpu.vector_store_idx %arg6[%select_n3A_800, %select_n3A_803], %broadcast_in_dim3A_16 masked %and3A_794 : memref<8x4096xf32, #tpu.memory_space<vmem>>[vector<16xi32>, vector<16xi32>], vector<16xf32>, vector<16xi1>
    %sub3A_804 = arith.constant 8 : i32
    %sub3A_805 = arith.subi %mul3A_2, %sub3A_804 : i32
    %add3A_806 = arith.constant 104 : i32
    %add3A_807 = arith.addi %sub3A_805, %add3A_806 : i32
    %add3A_808 = vector.broadcast %add3A_807 : i32 to vector<16xi32>
    %add3A_809 = arith.addi %add3A_808, %iota3A : vector<16xi32>
    %ge3A_810 = arith.constant 0 : i32
    %ge3A_811 = vector.broadcast %ge3A_810 : i32 to vector<16xi32>
    %ge3A_812 = arith.cmpi sge, %add3A_809, %ge3A_811 : vector<16xi32>
    %and3A_813 = arith.andi %and3A, %ge3A_812 : vector<16xi1>
    %sub3A_814 = arith.constant 7 : i32
    %sub3A_815 = vector.broadcast %sub3A_814 : i32 to vector<16xi32>
    %sub3A_816 = arith.subi %iota3A, %sub3A_815 : vector<16xi32>
    %jit3A_817 = arith.constant 0 : i32
    %broadcast_in_dim3A_818 = vector.broadcast %jit3A_817 : i32 to vector<16xi32>
    %select_n3A_819 = arith.select %and3A_813, %sub3A_816, %broadcast_in_dim3A_818 : vector<16xi1>, vector<16xi32>
    %jit3A_820 = arith.constant 0 : i32
    %broadcast_in_dim3A_821 = vector.broadcast %jit3A_820 : i32 to vector<16xi32>
    %select_n3A_822 = arith.select %and3A_813, %add3A_809, %broadcast_in_dim3A_821 : vector<16xi1>, vector<16xi32>
    %get3A_823 = arith.constant 104 : index
    %get3A_824 = tpu.vector_load %arg8[%get3A_823] {strides = array<i32>} : memref<144xf32, #tpu.memory_space<vmem>>, vector<16xf32>,
    tpu.vector_store_idx %arg6[%select_n3A_819, %select_n3A_822], %get3A_824 masked %and3A_813 : memref<8x4096xf32, #tpu.memory_space<vmem>>[vector<16xi32>, vector<16xi32>], vector<16xf32>, vector<16xi1>
    %add3A_825 = arith.constant 104 : i32
    %add3A_826 = arith.addi %mul3A_2, %add3A_825 : i32
    %dma_start3A_827 = arith.constant 0 : i32
    %dma_start3A_828 = tpu.memref_slice %arg4[%add3A_826, %dma_start3A_827] : memref<4097x4096xf32, #tpu.memory_space<hbm>> -> memref<8x4096xf32, #tpu.memory_space<hbm>>
    %dma_start3A_829 = arith.constant 0 : i32
    %dma_start3A_830 = tpu.memref_slice %arg4[%add3A_826, %dma_start3A_829] : memref<4097x4096xf32, #tpu.memory_space<hbm>> -> memref<8x4096xf32, #tpu.memory_space<hbm>>
    tpu.enqueue_dma source(%arg6 : memref<8x4096xf32, #tpu.memory_space<vmem>>) target(%dma_start3A_830 : memref<8x4096xf32, #tpu.memory_space<hbm>>) target_semaphore(%arg11 : memref<!tpu.dma_semaphore, #tpu.memory_space<semaphore_mem>>)
    %dma_wait3A_831 = arith.constant 0 : i32
    %dma_wait3A_832 = tpu.memref_slice %arg4[%add3A_726, %dma_wait3A_831] : memref<4097x4096xf32, #tpu.memory_space<hbm>> -> memref<8x4096xf32, #tpu.memory_space<hbm>>
    %dma_wait3A_833 = arith.constant 0 : i32
    %dma_wait3A_834 = tpu.memref_slice %arg4[%add3A_726, %dma_wait3A_833] : memref<4097x4096xf32, #tpu.memory_space<hbm>> -> memref<8x4096xf32, #tpu.memory_space<hbm>>
    tpu.wait_dma2 semaphore(%arg12 : memref<!tpu.dma_semaphore, #tpu.memory_space<semaphore_mem>>) src(%arg7 : memref<8x4096xf32, #tpu.memory_space<vmem>>) dst(%dma_wait3A_834 : memref<8x4096xf32, #tpu.memory_space<hbm>>)
    %sub3A_835 = arith.constant 8 : i32
    %sub3A_836 = arith.subi %mul3A_2, %sub3A_835 : i32
    %add3A_837 = arith.constant 88 : i32
    %add3A_838 = arith.addi %sub3A_836, %add3A_837 : i32
    %add3A_839 = vector.broadcast %add3A_838 : i32 to vector<16xi32>
    %add3A_840 = arith.addi %add3A_839, %iota3A : vector<16xi32>
    %ge3A_841 = arith.constant 0 : i32
    %ge3A_842 = vector.broadcast %ge3A_841 : i32 to vector<16xi32>
    %ge3A_843 = arith.cmpi sge, %add3A_840, %ge3A_842 : vector<16xi32>
    %and3A_844 = arith.andi %and3A, %ge3A_843 : vector<16xi1>
    %sub3A_845 = arith.constant 7 : i32
    %sub3A_846 = vector.broadcast %sub3A_845 : i32 to vector<16xi32>
    %sub3A_847 = arith.subi %iota3A, %sub3A_846 : vector<16xi32>
    %jit3A_848 = arith.constant 0 : i32
    %broadcast_in_dim3A_849 = vector.broadcast %jit3A_848 : i32 to vector<16xi32>
    %select_n3A_850 = arith.select %and3A_844, %sub3A_847, %broadcast_in_dim3A_849 : vector<16xi1>, vector<16xi32>
    %jit3A_851 = arith.constant 0 : i32
    %broadcast_in_dim3A_852 = vector.broadcast %jit3A_851 : i32 to vector<16xi32>
    %select_n3A_853 = arith.select %and3A_844, %add3A_840, %broadcast_in_dim3A_852 : vector<16xi1>, vector<16xi32>
    tpu.vector_store_idx %arg7[%select_n3A_850, %select_n3A_853], %broadcast_in_dim3A_16 masked %and3A_844 : memref<8x4096xf32, #tpu.memory_space<vmem>>[vector<16xi32>, vector<16xi32>], vector<16xf32>, vector<16xi1>
    %sub3A_854 = arith.constant 8 : i32
    %sub3A_855 = arith.subi %mul3A_2, %sub3A_854 : i32
    %add3A_856 = arith.constant 112 : i32
    %add3A_857 = arith.addi %sub3A_855, %add3A_856 : i32
    %add3A_858 = vector.broadcast %add3A_857 : i32 to vector<16xi32>
    %add3A_859 = arith.addi %add3A_858, %iota3A : vector<16xi32>
    %ge3A_860 = arith.constant 0 : i32
    %ge3A_861 = vector.broadcast %ge3A_860 : i32 to vector<16xi32>
    %ge3A_862 = arith.cmpi sge, %add3A_859, %ge3A_861 : vector<16xi32>
    %and3A_863 = arith.andi %and3A, %ge3A_862 : vector<16xi1>
    %sub3A_864 = arith.constant 7 : i32
    %sub3A_865 = vector.broadcast %sub3A_864 : i32 to vector<16xi32>
    %sub3A_866 = arith.subi %iota3A, %sub3A_865 : vector<16xi32>
    %jit3A_867 = arith.constant 0 : i32
    %broadcast_in_dim3A_868 = vector.broadcast %jit3A_867 : i32 to vector<16xi32>
    %select_n3A_869 = arith.select %and3A_863, %sub3A_866, %broadcast_in_dim3A_868 : vector<16xi1>, vector<16xi32>
    %jit3A_870 = arith.constant 0 : i32
    %broadcast_in_dim3A_871 = vector.broadcast %jit3A_870 : i32 to vector<16xi32>
    %select_n3A_872 = arith.select %and3A_863, %add3A_859, %broadcast_in_dim3A_871 : vector<16xi1>, vector<16xi32>
    %get3A_873 = arith.constant 112 : index
    %get3A_874 = tpu.vector_load %arg8[%get3A_873] {strides = array<i32>} : memref<144xf32, #tpu.memory_space<vmem>>, vector<16xf32>,
    tpu.vector_store_idx %arg7[%select_n3A_869, %select_n3A_872], %get3A_874 masked %and3A_863 : memref<8x4096xf32, #tpu.memory_space<vmem>>[vector<16xi32>, vector<16xi32>], vector<16xf32>, vector<16xi1>
    %add3A_875 = arith.constant 112 : i32
    %add3A_876 = arith.addi %mul3A_2, %add3A_875 : i32
    %dma_start3A_877 = arith.constant 0 : i32
    %dma_start3A_878 = tpu.memref_slice %arg4[%add3A_876, %dma_start3A_877] : memref<4097x4096xf32, #tpu.memory_space<hbm>> -> memref<8x4096xf32, #tpu.memory_space<hbm>>
    %dma_start3A_879 = arith.constant 0 : i32
    %dma_start3A_880 = tpu.memref_slice %arg4[%add3A_876, %dma_start3A_879] : memref<4097x4096xf32, #tpu.memory_space<hbm>> -> memref<8x4096xf32, #tpu.memory_space<hbm>>
    tpu.enqueue_dma source(%arg7 : memref<8x4096xf32, #tpu.memory_space<vmem>>) target(%dma_start3A_880 : memref<8x4096xf32, #tpu.memory_space<hbm>>) target_semaphore(%arg12 : memref<!tpu.dma_semaphore, #tpu.memory_space<semaphore_mem>>)
    %dma_wait3A_881 = arith.constant 0 : i32
    %dma_wait3A_882 = tpu.memref_slice %arg4[%add3A_776, %dma_wait3A_881] : memref<4097x4096xf32, #tpu.memory_space<hbm>> -> memref<8x4096xf32, #tpu.memory_space<hbm>>
    %dma_wait3A_883 = arith.constant 0 : i32
    %dma_wait3A_884 = tpu.memref_slice %arg4[%add3A_776, %dma_wait3A_883] : memref<4097x4096xf32, #tpu.memory_space<hbm>> -> memref<8x4096xf32, #tpu.memory_space<hbm>>
    tpu.wait_dma2 semaphore(%arg10 : memref<!tpu.dma_semaphore, #tpu.memory_space<semaphore_mem>>) src(%arg5 : memref<8x4096xf32, #tpu.memory_space<vmem>>) dst(%dma_wait3A_884 : memref<8x4096xf32, #tpu.memory_space<hbm>>)
    %sub3A_885 = arith.constant 8 : i32
    %sub3A_886 = arith.subi %mul3A_2, %sub3A_885 : i32
    %add3A_887 = arith.constant 96 : i32
    %add3A_888 = arith.addi %sub3A_886, %add3A_887 : i32
    %add3A_889 = vector.broadcast %add3A_888 : i32 to vector<16xi32>
    %add3A_890 = arith.addi %add3A_889, %iota3A : vector<16xi32>
    %ge3A_891 = arith.constant 0 : i32
    %ge3A_892 = vector.broadcast %ge3A_891 : i32 to vector<16xi32>
    %ge3A_893 = arith.cmpi sge, %add3A_890, %ge3A_892 : vector<16xi32>
    %and3A_894 = arith.andi %and3A, %ge3A_893 : vector<16xi1>
    %sub3A_895 = arith.constant 7 : i32
    %sub3A_896 = vector.broadcast %sub3A_895 : i32 to vector<16xi32>
    %sub3A_897 = arith.subi %iota3A, %sub3A_896 : vector<16xi32>
    %jit3A_898 = arith.constant 0 : i32
    %broadcast_in_dim3A_899 = vector.broadcast %jit3A_898 : i32 to vector<16xi32>
    %select_n3A_900 = arith.select %and3A_894, %sub3A_897, %broadcast_in_dim3A_899 : vector<16xi1>, vector<16xi32>
    %jit3A_901 = arith.constant 0 : i32
    %broadcast_in_dim3A_902 = vector.broadcast %jit3A_901 : i32 to vector<16xi32>
    %select_n3A_903 = arith.select %and3A_894, %add3A_890, %broadcast_in_dim3A_902 : vector<16xi1>, vector<16xi32>
    tpu.vector_store_idx %arg5[%select_n3A_900, %select_n3A_903], %broadcast_in_dim3A_16 masked %and3A_894 : memref<8x4096xf32, #tpu.memory_space<vmem>>[vector<16xi32>, vector<16xi32>], vector<16xf32>, vector<16xi1>
    %sub3A_904 = arith.constant 8 : i32
    %sub3A_905 = arith.subi %mul3A_2, %sub3A_904 : i32
    %add3A_906 = arith.constant 120 : i32
    %add3A_907 = arith.addi %sub3A_905, %add3A_906 : i32
    %add3A_908 = vector.broadcast %add3A_907 : i32 to vector<16xi32>
    %add3A_909 = arith.addi %add3A_908, %iota3A : vector<16xi32>
    %ge3A_910 = arith.constant 0 : i32
    %ge3A_911 = vector.broadcast %ge3A_910 : i32 to vector<16xi32>
    %ge3A_912 = arith.cmpi sge, %add3A_909, %ge3A_911 : vector<16xi32>
    %and3A_913 = arith.andi %and3A, %ge3A_912 : vector<16xi1>
    %sub3A_914 = arith.constant 7 : i32
    %sub3A_915 = vector.broadcast %sub3A_914 : i32 to vector<16xi32>
    %sub3A_916 = arith.subi %iota3A, %sub3A_915 : vector<16xi32>
    %jit3A_917 = arith.constant 0 : i32
    %broadcast_in_dim3A_918 = vector.broadcast %jit3A_917 : i32 to vector<16xi32>
    %select_n3A_919 = arith.select %and3A_913, %sub3A_916, %broadcast_in_dim3A_918 : vector<16xi1>, vector<16xi32>
    %jit3A_920 = arith.constant 0 : i32
    %broadcast_in_dim3A_921 = vector.broadcast %jit3A_920 : i32 to vector<16xi32>
    %select_n3A_922 = arith.select %and3A_913, %add3A_909, %broadcast_in_dim3A_921 : vector<16xi1>, vector<16xi32>
    %get3A_923 = arith.constant 120 : index
    %get3A_924 = tpu.vector_load %arg8[%get3A_923] {strides = array<i32>} : memref<144xf32, #tpu.memory_space<vmem>>, vector<16xf32>,
    tpu.vector_store_idx %arg5[%select_n3A_919, %select_n3A_922], %get3A_924 masked %and3A_913 : memref<8x4096xf32, #tpu.memory_space<vmem>>[vector<16xi32>, vector<16xi32>], vector<16xf32>, vector<16xi1>
    %add3A_925 = arith.constant 120 : i32
    %add3A_926 = arith.addi %mul3A_2, %add3A_925 : i32
    %dma_start3A_927 = arith.constant 0 : i32
    %dma_start3A_928 = tpu.memref_slice %arg4[%add3A_926, %dma_start3A_927] : memref<4097x4096xf32, #tpu.memory_space<hbm>> -> memref<8x4096xf32, #tpu.memory_space<hbm>>
    %dma_start3A_929 = arith.constant 0 : i32
    %dma_start3A_930 = tpu.memref_slice %arg4[%add3A_926, %dma_start3A_929] : memref<4097x4096xf32, #tpu.memory_space<hbm>> -> memref<8x4096xf32, #tpu.memory_space<hbm>>
    tpu.enqueue_dma source(%arg5 : memref<8x4096xf32, #tpu.memory_space<vmem>>) target(%dma_start3A_930 : memref<8x4096xf32, #tpu.memory_space<hbm>>) target_semaphore(%arg10 : memref<!tpu.dma_semaphore, #tpu.memory_space<semaphore_mem>>)
    %dma_wait3A_931 = arith.constant 0 : i32
    %dma_wait3A_932 = tpu.memref_slice %arg4[%add3A_926, %dma_wait3A_931] : memref<4097x4096xf32, #tpu.memory_space<hbm>> -> memref<8x4096xf32, #tpu.memory_space<hbm>>
    %dma_wait3A_933 = arith.constant 0 : i32
    %dma_wait3A_934 = tpu.memref_slice %arg4[%add3A_926, %dma_wait3A_933] : memref<4097x4096xf32, #tpu.memory_space<hbm>> -> memref<8x4096xf32, #tpu.memory_space<hbm>>
    tpu.wait_dma2 semaphore(%arg10 : memref<!tpu.dma_semaphore, #tpu.memory_space<semaphore_mem>>) src(%arg5 : memref<8x4096xf32, #tpu.memory_space<vmem>>) dst(%dma_wait3A_934 : memref<8x4096xf32, #tpu.memory_space<hbm>>)
    %dma_wait3A_935 = arith.constant 0 : i32
    %dma_wait3A_936 = tpu.memref_slice %arg4[%add3A_826, %dma_wait3A_935] : memref<4097x4096xf32, #tpu.memory_space<hbm>> -> memref<8x4096xf32, #tpu.memory_space<hbm>>
    %dma_wait3A_937 = arith.constant 0 : i32
    %dma_wait3A_938 = tpu.memref_slice %arg4[%add3A_826, %dma_wait3A_937] : memref<4097x4096xf32, #tpu.memory_space<hbm>> -> memref<8x4096xf32, #tpu.memory_space<hbm>>
    tpu.wait_dma2 semaphore(%arg11 : memref<!tpu.dma_semaphore, #tpu.memory_space<semaphore_mem>>) src(%arg6 : memref<8x4096xf32, #tpu.memory_space<vmem>>) dst(%dma_wait3A_938 : memref<8x4096xf32, #tpu.memory_space<hbm>>)
    %dma_wait3A_939 = arith.constant 0 : i32
    %dma_wait3A_940 = tpu.memref_slice %arg4[%add3A_876, %dma_wait3A_939] : memref<4097x4096xf32, #tpu.memory_space<hbm>> -> memref<8x4096xf32, #tpu.memory_space<hbm>>
    %dma_wait3A_941 = arith.constant 0 : i32
    %dma_wait3A_942 = tpu.memref_slice %arg4[%add3A_876, %dma_wait3A_941] : memref<4097x4096xf32, #tpu.memory_space<hbm>> -> memref<8x4096xf32, #tpu.memory_space<hbm>>
    tpu.wait_dma2 semaphore(%arg12 : memref<!tpu.dma_semaphore, #tpu.memory_space<semaphore_mem>>) src(%arg7 : memref<8x4096xf32, #tpu.memory_space<vmem>>) dst(%dma_wait3A_942 : memref<8x4096xf32, #tpu.memory_space<hbm>>)
    %eq3A_943 = arith.constant 0 : i32
    %eq3A_944 = arith.cmpi eq, %add3A, %eq3A_943 : i32
    %convert_element_type3A_945 = arith.extui %eq3A_944 : i1 to i32
    %cond3A_946 = arith.constant 0 : i32
    %cond3A_947 = arith.cmpi ne, %convert_element_type3A_945, %cond3A_946 : i32
    scf.if %cond3A_947 {
      %dma_wait3A_953 = arith.constant 0 : i32
      %dma_wait3A_954 = arith.constant 0 : i32
      %dma_wait3A_955 = tpu.memref_slice %arg4[%dma_wait3A_953, %dma_wait3A_954] : memref<4097x4096xf32, #tpu.memory_space<hbm>> -> memref<1x4096xf32, #tpu.memory_space<hbm>>
      %dma_wait3A_956 = arith.constant 0 : i32
      %dma_wait3A_957 = arith.constant 0 : i32
      %dma_wait3A_958 = tpu.memref_slice %arg4[%dma_wait3A_956, %dma_wait3A_957] : memref<4097x4096xf32, #tpu.memory_space<hbm>> -> memref<1x4096xf32, #tpu.memory_space<hbm>>
      tpu.wait_dma2 semaphore(%arg14 : memref<!tpu.dma_semaphore, #tpu.memory_space<semaphore_mem>>) src(%arg9 : memref<1x4096xf32, #tpu.memory_space<vmem>>) dst(%dma_wait3A_958 : memref<1x4096xf32, #tpu.memory_space<hbm>>)
    } else {
    }
    %eq3A_948 = arith.constant 31 : i32
    %eq3A_949 = arith.cmpi eq, %add3A, %eq3A_948 : i32
    %convert_element_type3A_950 = arith.extui %eq3A_949 : i1 to i32
    %cond3A_951 = arith.constant 0 : i32
    %cond3A_952 = arith.cmpi ne, %convert_element_type3A_950, %cond3A_951 : i32
    scf.if %cond3A_952 {
      %dma_wait3A_953 = arith.constant 4096 : i32
      %dma_wait3A_954 = arith.constant 0 : i32
      %dma_wait3A_955 = tpu.memref_slice %arg4[%dma_wait3A_953, %dma_wait3A_954] : memref<4097x4096xf32, #tpu.memory_space<hbm>> -> memref<1x4096xf32, #tpu.memory_space<hbm>>
      %dma_wait3A_956 = arith.constant 4096 : i32
      %dma_wait3A_957 = arith.constant 0 : i32
      %dma_wait3A_958 = tpu.memref_slice %arg4[%dma_wait3A_956, %dma_wait3A_957] : memref<4097x4096xf32, #tpu.memory_space<hbm>> -> memref<1x4096xf32, #tpu.memory_space<hbm>>
      tpu.wait_dma2 semaphore(%arg14 : memref<!tpu.dma_semaphore, #tpu.memory_space<semaphore_mem>>) src(%arg9 : memref<1x4096xf32, #tpu.memory_space<vmem>>) dst(%dma_wait3A_958 : memref<1x4096xf32, #tpu.memory_space<hbm>>)
    } else {
    }
    return
  }
}

</mosaic_0001>

<sc_bundles>
// kernel: kernel.3.cloned.1.call-start
scs
__scs_entry_jumppad:
0x0: {  	(pc) =	sbr.rel $0x88, $3  }
0x1: {  	(tag) =	ssettag $0x0;
	lr =	simm.s32 $0x1  }
0x2: {  	[smem:$0x3F9F] =	sst lr;
	_ =	strace $0xD0000000  }
0x3: {  	_ = 	snop  }
0x4: {  	_ = 	snop  }
0x5: {  	_ = 	snop  }
0x6: {  	_ = 	snop  }
0x7: {  	_ = 	snop  }
__scs_overlays_trampoline_lowered:
0x8: {  	[smem:$0x3FAE] =	sst s0  }
0x9: {  	[smem:$0x3FAF] =	sst s1  }
0xa: {  	[smem:$0x3FB0] =	sst s2  }
0xb: {  	[smem:$0x3FB1] =	sst s3  }
0xc: {  	[smem:$0x3FB2] =	sst s4  }
0xd: {  	[smem:$0x3FB3] =	sst s5  }
0xe: {  	[smem:$0x3FB4] =	sst s6  }
0xf: {  	[smem:$0x3FB5] =	sst s7  }
0x10: {  	[smem:$0x3FB6] =	sst s8  }
0x11: {  	[smem:$0x3FB7] =	sst s9;
	s0 =	simm.s32 @!p0 $0x0  }
0x12: {  	s1 =	sld [smem:$0x3F9D];
	s0 =	simm.s32 @p0 $0x1  }
0x13: {  	[smem:$0x3FB8] =	sst s0;
	s0 =	simm.s32 @!p1 $0x0  }
0x14: {  	s2 =	sld [smem:$0x3F9C];
	s0 =	simm.s32 @p1 $0x1  }
0x15: {  	[smem:$0x3FB9] =	sst s0;
	s0 =	simm.s32 @!p2 $0x0  }
0x16: {  	s3 =	sld [smem:$0x3FDB];
	s0 =	simm.s32 @p2 $0x1  }
0x17: {  	s4 =	simm.s32 $0x1BF5;
	[smem:$0x3FBB] =	sst s0  }
0x18: {  	s0 =	sld [smem:$0x3F9E];
	_ =	swait.ge [sflag:s4], $0x0  }
0x19: {  	s7 =	sld [smem:$0x3F9F]  }
0x1a: {  	s8 =	sadd.s32 $0xFFFFE003, lr  }
0x1b: {  	s9 =	sadd.s32 $0xFFFFFEF7, lr;
	s5 =	simm.s32 $0xFFFFFFFF;
	p2 =	slt.u32 s8, $0xFFFFF086  }
0x1c: {  	p1 =	slt.u32 s9, $0xF7A;
	s5 =	simm.s32 @!p2 $0x0  }
0x1d: {  	s5 =	simm.s32 @p1 $0x1;
	p0 =	seq.s32 s7, s2  }
0x1e: {  	s7 =	smul.u32 @!p0 $0xF7A, s2;
	p2 =	seq.s32 @!p0 s5, $0x0  }
0x1f: {  	s9 =	smul.u32 $0xF7A, s1;
	s8 =	simm.s32 @!p0 $0x1BF5;
	p2 =	por !p2, p0  }
0x20: {  	[sflag:s8] =	ssyncset.s32 @!p0 $0xFFFFF086;
	s6 =	sadd.s32 @!p0 s3, s7;
	s7 =	simm.s32 @!p0 $0x108  }
0x21: {  	s3 =	sadd.s32 s3, s9;
	s6 =	sadd.s32 @!p0 $0x88, s6;
	s7 =	simm.s32 @p2 $0x1082  }
0x22: {  	[simem:s7], [sflag:s8] =	dma.local @!p0 [hbm:s6], $0xF7A  }
0x23: {  	s9 =	sor.u32 $0xD0000000, s2;
	s6 =	simm.s32 $0x108;
	_ =	swait.ge @!p0 [sflag:s8], $0x0  }
0x24: {  	s3 =	sadd.s32 $0x88, s3;
	s6 =	simm.s32 @!p1 $0x1082;
	[sflag:s4] =	ssyncset.s32 $0xFFFFF086  }
0x25: {  	[simem:s6], [sflag:s4] =	dma.local [hbm:s3], $0xF7A  }
0x26: {  	[smem:$0x3F9F] =	sst s1;
	(tag) =	ssettag s2;
	_ =	strace s9  }
0x27: {  	s1 =	sld [smem:$0x3FAF]  }
0x28: {  	s2 =	sld [smem:$0x3FB0]  }
0x29: {  	s4 =	sld [smem:$0x3FB2]  }
0x2a: {  	p0 =	seq.s32 s5, $0x0;
	s5 =	sld [smem:$0x3FB3]  }
0x2b: {  	s6 =	sld [smem:$0x3FB4]  }
0x2c: {  	s7 =	sld [smem:$0x3FB5]  }
0x2d: {  	s3 =	simm.s32 $0x108;
	s8 =	sld [smem:$0x3FB6]  }
0x2e: {  	s3 =	simm.s32 @!p0 $0x1082;
	s9 =	sld [smem:$0x3FB7]  }
0x2f: {  	lr =	sadd.s32 s0, s3;
	s0 =	sld [smem:$0x3FAE]  }
0x30: {  	s3 =	sld [smem:$0x3FB1]  }
0x31: {  	[smem:$0x3FBA] =	sst s10  }
0x32: {  	s10 =	sld [smem:$0x3FB8];
	_ =	sdelay $0x3  }
0x33: {  	p0 =	seq.s32 s10, $0x1;
	s10 =	sld [smem:$0x3FBA];
	_ =	sdelay $0x3  }
0x34: {  	[smem:$0x3FBA] =	sst s10  }
0x35: {  	s10 =	sld [smem:$0x3FB9];
	_ =	sdelay $0x3  }
0x36: {  	p1 =	seq.s32 s10, $0x1;
	s10 =	sld [smem:$0x3FBA];
	_ =	sdelay $0x3  }
0x37: {  	[smem:$0x3FBA] =	sst s10  }
0x38: {  	s10 =	sld [smem:$0x3FBB]  }
0x39: {  	_ = 	snop;
	(pc) =	sbr.ind lr, $3  }
0x3a: {  	_ = 	snop  }
0x3b: {  	_ = 	snop  }
0x3c: {  	p2 =	seq.s32 s10, $0x1;
	s10 =	sld [smem:$0x3FBA]  }
0x3d: {  	_ =	shalt  }
0x3e: {  	_ =	shalt  }
0x3f: {  	_ =	shalt  }
0x40: {  	_ =	shalt  }
0x41: {  	_ =	shalt  }
0x42: {  	_ =	shalt  }
0x43: {  	_ =	shalt  }
0x44: {  	_ =	shalt  }
0x45: {  	_ =	shalt  }
0x46: {  	_ =	shalt  }
0x47: {  	_ =	shalt  }
0x48: {  	_ =	shalt  }
0x49: {  	_ =	shalt  }
0x4a: {  	_ =	shalt  }
0x4b: {  	_ =	shalt  }
0x4c: {  	_ =	shalt  }
0x4d: {  	_ =	shalt  }
0x4e: {  	_ =	shalt  }
0x4f: {  	_ =	shalt  }
0x50: {  	_ =	shalt  }
0x51: {  	_ =	shalt  }
0x52: {  	_ =	shalt  }
0x53: {  	_ =	shalt  }
0x54: {  	_ =	shalt  }
0x55: {  	_ =	shalt  }
0x56: {  	_ =	shalt  }
0x57: {  	_ =	shalt  }
0x58: {  	_ =	shalt  }
0x59: {  	_ =	shalt  }
0x5a: {  	_ =	shalt  }
0x5b: {  	_ =	shalt  }
0x5c: {  	_ =	shalt  }
0x5d: {  	_ =	shalt  }
0x5e: {  	_ =	shalt  }
0x5f: {  	_ =	shalt  }
0x60: {  	_ =	shalt  }
0x61: {  	_ =	shalt  }
0x62: {  	_ =	shalt  }
0x63: {  	_ =	shalt  }
0x64: {  	_ =	shalt  }
0x65: {  	_ =	shalt  }
0x66: {  	_ =	shalt  }
0x67: {  	_ =	shalt  }
0x68: {  	_ =	shalt  }
0x69: {  	_ =	shalt  }
0x6a: {  	_ =	shalt  }
0x6b: {  	_ =	shalt  }
0x6c: {  	_ =	shalt  }
0x6d: {  	_ =	shalt  }
0x6e: {  	_ =	shalt  }
0x6f: {  	_ =	shalt  }
0x70: {  	_ =	shalt  }
0x71: {  	_ =	shalt  }
0x72: {  	_ =	shalt  }
0x73: {  	_ =	shalt  }
0x74: {  	_ =	shalt  }
0x75: {  	_ =	shalt  }
0x76: {  	_ =	shalt  }
0x77: {  	_ =	shalt  }
0x78: {  	_ =	shalt  }
0x79: {  	_ =	shalt  }
0x7a: {  	_ =	shalt  }
0x7b: {  	_ =	shalt  }
0x7c: {  	_ =	shalt  }
0x7d: {  	_ =	shalt  }
0x7e: {  	_ =	shalt  }
0x7f: {  	_ =	shalt  }
0x80: {  	_ =	shalt  }
0x81: {  	_ =	shalt  }
0x82: {  	_ =	shalt  }
0x83: {  	_ =	shalt  }
0x84: {  	_ =	shalt  }
0x85: {  	_ =	shalt  }
0x86: {  	_ =	shalt  }
0x87: {  	_ =	shalt  }
.Lfunc_end0:
.L_simem_size_0:
called_computation_lowered:
.L_overlay_start_0:
0x88: {  	s2 =	sld [smem:$0x3FD9]  }
0x89: {  	s3 =	sld [smem:$0x3FFE];
	_ =	sdelay $0x1  }
0x8a: {  	s1 =	srdreg.scid  }
0x8b: {  	s0 =	sand.u32 $0x1, s1  }
0x8c: {  	s18 =	sshll.u32 s0, $0xA;
	s2 =	sadd.s32 s3, s2  }
0x8d: {  	s2 =	sadd.s32 s2, s18  }
0x8e: {  	[smem:$0x3FC6] =	sst s2  }
0x8f: {  	_ = 	snop  }
0x90: {  	s2 =	sld [smem:$0x3FC9]  }
0x91: {  	s19 =	sld [smem:$0x3FC8]  }
0x92: {  	s4 =	sld [smem:$0x3FD0];
	(tm) =	ssettm $0x1  }
0x93: {  	s5 =	sld [smem:$0x3FFB];
	_ =	sdelay $0x3  }
0x94: {  	_ =	strace s5  }
0x95: {  	s5 =	sld [smem:$0x3FFC];
	_ =	sdelay $0x3  }
0x96: {  	_ =	strace s5  }
0x97: {  	s5 =	sld [smem:$0x3FFD];
	_ =	sdelay $0x3  }
0x98: {  	_ =	strace s5  }
0x99: {  	_ =	strace $0x8FFFFFFF  }
0x9a: {  	s20 =	sld [smem:$0x3FDB];
	_ =	sdelay $0x1  }
0x9b: {  	s6 =	simm.s32 $_scs_section_size  }
0x9c: {  	s7 =	simm.s32 $_size__tile_overlayer_lowered;
	s8 =	simm.s32 $_tile_overlayer_lowered  }
0x9d: {  	s23 =	simm.s32 $0x1BFF;
	s22 =	sshll.u32 s8, $0x1;
	s5 =	sadd.s32 s6, s20  }
0x9e: {  	s9 =	simm.s32 $0x0;
	s21 =	sshll.u32 s7, $0x1;
	s7 =	sadd.s32 s22, s5  }
0x9f: {  	[timem:s9], [sflag:s23] =	dma.local [hbm:s7], s21  }
0xa0: {  	_ =	swait.ge [sflag:s23], s21  }
0xa1: {  	s6 =	ssub.s32 $0x0, s21;
	[sflag:s23] =	ssyncset.done $0x0  }
0xa2: {  	[sflag:s23] =	ssyncadd.s32 s6;
	_ =	sdelay $0x1  }
0xa3: {  	s24 =	simm.s32 $0x1B8B  }
0xa4: {  	_ =	swait.ge [sflag:s24], $0x1  }
0xa5: {  	[sflag:s24] =	ssyncset.done $0x0  }
0xa6: {  	s25 =	simm.s32 $0x1B8E;
	[sflag:s24] =	ssyncadd.s32 $0xFFFFFFFF  }
0xa7: {  	s26 =	simm.s32 $execute0_lowered;
	[smem:$0x3FD2] =	sst s25  }
0xa8: {  	s6 =	sshll.u32 s26, $0x1;
	_ =	strace $0x80000046;
	[dreg:$0x1] =	wrdreg $0xFFFFFFFF  }
0xa9: {  	s28 =	simm.s32 $_size_execute0_lowered;
	s5 =	sadd.s32 s5, s6;
	[dreg:$0x0] =	wrdreg $0x0  }
0xaa: {  	s6 =	sshll.u32 s28, $0x1;
	[dreg:$0x2] =	wrdreg s5  }
0xab: {  	[dreg:$0x3] =	wrdreg s6  }
0xac: {  	[dreg:$0x4] =	wrdreg $0xC0  }
0xad: {  	_ =	task [dreg:s9], $0x5FFFF  }
0xae: {  	[dreg:$0x1] =	wrdreg $0xFFFFFFFF  }
0xaf: {  	[dreg:$0x0] =	wrdreg $0x60  }
0xb0: {  	[dreg:$0x2] =	wrdreg s2  }
0xb1: {  	[dreg:$0x3] =	wrdreg s19  }
0xb2: {  	[dreg:$0x4] =	wrdreg s4  }
0xb3: {  	[dreg:$0x5] =	wrdreg $0x9  }
0xb4: {  	_ =	task.clear_ibuf [dreg:s9], $0x6FFFF;
	_ =	strace $0x90000046  }
0xb5: {  	s29 =	simm.s32 $0x9;
	_ =	strace $0x80000048  }
0xb6: {  	_ =	swait.ge [sflag:s29], $0x1  }
0xb7: {  	[sflag:s29] =	ssyncadd.s32 $0xFFFFFFFF  }
0xb8: {  	_ =	strace $0x90000048  }
0xb9: {  	_ =	sfence  }
0xba: {  	s30 =	sld [smem:$0x0];
	_ =	sdelay $0x2  }
0xbb: {  	s31 =	sshll.u32 s1, $0xD;
	s1 =	sshrl.u32 s1, $0x2  }
0xbc: {  	s3 =	sand.u32 $0x4000, s31;
	s1 =	sadd.s32 s1, s30  }
0xbd: {  	s0 =	sor.u32 s3, s0;
	s1 =	sshll.u32 s1, $0x11  }
0xbe: {  	s0 =	sor.u32 s1, s0  }
0xbf: {  	s0 =	sadd.s32 $0x8F2B, s0  }
0xc0: {  	[sflag:s0] =	ssyncadd.remote.s32 $0x1  }
0xc1: {  	_ =	sfence.sel $0xFFFF  }
0xc2: {  	[dreg:$0x0] =	wrdreg $0xFFFFFFFF;
	(pc) =	sbr.abs _section_cstart, $3  }
0xc3: {  	[dreg:$0x1] =	wrdreg $0xFFFFFFFF  }
0xc4: {  	_ =	task.clear_ibuf [dreg:s9], $0x2FFFF;
	_ =	strace $0x9FFFFFFF  }
0xc5: {  	(tm) =	ssettm $0x7FFFFFFF  }
tec
execute0_lowered:
.L_overlay_start_1:
0x0: {  	(tag) =	ssettag $0x1  }
0x1: {  	s0 =	srdreg.scid;
	s1 =	stileid.u32  }
0x2: {  	vm0 =	vcmask $0x2320;
	v17 =	vimm.s32 $0x0;
	s2 =	sand.u32 $0x1, s0;
	s25 =	sshll.u32 s1, $0x1  }
0x3: {  	vm1 =	vcmask $0x2724;
	v1 =	vsel vm0, $0x80, v17;
	s0 =	sor.u32 s2, s25  }
0x4: {  	v12 =	vlaneseq.u32;
	vm2 =	vcmask $0x2B28;
	v1 =	vsel vm1, $0x100, v1;
	s1 =	sshll.u32 s0, $0x7  }
0x5: {  	vm0 =	vcmask $0x3B1C;
	v1 =	vsel vm2, $0x180, v1;
	vm2 =	vcmask $0x2F2C;
	s5 =	sadd.s32 $0xFFFFFFF8, s1  }
0x6: {  	v1 =	vsel vm2, $0x200, v1;
	vm2 =	vcmask $0x3330;
	s7 =	sor.u32 $0x8, s1;
	v0 =	vadd.s32 s5, v12  }
0x7: {  	v1 =	vsel vm2, $0x280, v1;
	vm2 =	vcmask $0x3734;
	v4 =	vadd.s32 s7, v12  }
0x8: {  	vm3 =	vgt.s32 v0, $0xFFFFFFFF;
	v1 =	vsel vm2, $0x300, v1;
	vm2 =	vcmask $0x3B38  }
0x9: {  	vm1 =	vmand vm3, vm0;
	v15 =	vsel vm2, $0x380, v1;
	v1 =	vor.u32 s1, v12  }
0xa: {  	vm2 =	vcmask $0x1B3C;
	v0 =	vnsel vm1, $0x0, v0;
	v3 =	vnsel vm3, $0x0, v15  }
0xb: {  	v1 =	vsel vm2, $0x0, v1;
	v4 =	vsel vm2, $0x0, v4;
	v2 =	vand.u32 $0x7F, v0  }
0xc: {  	v0 =	vshll.u32 v0, $0x3;
	v2 =	vor.u32 v3, v2;
	v3 =	vshll.u32 v1, $0x3  }
0xd: {  	v0 =	vand.u32 $0xFFFFFC00, v0;
	v1 =	vand.u32 $0xF, v1;
	v3 =	vand.u32 $0xFFFFFC00, v3  }
0xe: {  	s8 =	sor.u32 $0x10, s1;
	v0 =	vor.u32 v0, v2;
	v2 =	vshll.u32 v4, $0x3;
	v1 =	vor.u32 v3, v1  }
0xf: {  	s11 =	sor.u32 $0x18, s1;
	v3 =	vand.u32 $0x1F, v4;
	v2 =	vand.u32 $0xFFFFFC00, v2;
	v4 =	vor.u32 s8, v12  }
0x10: {  	s12 =	sor.u32 $0x20, s1;
	s13 =	sor.u32 $0x28, s1;
	v5 =	vadd.s32 s11, v12;
	v2 =	vor.u32 v2, v3;
	v3 =	vsel vm2, $0x0, v4  }
0x11: {  	v6 =	vor.u32 s12, v12;
	v7 =	vadd.s32 s13, v12;
	v4 =	vshll.u32 v3, $0x3  }
0x12: {  	s10 =	sor.u32 $0x30, s1;
	v5 =	vsel vm2, $0x0, v5;
	v3 =	vand.u32 $0x1F, v3;
	v4 =	vand.u32 $0xFFFFFC00, v4  }
0x13: {  	v8 =	vor.u32 s10, v12;
	v3 =	vor.u32 v4, v3;
	v4 =	vshll.u32 v5, $0x3  }
0x14: {  	s14 =	sor.u32 $0x38, s1;
	v6 =	vsel vm2, $0x0, v6;
	v5 =	vand.u32 $0x3F, v5;
	v4 =	vand.u32 $0xFFFFFC00, v4  }
0x15: {  	s15 =	sor.u32 $0x40, s1;
	v9 =	vadd.s32 s14, v12;
	v4 =	vor.u32 v4, v5;
	v5 =	vshll.u32 v6, $0x3  }
0x16: {  	s18 =	sor.u32 $0x48, s1;
	v10 =	vor.u32 s15, v12;
	v6 =	vand.u32 $0x2F, v6;
	v5 =	vand.u32 $0xFFFFFC00, v5  }
0x17: {  	s31 =	sor.u32 $0x50, s1;
	s20 =	sor.u32 $0x58, s1;
	v11 =	vadd.s32 s18, v12;
	v5 =	vor.u32 v5, v6;
	v6 =	vsel vm2, $0x0, v7  }
0x18: {  	v13 =	vor.u32 s31, v12;
	v14 =	vadd.s32 s20, v12;
	v7 =	vshll.u32 v6, $0x3  }
0x19: {  	s25 =	sor.u32 $0x68, s1;
	v8 =	vsel vm2, $0x0, v8;
	v6 =	vand.u32 $0x3F, v6;
	v7 =	vand.u32 $0xFFFFFC00, v7  }
0x1a: {  	s3 =	rddreg [dreg:$0x2];
	s21 =	sshll.u32 s14, $0x9;
	v18 =	vadd.s32 s25, v12;
	v6 =	vor.u32 v7, v6;
	v7 =	vshll.u32 v8, $0x3  }
0x1b: {  	s19 =	sshll.u32 s15, $0x9;
	s15 =	sadd.s32 s3, s21;
	s21 =	sor.u32 $0x60, s1;
	v9 =	vsel vm2, $0x0, v9;
	v8 =	vand.u32 $0x3F, v8;
	v7 =	vand.u32 $0xFFFFFC00, v7  }
0x1c: {  	s6 =	rddreg [dreg:$0x1];
	v16 =	vor.u32 s21, v12;
	v7 =	vor.u32 v7, v8;
	v8 =	vshll.u32 v9, $0x3  }
0x1d: {  	s4 =	simm.s32 $0x0;
	s28 =	simm.s32 $0x10000;
	s30 =	simm.s32 $0x3;
	v11 =	vsel vm2, $0x0, v11;
	v9 =	vand.u32 $0x7F, v9;
	v8 =	vand.u32 $0xFFFFFC00, v8  }
0x1e: {  	[smem:$0x7FF] =	sst s4;
	s29 =	sadd.s32 $0x200000, s3;
	s2 =	ssub.s32 $0x2, s2;
	v13 =	vsel vm2, $0x0, v13;
	v8 =	vor.u32 v8, v9;
	v9 =	vsel vm2, $0x0, v10  }
0x1f: {  	_ =	strace $0x80000047;
	[dreg:$0x4] =	wrdreg s29;
	s1 =	sor.u32 $0x70, s1;
	v16 =	vsel vm2, $0x0, v16;
	v18 =	vsel vm2, $0x0, v18;
	v10 =	vshll.u32 v9, $0x3  }
0x20: {  	s9 =	sshrl.u32 s2, $0x1;
	p0 =	seq.s32 s0, $0x0;
	s26 =	sshll.u32 s0, $0x10;
	v12 =	vor.u32 s1, v12;
	v9 =	vand.u32 $0x4F, v9;
	v10 =	vand.u32 $0xFFFFFC00, v10  }
0x21: {  	p2 =	seq.s32 s0, $0x1F;
	p1 =	sne.s32 s0, $0x1F;
	s2 =	ssub.s32 s2, s9;
	v1 =	vor.u32 v15, v1;
	v9 =	vor.u32 v10, v9;
	v10 =	vshll.u32 v11, $0x3  }
0x22: {  	p3 =	sne.s32 @!p2 s0, $0x0;
	s9 =	sshrl.u32 s5, $0x3;
	s5 =	simm.s32 $0x18008;
	v19 =	vsel vm2, $0x0, v12;
	v11 =	vand.u32 $0x5F, v11;
	v10 =	vand.u32 $0xFFFFFC00, v10  }
0x23: {  	s16 =	sshll.u32 s7, $0x9;
	s17 =	sshll.u32 s8, $0x9;
	s7 =	sadd.s32 s3, s26;
	v2 =	vor.u32 v15, v2;
	v10 =	vor.u32 v10, v11;
	v11 =	vshll.u32 v13, $0x3  }
0x24: {  	s11 =	sshll.u32 s11, $0x9;
	s12 =	sshll.u32 s12, $0x9;
	s13 =	sshll.u32 s13, $0x9;
	v3 =	vor.u32 v15, v3;
	v13 =	vand.u32 $0x5F, v13;
	v11 =	vand.u32 $0xFFFFFC00, v11  }
0x25: {  	s10 =	sshll.u32 s10, $0x9;
	s22 =	sshll.u32 s18, $0x9;
	s23 =	sshll.u32 s31, $0x9;
	v4 =	vor.u32 v15, v4;
	v11 =	vor.u32 v11, v13;
	v13 =	vsel vm2, $0x0, v14  }
0x26: {  	s24 =	sshll.u32 s20, $0x9;
	s29 =	sshll.u32 s25, $0x9;
	s25 =	simm.s32 $0x4;
	v5 =	vor.u32 v15, v5;
	v6 =	vor.u32 v15, v6;
	v14 =	vshll.u32 v13, $0x3  }
0x27: {  	p2 =	por p2, !p3;
	s9 =	simm.s32 @p0 $0x0;
	s5 =	simm.s32 @!p0 $0x18000;
	v7 =	vor.u32 v15, v7;
	v13 =	vand.u32 $0x7F, v13;
	v14 =	vand.u32 $0xFFFFFC00, v14  }
0x28: {  	s11 =	sadd.s32 s3, s11;
	s12 =	sadd.s32 s3, s12;
	s13 =	sadd.s32 s3, s13;
	v8 =	vor.u32 v15, v8;
	v13 =	vor.u32 v14, v13;
	v14 =	vshll.u32 v16, $0x3  }
0x29: {  	s14 =	sadd.s32 s3, s10;
	s18 =	sadd.s32 s3, s23;
	s23 =	sadd.s32 $0xF000, s7;
	v9 =	vor.u32 v15, v9;
	v16 =	vand.u32 $0x6F, v16;
	v14 =	vand.u32 $0xFFFFFC00, v14  }
0x2a: {  	p0 =	sne.s32 s0, $0x0;
	s0 =	simm.s32 $0x2;
	s6 =	sadd.s32 s6, s9;
	v10 =	vor.u32 v15, v10;
	v14 =	vor.u32 v14, v16;
	v16 =	vshll.u32 v18, $0x3  }
.Ltmp0:
0x2b: {  	s9 =	sadd.s32 s3, s17;
	s17 =	sadd.s32 s3, s22;
	vm2 =	vcmask $0x1F1C;
	v18 =	vand.u32 $0x7F, v18;
	v16 =	vand.u32 $0xFFFFFC00, v16;
	(pc) =	sbr.rel .LBB2_1-.Ltmp0, $4  }
0x2c: {  	s26 =	sshll.u32 s21, $0x9;
	s21 =	sadd.s32 s3, s29;
	s31 =	sshll.u32 s1, $0x9;
	v11 =	vor.u32 v15, v11;
	v16 =	vor.u32 v16, v18;
	v18 =	vshll.u32 v19, $0x3  }
0x2d: {  	s20 =	sadd.s32 s3, s26;
	s26 =	simm.s32 $0x8000;
	s22 =	sadd.s32 s3, s31;
	v12 =	vor.u32 v15, v13;
	v19 =	vand.u32 $0x7F, v19;
	v18 =	vand.u32 $0xFFFFFC00, v18  }
0x2e: {  	s8 =	sadd.s32 s3, s16;
	s16 =	sadd.s32 s3, s19;
	s19 =	sadd.s32 s3, s24;
	v13 =	vor.u32 v15, v14;
	v14 =	vor.u32 v15, v16;
	v16 =	vor.u32 v18, v19  }
0x2f: {  	s24 =	smax.u32 s2, $0x1;
	s2 =	simm.s32 $0x1;
	s1 =	simm.s32 $0x0;
	v17 =	vsel vm2, $0xFFF, v17;
	v15 =	vor.u32 v15, v16;
	v16 =	vimm.f32 $0.0e+00  }
.LBB2_52:
0x30: {  	[tilespmem:s10+$0x18170] =	vst v16  }
0x31: {  	[tilespmem:s10+$0x18100] =	vst v16  }
0x32: {  	[tilespmem:s10+$0x18110] =	vst v16  }
0x33: {  	[tilespmem:s10+$0x18120] =	vst v16  }
0x34: {  	[tilespmem:s10+$0x18130] =	vst v16  }
0x35: {  	[tilespmem:s10+$0x18140] =	vst v16  }
0x36: {  	[tilespmem:s10+$0x18150] =	vst v16  }
0x37: {  	[tilespmem:s10+$0x18160] =	vst v16  }
0x38: {  	v18 =	vld [tilespmem:$0x18080];
	_ =	sdelay $0x3  }
0x39: {  	s10 =	simm.s32 $0x18100  }
0x3a: {  	s3 =	rddreg [dreg:$0x4];
	s29 =	simm.s32 $0x80;
	s31 =	simm.s32 $0x400;
	[tilespmem:v17+s10+$0x0] =	vst.idx.msk vm2, v18  }
0x3b: {  	[hbm4b:s3+s29] =	stream.strided.scatter [tilespmem:s10], [sflag:$0x5], $0x1000, s31, s29, $0x38;
	[tilespmem:$0x19100] =	vst v63  }
.LBB2_53:
0x3c: {  	_ =	sdelay $0x1  }
0x3d: {  	_ =	swait.ge [sflag:s2], $0x8000  }
0x3e: {  	[sflag:s2] =	ssyncset.done $0x0  }
0x3f: {  	[sflag:s2] =	ssyncadd.s32 $0xFFFF8000  }
0x40: {  	[tilespmem:v0+s4+$0x0] =	vst.idx.msk vm1, v16  }
0x41: {  	v18 =	vld [tilespmem:$0x18018];
	_ =	sdelay $0x4  }
0x42: {  	s10 =	simm.s32 @!p0 $0x5;
	[tilespmem:v3+s4+$0x0] =	vst.idx.msk vm0, v18  }
0x43: {  	[hbm4b:s11+s4] =	stream.linear.scatter [tilespmem:s4], [sflag:$0x1], $0x8000, $0x38;
	[tilespmem:$0x19100] =	vst v63  }
0x44: {  	_ =	swait.ge @!p0 [sflag:s10], $0x1000  }
0x45: {  	[sflag:s10] =	ssyncset.done @!p0 $0x0  }
0x46: {  	s29 =	simm.s32 @!p0 $0x400;
	[sflag:s10] =	ssyncadd.s32 @!p0 $0xFFFFF000  }
0x47: {  	s3 =	simm.s32 @!p0 $0x18100;
	s10 =	simm.s32 @!p0 $0x80;
	s31 =	rddreg [dreg:$0x2]  }
0x48: {  	[hbm4b:s31+s10] =	stream.strided.scatter @!p0 [tilespmem:s3], [sflag:$0x5], $0x1000, s29, s10, $0x38;
	[tilespmem:$0x19100] =	vst v63  }
0x49: {  	_ =	swait.ge [sflag:s0], $0x8000  }
0x4a: {  	[sflag:s0] =	ssyncset.done $0x0  }
0x4b: {  	[sflag:s0] =	ssyncadd.s32 $0xFFFF8000  }
0x4c: {  	[tilespmem:v1+s26+$0x0] =	vst.idx.msk vm0, v16  }
0x4d: {  	v18 =	vld [tilespmem:$0x18020];
	_ =	sdelay $0x4  }
0x4e: {  	[tilespmem:v4+s26+$0x0] =	vst.idx.msk vm0, v18  }
0x4f: {  	[hbm4b:s12+s4] =	stream.linear.scatter [tilespmem:s26], [sflag:$0x2], $0x8000, $0x38;
	[tilespmem:$0x19100] =	vst v63  }
0x50: {  	_ =	swait.ge [sflag:s30], $0x8000  }
0x51: {  	[sflag:s30] =	ssyncset.done $0x0  }
0x52: {  	[sflag:s30] =	ssyncadd.s32 $0xFFFF8000  }
0x53: {  	[tilespmem:v2+s28+$0x0] =	vst.idx.msk vm0, v16  }
0x54: {  	v18 =	vld [tilespmem:$0x18028];
	_ =	sdelay $0x4  }
0x55: {  	[tilespmem:v5+s28+$0x0] =	vst.idx.msk vm0, v18  }
0x56: {  	[hbm4b:s13+s4] =	stream.linear.scatter [tilespmem:s28], [sflag:$0x3], $0x8000, $0x38;
	[tilespmem:$0x19100] =	vst v63  }
0x57: {  	_ =	swait.ge [sflag:s2], $0x8000  }
0x58: {  	[sflag:s2] =	ssyncset.done $0x0  }
0x59: {  	[sflag:s2] =	ssyncadd.s32 $0xFFFF8000  }
0x5a: {  	[tilespmem:v3+s4+$0x0] =	vst.idx.msk vm0, v16  }
0x5b: {  	v18 =	vld [tilespmem:$0x18030];
	_ =	sdelay $0x4  }
0x5c: {  	[tilespmem:v6+s4+$0x0] =	vst.idx.msk vm0, v18  }
0x5d: {  	[hbm4b:s14+s4] =	stream.linear.scatter [tilespmem:s4], [sflag:$0x1], $0x8000, $0x38;
	[tilespmem:$0x19100] =	vst v63  }
0x5e: {  	_ =	swait.ge [sflag:s0], $0x8000  }
0x5f: {  	[sflag:s0] =	ssyncset.done $0x0  }
0x60: {  	[sflag:s0] =	ssyncadd.s32 $0xFFFF8000  }
0x61: {  	[tilespmem:v4+s26+$0x0] =	vst.idx.msk vm0, v16  }
0x62: {  	v18 =	vld [tilespmem:$0x18038];
	_ =	sdelay $0x4  }
0x63: {  	[tilespmem:v7+s26+$0x0] =	vst.idx.msk vm0, v18  }
0x64: {  	[hbm4b:s15+s4] =	stream.linear.scatter [tilespmem:s26], [sflag:$0x2], $0x8000, $0x38;
	[tilespmem:$0x19100] =	vst v63  }
0x65: {  	_ =	swait.ge [sflag:s30], $0x8000  }
0x66: {  	[sflag:s30] =	ssyncset.done $0x0  }
0x67: {  	[sflag:s30] =	ssyncadd.s32 $0xFFFF8000  }
0x68: {  	[tilespmem:v5+s28+$0x0] =	vst.idx.msk vm0, v16  }
0x69: {  	v18 =	vld [tilespmem:$0x18040];
	_ =	sdelay $0x4  }
0x6a: {  	[tilespmem:v8+s28+$0x0] =	vst.idx.msk vm0, v18  }
0x6b: {  	[hbm4b:s16+s4] =	stream.linear.scatter [tilespmem:s28], [sflag:$0x3], $0x8000, $0x38;
	[tilespmem:$0x19100] =	vst v63  }
0x6c: {  	_ =	swait.ge [sflag:s2], $0x8000  }
0x6d: {  	[sflag:s2] =	ssyncset.done $0x0  }
0x6e: {  	[sflag:s2] =	ssyncadd.s32 $0xFFFF8000  }
0x6f: {  	[tilespmem:v6+s4+$0x0] =	vst.idx.msk vm0, v16  }
0x70: {  	v18 =	vld [tilespmem:$0x18048];
	_ =	sdelay $0x4  }
0x71: {  	[tilespmem:v9+s4+$0x0] =	vst.idx.msk vm0, v18  }
0x72: {  	[hbm4b:s17+s4] =	stream.linear.scatter [tilespmem:s4], [sflag:$0x1], $0x8000, $0x38;
	[tilespmem:$0x19100] =	vst v63  }
0x73: {  	_ =	swait.ge [sflag:s0], $0x8000  }
0x74: {  	[sflag:s0] =	ssyncset.done $0x0  }
0x75: {  	[sflag:s0] =	ssyncadd.s32 $0xFFFF8000  }
0x76: {  	[tilespmem:v7+s26+$0x0] =	vst.idx.msk vm0, v16  }
0x77: {  	v18 =	vld [tilespmem:$0x18050];
	_ =	sdelay $0x4  }
0x78: {  	[tilespmem:v10+s26+$0x0] =	vst.idx.msk vm0, v18  }
0x79: {  	[hbm4b:s18+s4] =	stream.linear.scatter [tilespmem:s26], [sflag:$0x2], $0x8000, $0x38;
	[tilespmem:$0x19100] =	vst v63  }
0x7a: {  	_ =	swait.ge [sflag:s30], $0x8000  }
0x7b: {  	[sflag:s30] =	ssyncset.done $0x0  }
0x7c: {  	[sflag:s30] =	ssyncadd.s32 $0xFFFF8000  }
0x7d: {  	[tilespmem:v8+s28+$0x0] =	vst.idx.msk vm0, v16  }
0x7e: {  	v18 =	vld [tilespmem:$0x18058];
	_ =	sdelay $0x4  }
0x7f: {  	[tilespmem:v11+s28+$0x0] =	vst.idx.msk vm0, v18  }
0x80: {  	[hbm4b:s19+s4] =	stream.linear.scatter [tilespmem:s28], [sflag:$0x3], $0x8000, $0x38;
	[tilespmem:$0x19100] =	vst v63  }
0x81: {  	_ =	swait.ge [sflag:s2], $0x8000  }
0x82: {  	[sflag:s2] =	ssyncset.done $0x0  }
0x83: {  	[sflag:s2] =	ssyncadd.s32 $0xFFFF8000  }
0x84: {  	[tilespmem:v9+s4+$0x0] =	vst.idx.msk vm0, v16  }
0x85: {  	v18 =	vld [tilespmem:$0x18060];
	_ =	sdelay $0x4  }
0x86: {  	[tilespmem:v12+s4+$0x0] =	vst.idx.msk vm0, v18  }
0x87: {  	[hbm4b:s20+s4] =	stream.linear.scatter [tilespmem:s4], [sflag:$0x1], $0x8000, $0x38;
	[tilespmem:$0x19100] =	vst v63  }
0x88: {  	_ =	swait.ge [sflag:s0], $0x8000  }
0x89: {  	[sflag:s0] =	ssyncset.done $0x0  }
0x8a: {  	[sflag:s0] =	ssyncadd.s32 $0xFFFF8000  }
0x8b: {  	[tilespmem:v10+s26+$0x0] =	vst.idx.msk vm0, v16  }
0x8c: {  	v18 =	vld [tilespmem:$0x18068];
	_ =	sdelay $0x4  }
0x8d: {  	[tilespmem:v13+s26+$0x0] =	vst.idx.msk vm0, v18  }
0x8e: {  	[hbm4b:s21+s4] =	stream.linear.scatter [tilespmem:s26], [sflag:$0x2], $0x8000, $0x38;
	[tilespmem:$0x19100] =	vst v63  }
0x8f: {  	_ =	swait.ge [sflag:s30], $0x8000  }
0x90: {  	[sflag:s30] =	ssyncset.done $0x0  }
0x91: {  	[sflag:s30] =	ssyncadd.s32 $0xFFFF8000  }
0x92: {  	[tilespmem:v11+s28+$0x0] =	vst.idx.msk vm0, v16  }
0x93: {  	v18 =	vld [tilespmem:$0x18070];
	_ =	sdelay $0x4  }
0x94: {  	[tilespmem:v14+s28+$0x0] =	vst.idx.msk vm0, v18  }
0x95: {  	[hbm4b:s22+s4] =	stream.linear.scatter [tilespmem:s28], [sflag:$0x3], $0x8000, $0x38;
	[tilespmem:$0x19100] =	vst v63  }
0x96: {  	_ =	swait.ge [sflag:s2], $0x8000  }
0x97: {  	[sflag:s2] =	ssyncset.done $0x0  }
0x98: {  	[sflag:s2] =	ssyncadd.s32 $0xFFFF8000  }
0x99: {  	[tilespmem:v12+s4+$0x0] =	vst.idx.msk vm0, v16  }
0x9a: {  	v18 =	vld [tilespmem:$0x18078];
	_ =	sdelay $0x4  }
0x9b: {  	[tilespmem:v15+s4+$0x0] =	vst.idx.msk vm0, v18  }
0x9c: {  	[hbm4b:s23+s4] =	stream.linear.scatter [tilespmem:s4], [sflag:$0x1], $0x8000, $0x38;
	[tilespmem:$0x19100] =	vst v63  }
0x9d: {  	_ =	swait.ge [sflag:s2], $0x8000  }
0x9e: {  	[sflag:s2] =	ssyncset.done $0x0  }
0x9f: {  	[sflag:s2] =	ssyncadd.s32 $0xFFFF8000  }
0xa0: {  	_ =	swait.ge [sflag:s0], $0x8000  }
0xa1: {  	[sflag:s0] =	ssyncset.done $0x0  }
0xa2: {  	s1 =	sadd.s32 $0x1, s1;
	[sflag:s0] =	ssyncadd.s32 $0xFFFF8000  }
0xa3: {  	p3 =	sne.s32 s1, s24;
	_ =	swait.ge [sflag:s30], $0x8000  }
.Ltmp1:
0xa4: {  	[sflag:s30] =	ssyncset.done $0x0;
	(pc) =	sbr.rel @!p3 .LBB2_54-.Ltmp1, $4  }
0xa5: {  	s3 =	simm.s32 @p2 $0x5;
	[sflag:s30] =	ssyncadd.s32 $0xFFFF8000  }
0xa6: {  	_ =	swait.ge @p2 [sflag:s3], $0x1000  }
0xa7: {  	[sflag:s3] =	ssyncset.done @p2 $0x0  }
0xa8: {  	[sflag:s3] =	ssyncadd.s32 @p2 $0xFFFFF000  }
.LBB2_1:
0xa9: {  	[tilespmem:s5], [sflag:$0x4] =	stream.linear.gather [hbm4b:s6+s4], $0x88, $0x38;
	[tilespmem:$0x19100] =	vst v63  }
0xaa: {  	s10 =	simm.s32 @!p0 $0x0;
	s29 =	simm.s32 @!p0 $0x18100;
	s3 =	rddreg [dreg:$0x0]  }
0xab: {  	[tilespmem:s29], [sflag:$0x5] =	stream.linear.gather @!p0 [hbm4b:s3+s10], $0x1000, $0x38;
	[tilespmem:$0x19100] =	vst v63  }
0xac: {  	s10 =	simm.s32 $0x0;
	s29 =	simm.s32 $0x1000  }
.LBB2_2:
0xad: {  	p3 =	sne.s32 s29, $0x1F000;
	[tilespmem:s10+$0x70] =	vst v16  }
0xae: {  	[tilespmem:s10+$0x0] =	vst v16  }
0xaf: {  	[tilespmem:s10+$0x10] =	vst v16  }
.Ltmp2:
0xb0: {  	[tilespmem:s10+$0x20] =	vst v16;
	(pc) =	sbr.rel @p3 .LBB2_2-.Ltmp2, $4  }
0xb1: {  	[tilespmem:s10+$0x30] =	vst v16  }
0xb2: {  	[tilespmem:s10+$0x40] =	vst v16  }
0xb3: {  	[tilespmem:s10+$0x50] =	vst v16  }
0xb4: {  	[tilespmem:s10+$0x60] =	vst v16;
	s10 =	sshra.s32 s29, $0x2;
	s29 =	sadd.s32 $0x1000, s29  }
0xb5: {  	[tilespmem:s10+$0x70] =	vst v16  }
0xb6: {  	[tilespmem:s10+$0x0] =	vst v16  }
0xb7: {  	[tilespmem:s10+$0x10] =	vst v16  }
0xb8: {  	[tilespmem:s10+$0x20] =	vst v16  }
0xb9: {  	[tilespmem:s10+$0x30] =	vst v16  }
0xba: {  	[tilespmem:s10+$0x40] =	vst v16  }
0xbb: {  	[tilespmem:s10+$0x50] =	vst v16  }
0xbc: {  	[tilespmem:s10+$0x60] =	vst v16;
	s10 =	simm.s32 $0x0;
	s29 =	simm.s32 $0x1000  }
.LBB2_4:
0xbd: {  	p3 =	sne.s32 s29, $0x1F000;
	[tilespmem:s10+$0xF0] =	vst v16  }
0xbe: {  	[tilespmem:s10+$0x80] =	vst v16  }
0xbf: {  	[tilespmem:s10+$0x90] =	vst v16  }
.Ltmp3:
0xc0: {  	[tilespmem:s10+$0xA0] =	vst v16;
	(pc) =	sbr.rel @p3 .LBB2_4-.Ltmp3, $4  }
0xc1: {  	[tilespmem:s10+$0xB0] =	vst v16  }
0xc2: {  	[tilespmem:s10+$0xC0] =	vst v16  }
0xc3: {  	[tilespmem:s10+$0xD0] =	vst v16  }
0xc4: {  	[tilespmem:s10+$0xE0] =	vst v16;
	s10 =	sshra.s32 s29, $0x2;
	s29 =	sadd.s32 $0x1000, s29  }
0xc5: {  	[tilespmem:s10+$0xF0] =	vst v16  }
0xc6: {  	[tilespmem:s10+$0x80] =	vst v16  }
0xc7: {  	[tilespmem:s10+$0x90] =	vst v16  }
0xc8: {  	[tilespmem:s10+$0xA0] =	vst v16  }
0xc9: {  	[tilespmem:s10+$0xB0] =	vst v16  }
0xca: {  	[tilespmem:s10+$0xC0] =	vst v16  }
0xcb: {  	[tilespmem:s10+$0xD0] =	vst v16  }
0xcc: {  	[tilespmem:s10+$0xE0] =	vst v16;
	s10 =	simm.s32 $0x0;
	s29 =	simm.s32 $0x1000  }
.LBB2_6:
0xcd: {  	p3 =	sne.s32 s29, $0x1F000;
	[tilespmem:s10+$0x170] =	vst v16  }
0xce: {  	[tilespmem:s10+$0x100] =	vst v16  }
0xcf: {  	[tilespmem:s10+$0x110] =	vst v16  }
.Ltmp4:
0xd0: {  	[tilespmem:s10+$0x120] =	vst v16;
	(pc) =	sbr.rel @p3 .LBB2_6-.Ltmp4, $4  }
0xd1: {  	[tilespmem:s10+$0x130] =	vst v16  }
0xd2: {  	[tilespmem:s10+$0x140] =	vst v16  }
0xd3: {  	[tilespmem:s10+$0x150] =	vst v16  }
0xd4: {  	[tilespmem:s10+$0x160] =	vst v16;
	s10 =	sshra.s32 s29, $0x2;
	s29 =	sadd.s32 $0x1000, s29  }
0xd5: {  	[tilespmem:s10+$0x170] =	vst v16  }
0xd6: {  	[tilespmem:s10+$0x100] =	vst v16  }
0xd7: {  	[tilespmem:s10+$0x110] =	vst v16  }
0xd8: {  	[tilespmem:s10+$0x120] =	vst v16  }
0xd9: {  	[tilespmem:s10+$0x130] =	vst v16  }
0xda: {  	[tilespmem:s10+$0x140] =	vst v16  }
0xdb: {  	[tilespmem:s10+$0x150] =	vst v16  }
0xdc: {  	[tilespmem:s10+$0x160] =	vst v16;
	s10 =	simm.s32 $0x0;
	s29 =	simm.s32 $0x1000  }
.LBB2_8:
0xdd: {  	p3 =	sne.s32 s29, $0x1F000;
	[tilespmem:s10+$0x1F0] =	vst v16  }
0xde: {  	[tilespmem:s10+$0x180] =	vst v16  }
0xdf: {  	[tilespmem:s10+$0x190] =	vst v16  }
.Ltmp5:
0xe0: {  	[tilespmem:s10+$0x1A0] =	vst v16;
	(pc) =	sbr.rel @p3 .LBB2_8-.Ltmp5, $4  }
0xe1: {  	[tilespmem:s10+$0x1B0] =	vst v16  }
0xe2: {  	[tilespmem:s10+$0x1C0] =	vst v16  }
0xe3: {  	[tilespmem:s10+$0x1D0] =	vst v16  }
0xe4: {  	[tilespmem:s10+$0x1E0] =	vst v16;
	s10 =	sshra.s32 s29, $0x2;
	s29 =	sadd.s32 $0x1000, s29  }
0xe5: {  	[tilespmem:s10+$0x1F0] =	vst v16  }
0xe6: {  	[tilespmem:s10+$0x180] =	vst v16  }
0xe7: {  	[tilespmem:s10+$0x190] =	vst v16  }
0xe8: {  	[tilespmem:s10+$0x1A0] =	vst v16  }
0xe9: {  	[tilespmem:s10+$0x1B0] =	vst v16  }
0xea: {  	[tilespmem:s10+$0x1C0] =	vst v16  }
0xeb: {  	[tilespmem:s10+$0x1D0] =	vst v16  }
0xec: {  	[tilespmem:s10+$0x1E0] =	vst v16;
	s10 =	simm.s32 $0x0;
	s29 =	simm.s32 $0x1000  }
.LBB2_10:
0xed: {  	p3 =	sne.s32 s29, $0x1F000;
	[tilespmem:s10+$0x270] =	vst v16  }
0xee: {  	[tilespmem:s10+$0x200] =	vst v16  }
0xef: {  	[tilespmem:s10+$0x210] =	vst v16  }
.Ltmp6:
0xf0: {  	[tilespmem:s10+$0x220] =	vst v16;
	(pc) =	sbr.rel @p3 .LBB2_10-.Ltmp6, $4  }
0xf1: {  	[tilespmem:s10+$0x230] =	vst v16  }
0xf2: {  	[tilespmem:s10+$0x240] =	vst v16  }
0xf3: {  	[tilespmem:s10+$0x250] =	vst v16  }
0xf4: {  	[tilespmem:s10+$0x260] =	vst v16;
	s10 =	sshra.s32 s29, $0x2;
	s29 =	sadd.s32 $0x1000, s29  }
0xf5: {  	[tilespmem:s10+$0x270] =	vst v16  }
0xf6: {  	[tilespmem:s10+$0x200] =	vst v16  }
0xf7: {  	[tilespmem:s10+$0x210] =	vst v16  }
0xf8: {  	[tilespmem:s10+$0x220] =	vst v16  }
0xf9: {  	[tilespmem:s10+$0x230] =	vst v16  }
0xfa: {  	[tilespmem:s10+$0x240] =	vst v16  }
0xfb: {  	[tilespmem:s10+$0x250] =	vst v16  }
0xfc: {  	[tilespmem:s10+$0x260] =	vst v16;
	s10 =	simm.s32 $0x0;
	s29 =	simm.s32 $0x1000  }
.LBB2_12:
0xfd: {  	p3 =	sne.s32 s29, $0x1F000;
	[tilespmem:s10+$0x2F0] =	vst v16  }
0xfe: {  	[tilespmem:s10+$0x280] =	vst v16  }
0xff: {  	[tilespmem:s10+$0x290] =	vst v16  }
.Ltmp7:
0x100: {  	[tilespmem:s10+$0x2A0] =	vst v16;
	(pc) =	sbr.rel @p3 .LBB2_12-.Ltmp7, $4  }
0x101: {  	[tilespmem:s10+$0x2B0] =	vst v16  }
0x102: {  	[tilespmem:s10+$0x2C0] =	vst v16  }
0x103: {  	[tilespmem:s10+$0x2D0] =	vst v16  }
0x104: {  	[tilespmem:s10+$0x2E0] =	vst v16;
	s10 =	sshra.s32 s29, $0x2;
	s29 =	sadd.s32 $0x1000, s29  }
0x105: {  	[tilespmem:s10+$0x2F0] =	vst v16  }
0x106: {  	[tilespmem:s10+$0x280] =	vst v16  }
0x107: {  	[tilespmem:s10+$0x290] =	vst v16  }
0x108: {  	[tilespmem:s10+$0x2A0] =	vst v16  }
0x109: {  	[tilespmem:s10+$0x2B0] =	vst v16  }
0x10a: {  	[tilespmem:s10+$0x2C0] =	vst v16  }
0x10b: {  	[tilespmem:s10+$0x2D0] =	vst v16  }
0x10c: {  	[tilespmem:s10+$0x2E0] =	vst v16;
	s10 =	simm.s32 $0x0;
	s29 =	simm.s32 $0x1000  }
.LBB2_14:
0x10d: {  	p3 =	sne.s32 s29, $0x1F000;
	[tilespmem:s10+$0x370] =	vst v16  }
0x10e: {  	[tilespmem:s10+$0x300] =	vst v16  }
0x10f: {  	[tilespmem:s10+$0x310] =	vst v16  }
.Ltmp8:
0x110: {  	[tilespmem:s10+$0x320] =	vst v16;
	(pc) =	sbr.rel @p3 .LBB2_14-.Ltmp8, $4  }
0x111: {  	[tilespmem:s10+$0x330] =	vst v16  }
0x112: {  	[tilespmem:s10+$0x340] =	vst v16  }
0x113: {  	[tilespmem:s10+$0x350] =	vst v16  }
0x114: {  	[tilespmem:s10+$0x360] =	vst v16;
	s10 =	sshra.s32 s29, $0x2;
	s29 =	sadd.s32 $0x1000, s29  }
0x115: {  	[tilespmem:s10+$0x370] =	vst v16  }
0x116: {  	[tilespmem:s10+$0x300] =	vst v16  }
0x117: {  	[tilespmem:s10+$0x310] =	vst v16  }
0x118: {  	[tilespmem:s10+$0x320] =	vst v16  }
0x119: {  	[tilespmem:s10+$0x330] =	vst v16  }
0x11a: {  	[tilespmem:s10+$0x340] =	vst v16  }
0x11b: {  	[tilespmem:s10+$0x350] =	vst v16  }
0x11c: {  	[tilespmem:s10+$0x360] =	vst v16;
	s10 =	simm.s32 $0x0;
	s29 =	simm.s32 $0x1000  }
.LBB2_16:
0x11d: {  	p3 =	sne.s32 s29, $0x1F000;
	[tilespmem:s10+$0x3F0] =	vst v16  }
0x11e: {  	[tilespmem:s10+$0x380] =	vst v16  }
0x11f: {  	[tilespmem:s10+$0x390] =	vst v16  }
.Ltmp9:
0x120: {  	[tilespmem:s10+$0x3A0] =	vst v16;
	(pc) =	sbr.rel @p3 .LBB2_16-.Ltmp9, $4  }
0x121: {  	[tilespmem:s10+$0x3B0] =	vst v16  }
0x122: {  	[tilespmem:s10+$0x3C0] =	vst v16  }
0x123: {  	[tilespmem:s10+$0x3D0] =	vst v16  }
0x124: {  	[tilespmem:s10+$0x3E0] =	vst v16;
	s10 =	sshra.s32 s29, $0x2;
	s29 =	sadd.s32 $0x1000, s29  }
0x125: {  	[tilespmem:s10+$0x3F0] =	vst v16  }
0x126: {  	[tilespmem:s10+$0x380] =	vst v16  }
0x127: {  	[tilespmem:s10+$0x390] =	vst v16  }
0x128: {  	[tilespmem:s10+$0x3A0] =	vst v16  }
0x129: {  	[tilespmem:s10+$0x3B0] =	vst v16  }
0x12a: {  	[tilespmem:s10+$0x3C0] =	vst v16  }
0x12b: {  	[tilespmem:s10+$0x3D0] =	vst v16  }
0x12c: {  	[tilespmem:s10+$0x3E0] =	vst v16  }
0x12d: {  	_ =	swait.ge [sflag:s25], $0x88  }
0x12e: {  	[sflag:s25] =	ssyncset.done $0x0  }
0x12f: {  	[sflag:s25] =	ssyncadd.s32 $0xFFFFFF78  }
0x130: {  	v18 =	vld [tilespmem:$0x18000];
	_ =	sdelay $0x3  }
0x131: {  	s31 =	simm.s32 $0x0  }
0x132: {  	s10 =	simm.s32 $0x0;
	s29 =	simm.s32 $0x1000;
	[tilespmem:v0+s31+$0x0] =	vst.idx.msk vm1, v18  }
0x133: {  	[hbm4b:s7+s31] =	stream.linear.scatter [tilespmem:s31], [sflag:$0x1], $0x8000, $0x38;
	[tilespmem:$0x19100] =	vst v63  }
.LBB2_18:
0x134: {  	p3 =	sne.s32 s29, $0x1F000;
	[tilespmem:s10+$0x8070] =	vst v16  }
0x135: {  	[tilespmem:s10+$0x8000] =	vst v16  }
0x136: {  	[tilespmem:s10+$0x8010] =	vst v16  }
.Ltmp10:
0x137: {  	[tilespmem:s10+$0x8020] =	vst v16;
	(pc) =	sbr.rel @p3 .LBB2_18-.Ltmp10, $4  }
0x138: {  	[tilespmem:s10+$0x8030] =	vst v16  }
0x139: {  	[tilespmem:s10+$0x8040] =	vst v16  }
0x13a: {  	[tilespmem:s10+$0x8050] =	vst v16  }
0x13b: {  	[tilespmem:s10+$0x8060] =	vst v16;
	s10 =	sshra.s32 s29, $0x2;
	s29 =	sadd.s32 $0x1000, s29  }
0x13c: {  	[tilespmem:s10+$0x8070] =	vst v16  }
0x13d: {  	[tilespmem:s10+$0x8000] =	vst v16  }
0x13e: {  	[tilespmem:s10+$0x8010] =	vst v16  }
0x13f: {  	[tilespmem:s10+$0x8020] =	vst v16  }
0x140: {  	[tilespmem:s10+$0x8030] =	vst v16  }
0x141: {  	[tilespmem:s10+$0x8040] =	vst v16  }
0x142: {  	[tilespmem:s10+$0x8050] =	vst v16  }
0x143: {  	[tilespmem:s10+$0x8060] =	vst v16;
	s10 =	simm.s32 $0x0;
	s29 =	simm.s32 $0x1000  }
.LBB2_20:
0x144: {  	p3 =	sne.s32 s29, $0x1F000;
	[tilespmem:s10+$0x80F0] =	vst v16  }
0x145: {  	[tilespmem:s10+$0x8080] =	vst v16  }
0x146: {  	[tilespmem:s10+$0x8090] =	vst v16  }
.Ltmp11:
0x147: {  	[tilespmem:s10+$0x80A0] =	vst v16;
	(pc) =	sbr.rel @p3 .LBB2_20-.Ltmp11, $4  }
0x148: {  	[tilespmem:s10+$0x80B0] =	vst v16  }
0x149: {  	[tilespmem:s10+$0x80C0] =	vst v16  }
0x14a: {  	[tilespmem:s10+$0x80D0] =	vst v16  }
0x14b: {  	[tilespmem:s10+$0x80E0] =	vst v16;
	s10 =	sshra.s32 s29, $0x2;
	s29 =	sadd.s32 $0x1000, s29  }
0x14c: {  	[tilespmem:s10+$0x80F0] =	vst v16  }
0x14d: {  	[tilespmem:s10+$0x8080] =	vst v16  }
0x14e: {  	[tilespmem:s10+$0x8090] =	vst v16  }
0x14f: {  	[tilespmem:s10+$0x80A0] =	vst v16  }
0x150: {  	[tilespmem:s10+$0x80B0] =	vst v16  }
0x151: {  	[tilespmem:s10+$0x80C0] =	vst v16  }
0x152: {  	[tilespmem:s10+$0x80D0] =	vst v16  }
0x153: {  	[tilespmem:s10+$0x80E0] =	vst v16;
	s10 =	simm.s32 $0x0;
	s29 =	simm.s32 $0x1000  }
.LBB2_22:
0x154: {  	p3 =	sne.s32 s29, $0x1F000;
	[tilespmem:s10+$0x8170] =	vst v16  }
0x155: {  	[tilespmem:s10+$0x8100] =	vst v16  }
0x156: {  	[tilespmem:s10+$0x8110] =	vst v16  }
.Ltmp12:
0x157: {  	[tilespmem:s10+$0x8120] =	vst v16;
	(pc) =	sbr.rel @p3 .LBB2_22-.Ltmp12, $4  }
0x158: {  	[tilespmem:s10+$0x8130] =	vst v16  }
0x159: {  	[tilespmem:s10+$0x8140] =	vst v16  }
0x15a: {  	[tilespmem:s10+$0x8150] =	vst v16  }
0x15b: {  	[tilespmem:s10+$0x8160] =	vst v16;
	s10 =	sshra.s32 s29, $0x2;
	s29 =	sadd.s32 $0x1000, s29  }
0x15c: {  	[tilespmem:s10+$0x8170] =	vst v16  }
0x15d: {  	[tilespmem:s10+$0x8100] =	vst v16  }
0x15e: {  	[tilespmem:s10+$0x8110] =	vst v16  }
0x15f: {  	[tilespmem:s10+$0x8120] =	vst v16  }
0x160: {  	[tilespmem:s10+$0x8130] =	vst v16  }
0x161: {  	[tilespmem:s10+$0x8140] =	vst v16  }
0x162: {  	[tilespmem:s10+$0x8150] =	vst v16  }
0x163: {  	[tilespmem:s10+$0x8160] =	vst v16;
	s10 =	simm.s32 $0x0;
	s29 =	simm.s32 $0x1000  }
.LBB2_24:
0x164: {  	p3 =	sne.s32 s29, $0x1F000;
	[tilespmem:s10+$0x81F0] =	vst v16  }
0x165: {  	[tilespmem:s10+$0x8180] =	vst v16  }
0x166: {  	[tilespmem:s10+$0x8190] =	vst v16  }
.Ltmp13:
0x167: {  	[tilespmem:s10+$0x81A0] =	vst v16;
	(pc) =	sbr.rel @p3 .LBB2_24-.Ltmp13, $4  }
0x168: {  	[tilespmem:s10+$0x81B0] =	vst v16  }
0x169: {  	[tilespmem:s10+$0x81C0] =	vst v16  }
0x16a: {  	[tilespmem:s10+$0x81D0] =	vst v16  }
0x16b: {  	[tilespmem:s10+$0x81E0] =	vst v16;
	s10 =	sshra.s32 s29, $0x2;
	s29 =	sadd.s32 $0x1000, s29  }
0x16c: {  	[tilespmem:s10+$0x81F0] =	vst v16  }
0x16d: {  	[tilespmem:s10+$0x8180] =	vst v16  }
0x16e: {  	[tilespmem:s10+$0x8190] =	vst v16  }
0x16f: {  	[tilespmem:s10+$0x81A0] =	vst v16  }
0x170: {  	[tilespmem:s10+$0x81B0] =	vst v16  }
0x171: {  	[tilespmem:s10+$0x81C0] =	vst v16  }
0x172: {  	[tilespmem:s10+$0x81D0] =	vst v16  }
0x173: {  	[tilespmem:s10+$0x81E0] =	vst v16;
	s10 =	simm.s32 $0x0;
	s29 =	simm.s32 $0x1000  }
.LBB2_26:
0x174: {  	p3 =	sne.s32 s29, $0x1F000;
	[tilespmem:s10+$0x8270] =	vst v16  }
0x175: {  	[tilespmem:s10+$0x8200] =	vst v16  }
0x176: {  	[tilespmem:s10+$0x8210] =	vst v16  }
.Ltmp14:
0x177: {  	[tilespmem:s10+$0x8220] =	vst v16;
	(pc) =	sbr.rel @p3 .LBB2_26-.Ltmp14, $4  }
0x178: {  	[tilespmem:s10+$0x8230] =	vst v16  }
0x179: {  	[tilespmem:s10+$0x8240] =	vst v16  }
0x17a: {  	[tilespmem:s10+$0x8250] =	vst v16  }
0x17b: {  	[tilespmem:s10+$0x8260] =	vst v16;
	s10 =	sshra.s32 s29, $0x2;
	s29 =	sadd.s32 $0x1000, s29  }
0x17c: {  	[tilespmem:s10+$0x8270] =	vst v16  }
0x17d: {  	[tilespmem:s10+$0x8200] =	vst v16  }
0x17e: {  	[tilespmem:s10+$0x8210] =	vst v16  }
0x17f: {  	[tilespmem:s10+$0x8220] =	vst v16  }
0x180: {  	[tilespmem:s10+$0x8230] =	vst v16  }
0x181: {  	[tilespmem:s10+$0x8240] =	vst v16  }
0x182: {  	[tilespmem:s10+$0x8250] =	vst v16  }
0x183: {  	[tilespmem:s10+$0x8260] =	vst v16;
	s10 =	simm.s32 $0x0;
	s29 =	simm.s32 $0x1000  }
.LBB2_28:
0x184: {  	p3 =	sne.s32 s29, $0x1F000;
	[tilespmem:s10+$0x82F0] =	vst v16  }
0x185: {  	[tilespmem:s10+$0x8280] =	vst v16  }
0x186: {  	[tilespmem:s10+$0x8290] =	vst v16  }
.Ltmp15:
0x187: {  	[tilespmem:s10+$0x82A0] =	vst v16;
	(pc) =	sbr.rel @p3 .LBB2_28-.Ltmp15, $4  }
0x188: {  	[tilespmem:s10+$0x82B0] =	vst v16  }
0x189: {  	[tilespmem:s10+$0x82C0] =	vst v16  }
0x18a: {  	[tilespmem:s10+$0x82D0] =	vst v16  }
0x18b: {  	[tilespmem:s10+$0x82E0] =	vst v16;
	s10 =	sshra.s32 s29, $0x2;
	s29 =	sadd.s32 $0x1000, s29  }
0x18c: {  	[tilespmem:s10+$0x82F0] =	vst v16  }
0x18d: {  	[tilespmem:s10+$0x8280] =	vst v16  }
0x18e: {  	[tilespmem:s10+$0x8290] =	vst v16  }
0x18f: {  	[tilespmem:s10+$0x82A0] =	vst v16  }
0x190: {  	[tilespmem:s10+$0x82B0] =	vst v16  }
0x191: {  	[tilespmem:s10+$0x82C0] =	vst v16  }
0x192: {  	[tilespmem:s10+$0x82D0] =	vst v16  }
0x193: {  	[tilespmem:s10+$0x82E0] =	vst v16;
	s10 =	simm.s32 $0x0;
	s29 =	simm.s32 $0x1000  }
.LBB2_30:
0x194: {  	p3 =	sne.s32 s29, $0x1F000;
	[tilespmem:s10+$0x8370] =	vst v16  }
0x195: {  	[tilespmem:s10+$0x8300] =	vst v16  }
0x196: {  	[tilespmem:s10+$0x8310] =	vst v16  }
.Ltmp16:
0x197: {  	[tilespmem:s10+$0x8320] =	vst v16;
	(pc) =	sbr.rel @p3 .LBB2_30-.Ltmp16, $4  }
0x198: {  	[tilespmem:s10+$0x8330] =	vst v16  }
0x199: {  	[tilespmem:s10+$0x8340] =	vst v16  }
0x19a: {  	[tilespmem:s10+$0x8350] =	vst v16  }
0x19b: {  	[tilespmem:s10+$0x8360] =	vst v16;
	s10 =	sshra.s32 s29, $0x2;
	s29 =	sadd.s32 $0x1000, s29  }
0x19c: {  	[tilespmem:s10+$0x8370] =	vst v16  }
0x19d: {  	[tilespmem:s10+$0x8300] =	vst v16  }
0x19e: {  	[tilespmem:s10+$0x8310] =	vst v16  }
0x19f: {  	[tilespmem:s10+$0x8320] =	vst v16  }
0x1a0: {  	[tilespmem:s10+$0x8330] =	vst v16  }
0x1a1: {  	[tilespmem:s10+$0x8340] =	vst v16  }
0x1a2: {  	[tilespmem:s10+$0x8350] =	vst v16  }
0x1a3: {  	[tilespmem:s10+$0x8360] =	vst v16;
	s10 =	simm.s32 $0x0;
	s29 =	simm.s32 $0x1000  }
.LBB2_32:
0x1a4: {  	p3 =	sne.s32 s29, $0x1F000;
	[tilespmem:s10+$0x83F0] =	vst v16  }
0x1a5: {  	[tilespmem:s10+$0x8380] =	vst v16  }
0x1a6: {  	[tilespmem:s10+$0x8390] =	vst v16  }
.Ltmp17:
0x1a7: {  	[tilespmem:s10+$0x83A0] =	vst v16;
	(pc) =	sbr.rel @p3 .LBB2_32-.Ltmp17, $4  }
0x1a8: {  	[tilespmem:s10+$0x83B0] =	vst v16  }
0x1a9: {  	[tilespmem:s10+$0x83C0] =	vst v16  }
0x1aa: {  	[tilespmem:s10+$0x83D0] =	vst v16  }
0x1ab: {  	[tilespmem:s10+$0x83E0] =	vst v16;
	s10 =	sshra.s32 s29, $0x2;
	s29 =	sadd.s32 $0x1000, s29  }
0x1ac: {  	[tilespmem:s10+$0x83F0] =	vst v16  }
0x1ad: {  	[tilespmem:s10+$0x8380] =	vst v16  }
0x1ae: {  	[tilespmem:s10+$0x8390] =	vst v16  }
0x1af: {  	[tilespmem:s10+$0x83A0] =	vst v16  }
0x1b0: {  	[tilespmem:s10+$0x83B0] =	vst v16  }
0x1b1: {  	[tilespmem:s10+$0x83C0] =	vst v16  }
0x1b2: {  	[tilespmem:s10+$0x83D0] =	vst v16  }
0x1b3: {  	[tilespmem:s10+$0x83E0] =	vst v16  }
0x1b4: {  	v18 =	vld [tilespmem:$0x18008];
	_ =	sdelay $0x4  }
0x1b5: {  	s31 =	simm.s32 $0x0;
	s10 =	simm.s32 $0x0;
	s29 =	simm.s32 $0x1000;
	[tilespmem:v1+s26+$0x0] =	vst.idx.msk vm0, v18  }
0x1b6: {  	[hbm4b:s8+s31] =	stream.linear.scatter [tilespmem:s26], [sflag:$0x2], $0x8000, $0x38;
	[tilespmem:$0x19100] =	vst v63  }
.LBB2_34:
0x1b7: {  	p3 =	sne.s32 s29, $0x1F000;
	[tilespmem:s10+$0x10070] =	vst v16  }
0x1b8: {  	[tilespmem:s10+$0x10000] =	vst v16  }
0x1b9: {  	[tilespmem:s10+$0x10010] =	vst v16  }
.Ltmp18:
0x1ba: {  	[tilespmem:s10+$0x10020] =	vst v16;
	(pc) =	sbr.rel @p3 .LBB2_34-.Ltmp18, $4  }
0x1bb: {  	[tilespmem:s10+$0x10030] =	vst v16  }
0x1bc: {  	[tilespmem:s10+$0x10040] =	vst v16  }
0x1bd: {  	[tilespmem:s10+$0x10050] =	vst v16  }
0x1be: {  	[tilespmem:s10+$0x10060] =	vst v16;
	s10 =	sshra.s32 s29, $0x2;
	s29 =	sadd.s32 $0x1000, s29  }
0x1bf: {  	[tilespmem:s10+$0x10070] =	vst v16  }
0x1c0: {  	[tilespmem:s10+$0x10000] =	vst v16  }
0x1c1: {  	[tilespmem:s10+$0x10010] =	vst v16  }
0x1c2: {  	[tilespmem:s10+$0x10020] =	vst v16  }
0x1c3: {  	[tilespmem:s10+$0x10030] =	vst v16  }
0x1c4: {  	[tilespmem:s10+$0x10040] =	vst v16  }
0x1c5: {  	[tilespmem:s10+$0x10050] =	vst v16  }
0x1c6: {  	[tilespmem:s10+$0x10060] =	vst v16;
	s10 =	simm.s32 $0x0;
	s29 =	simm.s32 $0x1000  }
.LBB2_36:
0x1c7: {  	p3 =	sne.s32 s29, $0x1F000;
	[tilespmem:s10+$0x100F0] =	vst v16  }
0x1c8: {  	[tilespmem:s10+$0x10080] =	vst v16  }
0x1c9: {  	[tilespmem:s10+$0x10090] =	vst v16  }
.Ltmp19:
0x1ca: {  	[tilespmem:s10+$0x100A0] =	vst v16;
	(pc) =	sbr.rel @p3 .LBB2_36-.Ltmp19, $4  }
0x1cb: {  	[tilespmem:s10+$0x100B0] =	vst v16  }
0x1cc: {  	[tilespmem:s10+$0x100C0] =	vst v16  }
0x1cd: {  	[tilespmem:s10+$0x100D0] =	vst v16  }
0x1ce: {  	[tilespmem:s10+$0x100E0] =	vst v16;
	s10 =	sshra.s32 s29, $0x2;
	s29 =	sadd.s32 $0x1000, s29  }
0x1cf: {  	[tilespmem:s10+$0x100F0] =	vst v16  }
0x1d0: {  	[tilespmem:s10+$0x10080] =	vst v16  }
0x1d1: {  	[tilespmem:s10+$0x10090] =	vst v16  }
0x1d2: {  	[tilespmem:s10+$0x100A0] =	vst v16  }
0x1d3: {  	[tilespmem:s10+$0x100B0] =	vst v16  }
0x1d4: {  	[tilespmem:s10+$0x100C0] =	vst v16  }
0x1d5: {  	[tilespmem:s10+$0x100D0] =	vst v16  }
0x1d6: {  	[tilespmem:s10+$0x100E0] =	vst v16;
	s10 =	simm.s32 $0x0;
	s29 =	simm.s32 $0x1000  }
.LBB2_38:
0x1d7: {  	p3 =	sne.s32 s29, $0x1F000;
	[tilespmem:s10+$0x10170] =	vst v16  }
0x1d8: {  	[tilespmem:s10+$0x10100] =	vst v16  }
0x1d9: {  	[tilespmem:s10+$0x10110] =	vst v16  }
.Ltmp20:
0x1da: {  	[tilespmem:s10+$0x10120] =	vst v16;
	(pc) =	sbr.rel @p3 .LBB2_38-.Ltmp20, $4  }
0x1db: {  	[tilespmem:s10+$0x10130] =	vst v16  }
0x1dc: {  	[tilespmem:s10+$0x10140] =	vst v16  }
0x1dd: {  	[tilespmem:s10+$0x10150] =	vst v16  }
0x1de: {  	[tilespmem:s10+$0x10160] =	vst v16;
	s10 =	sshra.s32 s29, $0x2;
	s29 =	sadd.s32 $0x1000, s29  }
0x1df: {  	[tilespmem:s10+$0x10170] =	vst v16  }
0x1e0: {  	[tilespmem:s10+$0x10100] =	vst v16  }
0x1e1: {  	[tilespmem:s10+$0x10110] =	vst v16  }
0x1e2: {  	[tilespmem:s10+$0x10120] =	vst v16  }
0x1e3: {  	[tilespmem:s10+$0x10130] =	vst v16  }
0x1e4: {  	[tilespmem:s10+$0x10140] =	vst v16  }
0x1e5: {  	[tilespmem:s10+$0x10150] =	vst v16  }
0x1e6: {  	[tilespmem:s10+$0x10160] =	vst v16;
	s10 =	simm.s32 $0x0;
	s29 =	simm.s32 $0x1000  }
.LBB2_40:
0x1e7: {  	p3 =	sne.s32 s29, $0x1F000;
	[tilespmem:s10+$0x101F0] =	vst v16  }
0x1e8: {  	[tilespmem:s10+$0x10180] =	vst v16  }
0x1e9: {  	[tilespmem:s10+$0x10190] =	vst v16  }
.Ltmp21:
0x1ea: {  	[tilespmem:s10+$0x101A0] =	vst v16;
	(pc) =	sbr.rel @p3 .LBB2_40-.Ltmp21, $4  }
0x1eb: {  	[tilespmem:s10+$0x101B0] =	vst v16  }
0x1ec: {  	[tilespmem:s10+$0x101C0] =	vst v16  }
0x1ed: {  	[tilespmem:s10+$0x101D0] =	vst v16  }
0x1ee: {  	[tilespmem:s10+$0x101E0] =	vst v16;
	s10 =	sshra.s32 s29, $0x2;
	s29 =	sadd.s32 $0x1000, s29  }
0x1ef: {  	[tilespmem:s10+$0x101F0] =	vst v16  }
0x1f0: {  	[tilespmem:s10+$0x10180] =	vst v16  }
0x1f1: {  	[tilespmem:s10+$0x10190] =	vst v16  }
0x1f2: {  	[tilespmem:s10+$0x101A0] =	vst v16  }
0x1f3: {  	[tilespmem:s10+$0x101B0] =	vst v16  }
0x1f4: {  	[tilespmem:s10+$0x101C0] =	vst v16  }
0x1f5: {  	[tilespmem:s10+$0x101D0] =	vst v16  }
0x1f6: {  	[tilespmem:s10+$0x101E0] =	vst v16;
	s10 =	simm.s32 $0x0;
	s29 =	simm.s32 $0x1000  }
.LBB2_42:
0x1f7: {  	p3 =	sne.s32 s29, $0x1F000;
	[tilespmem:s10+$0x10270] =	vst v16  }
0x1f8: {  	[tilespmem:s10+$0x10200] =	vst v16  }
0x1f9: {  	[tilespmem:s10+$0x10210] =	vst v16  }
.Ltmp22:
0x1fa: {  	[tilespmem:s10+$0x10220] =	vst v16;
	(pc) =	sbr.rel @p3 .LBB2_42-.Ltmp22, $4  }
0x1fb: {  	[tilespmem:s10+$0x10230] =	vst v16  }
0x1fc: {  	[tilespmem:s10+$0x10240] =	vst v16  }
0x1fd: {  	[tilespmem:s10+$0x10250] =	vst v16  }
0x1fe: {  	[tilespmem:s10+$0x10260] =	vst v16;
	s10 =	sshra.s32 s29, $0x2;
	s29 =	sadd.s32 $0x1000, s29  }
0x1ff: {  	[tilespmem:s10+$0x10270] =	vst v16  }
0x200: {  	[tilespmem:s10+$0x10200] =	vst v16  }
0x201: {  	[tilespmem:s10+$0x10210] =	vst v16  }
0x202: {  	[tilespmem:s10+$0x10220] =	vst v16  }
0x203: {  	[tilespmem:s10+$0x10230] =	vst v16  }
0x204: {  	[tilespmem:s10+$0x10240] =	vst v16  }
0x205: {  	[tilespmem:s10+$0x10250] =	vst v16  }
0x206: {  	[tilespmem:s10+$0x10260] =	vst v16;
	s10 =	simm.s32 $0x0;
	s29 =	simm.s32 $0x1000  }
.LBB2_44:
0x207: {  	p3 =	sne.s32 s29, $0x1F000;
	[tilespmem:s10+$0x102F0] =	vst v16  }
0x208: {  	[tilespmem:s10+$0x10280] =	vst v16  }
0x209: {  	[tilespmem:s10+$0x10290] =	vst v16  }
.Ltmp23:
0x20a: {  	[tilespmem:s10+$0x102A0] =	vst v16;
	(pc) =	sbr.rel @p3 .LBB2_44-.Ltmp23, $4  }
0x20b: {  	[tilespmem:s10+$0x102B0] =	vst v16  }
0x20c: {  	[tilespmem:s10+$0x102C0] =	vst v16  }
0x20d: {  	[tilespmem:s10+$0x102D0] =	vst v16  }
0x20e: {  	[tilespmem:s10+$0x102E0] =	vst v16;
	s10 =	sshra.s32 s29, $0x2;
	s29 =	sadd.s32 $0x1000, s29  }
0x20f: {  	[tilespmem:s10+$0x102F0] =	vst v16  }
0x210: {  	[tilespmem:s10+$0x10280] =	vst v16  }
0x211: {  	[tilespmem:s10+$0x10290] =	vst v16  }
0x212: {  	[tilespmem:s10+$0x102A0] =	vst v16  }
0x213: {  	[tilespmem:s10+$0x102B0] =	vst v16  }
0x214: {  	[tilespmem:s10+$0x102C0] =	vst v16  }
0x215: {  	[tilespmem:s10+$0x102D0] =	vst v16  }
0x216: {  	[tilespmem:s10+$0x102E0] =	vst v16;
	s10 =	simm.s32 $0x0;
	s29 =	simm.s32 $0x1000  }
.LBB2_46:
0x217: {  	p3 =	sne.s32 s29, $0x1F000;
	[tilespmem:s10+$0x10370] =	vst v16  }
0x218: {  	[tilespmem:s10+$0x10300] =	vst v16  }
0x219: {  	[tilespmem:s10+$0x10310] =	vst v16  }
.Ltmp24:
0x21a: {  	[tilespmem:s10+$0x10320] =	vst v16;
	(pc) =	sbr.rel @p3 .LBB2_46-.Ltmp24, $4  }
0x21b: {  	[tilespmem:s10+$0x10330] =	vst v16  }
0x21c: {  	[tilespmem:s10+$0x10340] =	vst v16  }
0x21d: {  	[tilespmem:s10+$0x10350] =	vst v16  }
0x21e: {  	[tilespmem:s10+$0x10360] =	vst v16;
	s10 =	sshra.s32 s29, $0x2;
	s29 =	sadd.s32 $0x1000, s29  }
0x21f: {  	[tilespmem:s10+$0x10370] =	vst v16  }
0x220: {  	[tilespmem:s10+$0x10300] =	vst v16  }
0x221: {  	[tilespmem:s10+$0x10310] =	vst v16  }
0x222: {  	[tilespmem:s10+$0x10320] =	vst v16  }
0x223: {  	[tilespmem:s10+$0x10330] =	vst v16  }
0x224: {  	[tilespmem:s10+$0x10340] =	vst v16  }
0x225: {  	[tilespmem:s10+$0x10350] =	vst v16  }
0x226: {  	[tilespmem:s10+$0x10360] =	vst v16;
	s10 =	simm.s32 $0x0;
	s29 =	simm.s32 $0x1000  }
.LBB2_48:
0x227: {  	p3 =	sne.s32 s29, $0x1F000;
	[tilespmem:s10+$0x103F0] =	vst v16  }
0x228: {  	[tilespmem:s10+$0x10380] =	vst v16  }
0x229: {  	[tilespmem:s10+$0x10390] =	vst v16  }
.Ltmp25:
0x22a: {  	[tilespmem:s10+$0x103A0] =	vst v16;
	(pc) =	sbr.rel @p3 .LBB2_48-.Ltmp25, $4  }
0x22b: {  	[tilespmem:s10+$0x103B0] =	vst v16  }
0x22c: {  	[tilespmem:s10+$0x103C0] =	vst v16  }
0x22d: {  	[tilespmem:s10+$0x103D0] =	vst v16  }
0x22e: {  	[tilespmem:s10+$0x103E0] =	vst v16;
	s10 =	sshra.s32 s29, $0x2;
	s29 =	sadd.s32 $0x1000, s29  }
0x22f: {  	[tilespmem:s10+$0x103F0] =	vst v16  }
0x230: {  	[tilespmem:s10+$0x10380] =	vst v16  }
0x231: {  	[tilespmem:s10+$0x10390] =	vst v16  }
0x232: {  	[tilespmem:s10+$0x103A0] =	vst v16  }
0x233: {  	[tilespmem:s10+$0x103B0] =	vst v16  }
0x234: {  	[tilespmem:s10+$0x103C0] =	vst v16  }
0x235: {  	[tilespmem:s10+$0x103D0] =	vst v16  }
0x236: {  	[tilespmem:s10+$0x103E0] =	vst v16  }
0x237: {  	v18 =	vld [tilespmem:$0x18010];
	_ =	sdelay $0x1  }
.Ltmp26:
0x238: {  	_ = 	snop;
	(pc) =	sbr.rel @p1 .LBB2_53-.Ltmp26, $3  }
0x239: {  	_ =	sdelay $0x1  }
0x23a: {  	s29 =	simm.s32 $0x0;
	[tilespmem:v2+s28+$0x0] =	vst.idx.msk vm0, v18  }
0x23b: {  	[hbm4b:s9+s29] =	stream.linear.scatter [tilespmem:s28], [sflag:$0x3], $0x8000, $0x38;
	[tilespmem:$0x19100] =	vst v63  }
0x23c: {  	s10 =	sshra.s32 s29, $0x2;
	s29 =	sadd.s32 $0x200, s29  }
.LBB2_51:
0x23d: {  	p3 =	sne.s32 s29, $0x3E00;
	[tilespmem:s10+$0x18170] =	vst v16  }
0x23e: {  	[tilespmem:s10+$0x18100] =	vst v16  }
0x23f: {  	[tilespmem:s10+$0x18110] =	vst v16  }
.Ltmp27:
0x240: {  	[tilespmem:s10+$0x18120] =	vst v16;
	(pc) =	sbr.rel @p3 .LBB2_51-.Ltmp27, $4  }
0x241: {  	[tilespmem:s10+$0x18130] =	vst v16  }
0x242: {  	[tilespmem:s10+$0x18140] =	vst v16  }
0x243: {  	[tilespmem:s10+$0x18150] =	vst v16  }
0x244: {  	[tilespmem:s10+$0x18160] =	vst v16;
	s10 =	sshra.s32 s29, $0x2;
	s29 =	sadd.s32 $0x200, s29  }
.Ltmp28:
0x245: {  	_ = 	snop;
	(pc) =	sbr.rel .LBB2_52-.Ltmp28, $1  }
0x246: {  	_ =	sdelay $0x3  }
.LBB2_54:
0x247: {  	_ =	sfence.sel $0x180000  }
0x248: {  	[bflag:$0x0] =	sbarrier.arrive $0xFFFF  }
0x249: {  	_ =	strace $0x90000047  }
0x24a: {  	s0 =	stileid.u32;
	[bflag:$0x2] =	sbarrier.arrive $0xFFFF  }
0x24b: {  	p0 =	sne.s32 s0, $0x0;
	s0 =	rddreg [dreg:$0x3]  }
0x24c: {  	s0 =	sadd.s32 @!p0 $0x100000, s0  }
0x24d: {  	[sflag:s0] =	ssyncadd.tile.s32 @!p0 $0x1;
	_ =	shalt  }
.Lfunc_end2:
_tile_overlayer_lowered:
.L_overlay_start_2:
0x24e: {  	(tag) =	ssettag $0x2  }
0x24f: {  	s0 =	rddreg [dreg:$0x0];
	s2 =	stileid.u32  }
0x250: {  	s1 =	rddreg [dreg:$0x1];
	p0 =	sne.s32 s2, $0x0  }
0x251: {  	s3 =	rddreg [dreg:$0x2];
	[bflag:$0x3] =	sbarrier.arrive $0xFFFF;
	s2 =	simm.s32 @!p0 $0x1C06  }
0x252: {  	[timem:s3], [sflag:s2] =	dma.local @!p0 [hbm:s0], s1  }
0x253: {  	s0 =	simm.s32 @!p0 $0x6  }
0x254: {  	_ =	swait.ge @!p0 [sflag:s0], s1  }
0x255: {  	s1 =	ssub.s32 @!p0 $0x0, s1;
	[sflag:s0] =	ssyncset.done @!p0 $0x0  }
0x256: {  	[sflag:s0] =	ssyncadd.s32 @!p0 s1  }
0x257: {  	[bflag:$0x3] =	sbarrier.arrive $0xFFFF  }
0x258: {  	_ =	shalt  }

</sc_bundles>
